<compile_context>
chip_gen: v7x
topology: tpu7x:2x2x1
jax: 0.10.2.dev20260603
libtpu: 0.0.44.dev20260713+nightly
codegen_flags: <defaults>
</compile_context>

<pallas_src>
import functools

import jax
import jax.numpy as jnp
from jax import lax
from jax.experimental import pallas as pl
from jax.experimental.pallas import tpu as pltpu
from jax.experimental.pallas import tpu_sc as plsc

_N, _E, _D = 10000, 160000, 256
_HALF = _D // 2
_NS = 16
_EPT = _E // _NS
_K = 80
_NCHUNK = _EPT // _K
_ZC = _N // _K
_S = 3
_NOUT = _NCHUNK // _S
_NB = 5
_BSZ = _EPT // _NB


def _sc_body(h2, src3, dst3, out, acc, pk, stg, stg2,
             r0, r1, r2, gi0, gi1, gi2, si0, si1, si2,
             g0, g1, g2, s0, s1, s2):
    rows = [r0, r1, r2]
    gidx = [gi0, gi1, gi2]
    sidx = [si0, si1, si2]
    gs = [g0, g1, g2]
    ss = [s0, s1, s2]
    c = lax.axis_index("c")
    s = lax.axis_index("s")

    def _zrow(i, _):
        for j in range(_HALF // 16):
            r0[i, pl.ds(j * 16, 16)] = jnp.zeros((16,), jnp.float32)
        return 0
    lax.fori_loop(0, _K, _zrow, 0)

    nz = (_ZC - s + _NS - 1) // _NS

    def _zcopy(i, _):
        rr = pl.multiple_of((s + i * _NS) * _K, 8)
        pltpu.async_copy(r0, acc.at[pl.ds(rr, _K)], g0)
        return 0
    lax.fori_loop(0, nz, _zcopy, 0)

    pltpu.sync_copy(src3.at[s], pk)
    stgs = [stg, stg2]
    pltpu.async_copy(dst3.at[s * _NB], stg, g1)
    for k in range(_NB):
        sg = stgs[k % 2]
        pltpu.make_async_copy(dst3.at[s * _NB], sg, g1).wait()
        if k + 1 < _NB:
            pltpu.async_copy(dst3.at[s * _NB + k + 1], stgs[(k + 1) % 2], g1)

        def _pb(j, _):
            off = pl.multiple_of(j * 80, 16)
            po = pl.multiple_of(k * _BSZ, 16) + off
            for u in range(5):
                v = pk[pl.ds(po + u * 16, 16)]
                pk[pl.ds(po + u * 16, 16)] = (
                    ((v * 2 + c) << 16) | sg[pl.ds(off + u * 16, 16)])
            return 0
        lax.fori_loop(0, _BSZ // 80, _pb, 0)

    def _zdrain(i, _):
        pltpu.make_async_copy(r0, acc.at[pl.ds(0, _K)], g0).wait()
        return 0
    lax.fori_loop(0, nz, _zdrain, 0)
    plsc.subcore_barrier()

    def _unpack(ck, b):
        base = pl.multiple_of(ck * _K, 16)
        for j in range(_K // 16):
            v = pk[pl.ds(base + j * 16, 16)]
            gidx[b][pl.ds(j * 16, 16)] = v >> 16
            sidx[b][pl.ds(j * 16, 16)] = v & 0xFFFF

    _unpack(0, 0)
    pltpu.async_copy(h2.at[gi0], r0, g0)
    _unpack(1, 1)
    pltpu.async_copy(h2.at[gi1], r1, g1)

    def _gwait(b):
        pltpu.make_async_copy(h2.at[pl.ds(0, _K)], rows[b], gs[b]).wait()

    def _swait(b):
        pltpu.make_async_copy(h2.at[pl.ds(0, _K)], rows[b], ss[b]).wait()

    def _main(i, _):
        for b in range(_S):
            nb = (b + 2) % _S
            ck = i * _S + b
            _gwait(b)
            pltpu.async_copy(rows[b], acc.at[sidx[b]], ss[b], add=True)
            @pl.when(ck >= 1)
            def _():
                _swait(nb)
            @pl.when(ck + 2 < _NCHUNK)
            def _():
                _unpack(ck + 2, nb)
                pltpu.async_copy(h2.at[gidx[nb]], rows[nb], gs[nb])
        return 0
    lax.fori_loop(0, _NOUT, _main, 0)

    for ck in range(_NOUT * _S, _NCHUNK):
        b = ck % _S
        nb = (b + 2) % _S
        _gwait(b)
        pltpu.async_copy(rows[b], acc.at[sidx[b]], ss[b], add=True)
        _swait(nb)
    _swait((_NCHUNK - 1) % _S)
    plsc.subcore_barrier()

    def _wcopy(i, _):
        rr = pl.multiple_of((s + i * _NS) * _K, 8)
        pltpu.async_copy(acc.at[pl.ds(rr, _K)],
                         out.at[pl.ds(c * _N + rr, _K)], g0)
        return 0
    lax.fori_loop(0, nz, _wcopy, 0)

    def _wdrain(i, _):
        pltpu.make_async_copy(acc.at[pl.ds(0, _K)],
                              out.at[pl.ds(0, _K)], g0).wait()
        return 0
    lax.fori_loop(0, nz, _wdrain, 0)


@functools.cache
def _sc_aggregate():
    return pl.kernel(
        _sc_body,
        out_type=jax.ShapeDtypeStruct((2 * _N, _HALF), jnp.float32),
        mesh=plsc.VectorSubcoreMesh(core_axis_name="c", subcore_axis_name="s"),
        scratch_types=[
            pltpu.VMEM_SHARED((_N, _HALF), jnp.float32),
            pltpu.VMEM((_EPT,), jnp.int32),
            pltpu.VMEM((_BSZ,), jnp.int32),
            pltpu.VMEM((_BSZ,), jnp.int32),
        ] + [pltpu.VMEM((_K, _HALF), jnp.float32)] * _S
          + [pltpu.VMEM((_K,), jnp.int32)] * (2 * _S)
          + [pltpu.SemaphoreType.DMA] * (2 * _S),
    )


_BM = 1000


def _tc_body(x_ref, w_ref, b_ref, m_ref, ha_ref, o_ref):
    acc = lax.dot_general(x_ref[...], w_ref[...], (((1,), (1,)), ((), ())),
                          preferred_element_type=jnp.float32)
    acc = (acc + b_ref[...]) * m_ref[...]
    hh = jnp.concatenate([ha_ref[0], ha_ref[1]], axis=-1)
    o_ref[...] = jnp.tanh(acc + hh)


def _tc_update(x, W, b2, m2, ha3):
    return pl.pallas_call(
        _tc_body,
        grid=(_N // _BM,),
        in_specs=[
            pl.BlockSpec((_BM, _D), lambda i: (i, 0)),
            pl.BlockSpec((_D, _D), lambda i: (0, 0)),
            pl.BlockSpec((1, _D), lambda i: (0, 0)),
            pl.BlockSpec((_BM, 1), lambda i: (i, 0)),
            pl.BlockSpec((2, _BM, _HALF), lambda i: (0, i, 0)),
        ],
        out_specs=pl.BlockSpec((_BM, _D), lambda i: (i, 0)),
        out_shape=jax.ShapeDtypeStruct((_N, _D), jnp.float32),
    )(x, W, b2, m2, ha3)


@jax.jit
def kernel(x, x_mask, h, edge_index, W, b):
    src3 = edge_index[0].reshape(_NS, _EPT)
    dst3 = edge_index[1].reshape(_NS * _NB, _BSZ)
    h2 = h.reshape(2 * _N, _HALF)
    ha = _sc_aggregate()(h2, src3, dst3)
    ha3 = ha.reshape(2, _N, _HALF)
    b2 = b.reshape(1, _D)
    m2 = x_mask.reshape(_N, 1)
    return _tc_update(x, W, b2, m2, ha3)

# --- scband reference (transcript-rebuilt; emitter-appended) ---
"""Pipeline reference for scband-rnn-48206712930517 (READ-ONLY COPY).

The authoritative reference and input builder live on the scoring server;
editing this copy changes nothing except your own understanding.
"""

import jax, jax.numpy as jnp
import numpy as np

N, E, D = 10000, 160000, 256

def setup_inputs(seed: int = 0) -> dict:
    key = jax.random.key(seed)
    ks = jax.random.split(key, 6)
    x = jax.random.normal(ks[0], (N, D), dtype=jnp.float32)
    x_mask = jnp.ones((N,), dtype=jnp.float32)
    h = jax.random.normal(ks[1], (N, D), dtype=jnp.float32)
    edge_index = jax.random.randint(ks[2], (2, E), 0, N, dtype=jnp.int32)
    # input_module: nn.Linear(x_size=256, h_size=256, bias=True)
    limit = 1.0 / np.sqrt(D)
    W = jax.random.uniform(ks[3], (D, D), minval=-limit, maxval=limit, dtype=jnp.float32)
    b = jax.random.uniform(ks[4], (D,), minval=-limit, maxval=limit, dtype=jnp.float32)
    return {"x": x, "x_mask": x_mask, "h": h, "edge_index": edge_index, "W": W, "b": b}

def reference(x, x_mask, h, edge_index, W, b):
    # One DGL-style message-passing step of the tree RNN cell:
    # message_func: edges carry src hidden state h
    # reduce_func : aggregator over mailbox (sum aggregation over incoming neighbors)
    # apply_node_func: h = tanh(Linear(x) * x_mask + h_aggr)
    src = edge_index[0]
    dst = edge_index[1]
    msgs = jnp.take(h, src, axis=0)                      # gather (SparseCore-friendly)
    h_aggr = jax.ops.segment_sum(msgs, dst, num_segments=x.shape[0])  # scatter-add reduce
    out = x @ W.T + b                                    # input_module(x)
    out = out * x_mask[:, None]                          # mask leaf/internal inputs
    out = out + h_aggr                                   # h += h_aggr
    return jnp.tanh(out)

if __name__ == "__main__":
    import jax
    _d = setup_inputs()
    print(jax.jit(kernel)(*tuple(_d.values())))

</pallas_src>

<mosaic_0001>
#map = affine_map<(d0, d1) -> (0, 0)>
module attributes {stable_mosaic.version = 14 : i64} {
  func.func @_sc_body(%arg0: i32, %arg1: i32, %arg2: memref<20000x128xf32, #tpu.memory_space<hbm>>, %arg3: memref<16x10000xi32, #tpu.memory_space<hbm>>, %arg4: memref<80x2000xi32, #tpu.memory_space<hbm>>, %arg5: memref<20000x128xf32, #tpu.memory_space<hbm>>, %arg6: memref<10000x128xf32, #tpu.memory_space<vmem_shared>>, %arg7: memref<10000xi32, #tpu.memory_space<vmem>>, %arg8: memref<2000xi32, #tpu.memory_space<vmem>>, %arg9: memref<2000xi32, #tpu.memory_space<vmem>>, %arg10: memref<80x128xf32, #tpu.memory_space<vmem>>, %arg11: memref<80x128xf32, #tpu.memory_space<vmem>>, %arg12: memref<80x128xf32, #tpu.memory_space<vmem>>, %arg13: memref<80xi32, #tpu.memory_space<vmem>>, %arg14: memref<80xi32, #tpu.memory_space<vmem>>, %arg15: memref<80xi32, #tpu.memory_space<vmem>>, %arg16: memref<80xi32, #tpu.memory_space<vmem>>, %arg17: memref<80xi32, #tpu.memory_space<vmem>>, %arg18: memref<80xi32, #tpu.memory_space<vmem>>, %arg19: memref<!tpu.dma_semaphore, #tpu.memory_space<semaphore_mem>>, %arg20: memref<!tpu.dma_semaphore, #tpu.memory_space<semaphore_mem>>, %arg21: memref<!tpu.dma_semaphore, #tpu.memory_space<semaphore_mem>>, %arg22: memref<!tpu.dma_semaphore, #tpu.memory_space<semaphore_mem>>, %arg23: memref<!tpu.dma_semaphore, #tpu.memory_space<semaphore_mem>>, %arg24: memref<!tpu.dma_semaphore, #tpu.memory_space<semaphore_mem>>) attributes {dimension_semantics = [#tpu.dimension_semantics<core_parallel>, #tpu.dimension_semantics<subcore_parallel>], iteration_bounds = array<i64: 2, 16>, scalar_prefetch = 0 : i64, scratch_operands = 19 : i64, tpu.core_type = #tpu.core_type<sc_vector_subcore>, window_params = [{transform_indices = #map}, {transform_indices = #map}, {transform_indices = #map}, {transform_indices = #map}]} {
    %scan3A = arith.constant 0 : i32
    %scan3A_0 = arith.constant 0 : i32
    %scan3A_1 = arith.constant 80 : i32
    %scan3A_2 = arith.addi %scan3A_0, %scan3A_1 : i32
    %scan3A_3 = arith.constant 1 : i32
    %scan3A_4 = scf.for %scan3A_442 = %scan3A_0 to %scan3A_2 step %scan3A_3 iter_args(%scan3A_443 = %scan3A) -> (i32)  : i32 {
      %broadcast_in_dim3A = arith.constant 0.000000e+00 : f32
      %broadcast_in_dim3A_444 = vector.broadcast %broadcast_in_dim3A : f32 to vector<16xf32>
      %swap3A_445 = arith.index_cast %scan3A_442 : i32 to index
      %swap3A_446 = arith.constant 0 : index
      %swap3A_447 = tpu.vector_load %arg10[%swap3A_445, %swap3A_446] {strides = array<i32>} : memref<80x128xf32, #tpu.memory_space<vmem>>, vector<1x16xf32>,
      %swap3A_448 = vector.shape_cast %swap3A_447 : vector<1x16xf32> to vector<16xf32>
      %swap3A_449 = vector.shape_cast %broadcast_in_dim3A_444 : vector<16xf32> to vector<1x16xf32>
      tpu.vector_store %arg10[%swap3A_445, %swap3A_446], %swap3A_449 {strides = array<i32>} : memref<80x128xf32, #tpu.memory_space<vmem>>, vector<1x16xf32>,
      %broadcast_in_dim3A_450 = arith.constant 0.000000e+00 : f32
      %broadcast_in_dim3A_451 = vector.broadcast %broadcast_in_dim3A_450 : f32 to vector<16xf32>
      %swap3A_452 = arith.index_cast %scan3A_442 : i32 to index
      %swap3A_453 = arith.constant 16 : index
      %swap3A_454 = tpu.vector_load %arg10[%swap3A_452, %swap3A_453] {strides = array<i32>} : memref<80x128xf32, #tpu.memory_space<vmem>>, vector<1x16xf32>,
      %swap3A_455 = vector.shape_cast %swap3A_454 : vector<1x16xf32> to vector<16xf32>
      %swap3A_456 = vector.shape_cast %broadcast_in_dim3A_451 : vector<16xf32> to vector<1x16xf32>
      tpu.vector_store %arg10[%swap3A_452, %swap3A_453], %swap3A_456 {strides = array<i32>} : memref<80x128xf32, #tpu.memory_space<vmem>>, vector<1x16xf32>,
      %broadcast_in_dim3A_457 = arith.constant 0.000000e+00 : f32
      %broadcast_in_dim3A_458 = vector.broadcast %broadcast_in_dim3A_457 : f32 to vector<16xf32>
      %swap3A_459 = arith.index_cast %scan3A_442 : i32 to index
      %swap3A_460 = arith.constant 32 : index
      %swap3A_461 = tpu.vector_load %arg10[%swap3A_459, %swap3A_460] {strides = array<i32>} : memref<80x128xf32, #tpu.memory_space<vmem>>, vector<1x16xf32>,
      %swap3A_462 = vector.shape_cast %swap3A_461 : vector<1x16xf32> to vector<16xf32>
      %swap3A_463 = vector.shape_cast %broadcast_in_dim3A_458 : vector<16xf32> to vector<1x16xf32>
      tpu.vector_store %arg10[%swap3A_459, %swap3A_460], %swap3A_463 {strides = array<i32>} : memref<80x128xf32, #tpu.memory_space<vmem>>, vector<1x16xf32>,
      %broadcast_in_dim3A_464 = arith.constant 0.000000e+00 : f32
      %broadcast_in_dim3A_465 = vector.broadcast %broadcast_in_dim3A_464 : f32 to vector<16xf32>
      %swap3A_466 = arith.index_cast %scan3A_442 : i32 to index
      %swap3A_467 = arith.constant 48 : index
      %swap3A_468 = tpu.vector_load %arg10[%swap3A_466, %swap3A_467] {strides = array<i32>} : memref<80x128xf32, #tpu.memory_space<vmem>>, vector<1x16xf32>,
      %swap3A_469 = vector.shape_cast %swap3A_468 : vector<1x16xf32> to vector<16xf32>
      %swap3A_470 = vector.shape_cast %broadcast_in_dim3A_465 : vector<16xf32> to vector<1x16xf32>
      tpu.vector_store %arg10[%swap3A_466, %swap3A_467], %swap3A_470 {strides = array<i32>} : memref<80x128xf32, #tpu.memory_space<vmem>>, vector<1x16xf32>,
      %broadcast_in_dim3A_471 = arith.constant 0.000000e+00 : f32
      %broadcast_in_dim3A_472 = vector.broadcast %broadcast_in_dim3A_471 : f32 to vector<16xf32>
      %swap3A_473 = arith.index_cast %scan3A_442 : i32 to index
      %swap3A_474 = arith.constant 64 : index
      %swap3A_475 = tpu.vector_load %arg10[%swap3A_473, %swap3A_474] {strides = array<i32>} : memref<80x128xf32, #tpu.memory_space<vmem>>, vector<1x16xf32>,
      %swap3A_476 = vector.shape_cast %swap3A_475 : vector<1x16xf32> to vector<16xf32>
      %swap3A_477 = vector.shape_cast %broadcast_in_dim3A_472 : vector<16xf32> to vector<1x16xf32>
      tpu.vector_store %arg10[%swap3A_473, %swap3A_474], %swap3A_477 {strides = array<i32>} : memref<80x128xf32, #tpu.memory_space<vmem>>, vector<1x16xf32>,
      %broadcast_in_dim3A_478 = arith.constant 0.000000e+00 : f32
      %broadcast_in_dim3A_479 = vector.broadcast %broadcast_in_dim3A_478 : f32 to vector<16xf32>
      %swap3A_480 = arith.index_cast %scan3A_442 : i32 to index
      %swap3A_481 = arith.constant 80 : index
      %swap3A_482 = tpu.vector_load %arg10[%swap3A_480, %swap3A_481] {strides = array<i32>} : memref<80x128xf32, #tpu.memory_space<vmem>>, vector<1x16xf32>,
      %swap3A_483 = vector.shape_cast %swap3A_482 : vector<1x16xf32> to vector<16xf32>
      %swap3A_484 = vector.shape_cast %broadcast_in_dim3A_479 : vector<16xf32> to vector<1x16xf32>
      tpu.vector_store %arg10[%swap3A_480, %swap3A_481], %swap3A_484 {strides = array<i32>} : memref<80x128xf32, #tpu.memory_space<vmem>>, vector<1x16xf32>,
      %broadcast_in_dim3A_485 = arith.constant 0.000000e+00 : f32
      %broadcast_in_dim3A_486 = vector.broadcast %broadcast_in_dim3A_485 : f32 to vector<16xf32>
      %swap3A_487 = arith.index_cast %scan3A_442 : i32 to index
      %swap3A_488 = arith.constant 96 : index
      %swap3A_489 = tpu.vector_load %arg10[%swap3A_487, %swap3A_488] {strides = array<i32>} : memref<80x128xf32, #tpu.memory_space<vmem>>, vector<1x16xf32>,
      %swap3A_490 = vector.shape_cast %swap3A_489 : vector<1x16xf32> to vector<16xf32>
      %swap3A_491 = vector.shape_cast %broadcast_in_dim3A_486 : vector<16xf32> to vector<1x16xf32>
      tpu.vector_store %arg10[%swap3A_487, %swap3A_488], %swap3A_491 {strides = array<i32>} : memref<80x128xf32, #tpu.memory_space<vmem>>, vector<1x16xf32>,
      %broadcast_in_dim3A_492 = arith.constant 0.000000e+00 : f32
      %broadcast_in_dim3A_493 = vector.broadcast %broadcast_in_dim3A_492 : f32 to vector<16xf32>
      %swap3A_494 = arith.index_cast %scan3A_442 : i32 to index
      %swap3A_495 = arith.constant 112 : index
      %swap3A_496 = tpu.vector_load %arg10[%swap3A_494, %swap3A_495] {strides = array<i32>} : memref<80x128xf32, #tpu.memory_space<vmem>>, vector<1x16xf32>,
      %swap3A_497 = vector.shape_cast %swap3A_496 : vector<1x16xf32> to vector<16xf32>
      %swap3A_498 = vector.shape_cast %broadcast_in_dim3A_493 : vector<16xf32> to vector<1x16xf32>
      tpu.vector_store %arg10[%swap3A_494, %swap3A_495], %swap3A_498 {strides = array<i32>} : memref<80x128xf32, #tpu.memory_space<vmem>>, vector<1x16xf32>,
      %scan3A_499 = arith.constant 0 : i32
      scf.yield %scan3A_499 : i32
    }
    %scan3A_5 = arith.constant 80 : i32
    %sub3A = arith.constant 125 : i32
    %sub3A_6 = arith.subi %sub3A, %arg1 : i32
    %add3A = arith.constant 16 : i32
    %add3A_7 = arith.addi %sub3A_6, %add3A : i32
    %sub3A_8 = arith.constant 1 : i32
    %sub3A_9 = arith.subi %add3A_7, %sub3A_8 : i32
    %jit3A = arith.constant 16 : i32
    %div3A = arith.divsi %sub3A_9, %jit3A : i32
    %sign3A = arith.constant 0 : i32
    %sign3A_10 = arith.cmpi sgt, %sub3A_9, %sign3A : i32
    %sign3A_11 = arith.extui %sign3A_10 : i1 to i32
    %sign3A_12 = arith.constant 0 : i32
    %sign3A_13 = arith.cmpi slt, %sub3A_9, %sign3A_12 : i32
    %sign3A_14 = arith.extui %sign3A_13 : i1 to i32
    %sign3A_15 = arith.subi %sign3A_11, %sign3A_14 : i32
    %sign3A_16 = arith.constant 0 : i32
    %sign3A_17 = arith.cmpi sgt, %jit3A, %sign3A_16 : i32
    %sign3A_18 = arith.extui %sign3A_17 : i1 to i32
    %sign3A_19 = arith.constant 0 : i32
    %sign3A_20 = arith.cmpi slt, %jit3A, %sign3A_19 : i32
    %sign3A_21 = arith.extui %sign3A_20 : i1 to i32
    %sign3A_22 = arith.subi %sign3A_18, %sign3A_21 : i32
    %ne3A = arith.cmpi ne, %sign3A_15, %sign3A_22 : i32
    %rem3A = arith.remsi %sub3A_9, %jit3A : i32
    %ne3A_23 = arith.constant 0 : i32
    %ne3A_24 = arith.cmpi ne, %rem3A, %ne3A_23 : i32
    %and3A = arith.andi %ne3A, %ne3A_24 : i1
    %sub3A_25 = arith.constant 1 : i32
    %sub3A_26 = arith.subi %div3A, %sub3A_25 : i32
    %select_n3A = arith.select %and3A, %sub3A_26, %div3A : i32
    %while3A = arith.constant 0 : i32
    %while3A_27 = arith.constant 0 : i32
    %while3A_28 = arith.subi %select_n3A, %while3A : i32
    %while3A_29 = arith.addi %while3A, %while3A_28 : i32
    %while3A_30 = arith.constant 1 : i32
    %while3A_31 = arith.divsi %while3A_28, %while3A_30 : i32
    %while3A_32 = arith.muli %while3A_31, %while3A_30 : i32
    %while3A_33 = arith.addi %while3A, %while3A_32 : i32
    %while3A_34 = arith.constant 1 : i32
    %while3A_35 = scf.for %while3A_442 = %while3A to %while3A_33 step %while3A_34 iter_args(%while3A_443 = %while3A_27) -> (i32)  : i32 {
      %mul3A_444 = arith.constant 16 : i32
      %mul3A_445 = arith.muli %while3A_442, %mul3A_444 : i32
      %add3A_446 = arith.addi %arg1, %mul3A_445 : i32
      %mul3A_447 = arith.constant 80 : i32
      %mul3A_448 = arith.muli %add3A_446, %mul3A_447 : i32
      %multiple_of3A_449 = tpu.assume_multiple %mul3A_448, 8 : i32
      %dma_start3A_450 = arith.constant 0 : i32
      %dma_start3A_451 = tpu.memref_slice %arg6[%multiple_of3A_449, %dma_start3A_450] : memref<10000x128xf32, #tpu.memory_space<vmem_shared>> -> memref<80x128xf32, #tpu.memory_space<vmem_shared>>
      %dma_start3A_452 = arith.constant 0 : i32
      %dma_start3A_453 = tpu.memref_slice %arg6[%multiple_of3A_449, %dma_start3A_452] : memref<10000x128xf32, #tpu.memory_space<vmem_shared>> -> memref<80x128xf32, #tpu.memory_space<vmem_shared>>
      tpu.enqueue_dma source(%arg10 : memref<80x128xf32, #tpu.memory_space<vmem>>) target(%dma_start3A_453 : memref<80x128xf32, #tpu.memory_space<vmem_shared>>) target_semaphore(%arg19 : memref<!tpu.dma_semaphore, #tpu.memory_space<semaphore_mem>>)
      %while3A_454 = arith.constant 0 : i32
      scf.yield %while3A_454 : i32
    }
    %while3A_36 = arith.constant 1 : i32
    %while3A_37 = scf.for %while3A_442 = %while3A_33 to %while3A_29 step %while3A_36 iter_args(%while3A_443 = %while3A_35) -> (i32)  : i32 {
      %mul3A_444 = arith.constant 16 : i32
      %mul3A_445 = arith.muli %while3A_442, %mul3A_444 : i32
      %add3A_446 = arith.addi %arg1, %mul3A_445 : i32
      %mul3A_447 = arith.constant 80 : i32
      %mul3A_448 = arith.muli %add3A_446, %mul3A_447 : i32
      %multiple_of3A_449 = tpu.assume_multiple %mul3A_448, 8 : i32
      %dma_start3A_450 = arith.constant 0 : i32
      %dma_start3A_451 = tpu.memref_slice %arg6[%multiple_of3A_449, %dma_start3A_450] : memref<10000x128xf32, #tpu.memory_space<vmem_shared>> -> memref<80x128xf32, #tpu.memory_space<vmem_shared>>
      %dma_start3A_452 = arith.constant 0 : i32
      %dma_start3A_453 = tpu.memref_slice %arg6[%multiple_of3A_449, %dma_start3A_452] : memref<10000x128xf32, #tpu.memory_space<vmem_shared>> -> memref<80x128xf32, #tpu.memory_space<vmem_shared>>
      tpu.enqueue_dma source(%arg10 : memref<80x128xf32, #tpu.memory_space<vmem>>) target(%dma_start3A_453 : memref<80x128xf32, #tpu.memory_space<vmem_shared>>) target_semaphore(%arg19 : memref<!tpu.dma_semaphore, #tpu.memory_space<semaphore_mem>>)
      %while3A_454 = arith.constant 0 : i32
      scf.yield %while3A_454 : i32
    }
    "tpu.region"() ({
      %run_scoped3A = tpu.sem_alloc : memref<!tpu.dma_semaphore, #tpu.memory_space<semaphore_mem>>
      %dma_start3A_442 = arith.constant 0 : i32
      %dma_start3A_443 = tpu.memref_slice %arg3[%arg1, %dma_start3A_442] : memref<16x10000xi32, #tpu.memory_space<hbm>> -> memref<1x10000xi32, #tpu.memory_space<hbm>>
      %dma_start3A_444 = tpu.memref_squeeze %dma_start3A_443 : memref<1x10000xi32, #tpu.memory_space<hbm>> -> memref<10000xi32, #tpu.memory_space<hbm>>
      %dma_start3A_445 = arith.constant 0 : i32
      %dma_start3A_446 = tpu.memref_slice %arg3[%arg1, %dma_start3A_445] : memref<16x10000xi32, #tpu.memory_space<hbm>> -> memref<1x10000xi32, #tpu.memory_space<hbm>>
      %dma_start3A_447 = tpu.memref_squeeze %dma_start3A_446 : memref<1x10000xi32, #tpu.memory_space<hbm>> -> memref<10000xi32, #tpu.memory_space<hbm>>
      tpu.enqueue_dma source(%dma_start3A_447 : memref<10000xi32, #tpu.memory_space<hbm>>) target(%arg7 : memref<10000xi32, #tpu.memory_space<vmem>>) target_semaphore(%run_scoped3A : memref<!tpu.dma_semaphore, #tpu.memory_space<semaphore_mem>>)
      %dma_wait3A_448 = arith.constant 0 : i32
      %dma_wait3A_449 = tpu.memref_slice %arg3[%arg1, %dma_wait3A_448] : memref<16x10000xi32, #tpu.memory_space<hbm>> -> memref<1x10000xi32, #tpu.memory_space<hbm>>
      %dma_wait3A_450 = tpu.memref_squeeze %dma_wait3A_449 : memref<1x10000xi32, #tpu.memory_space<hbm>> -> memref<10000xi32, #tpu.memory_space<hbm>>
      %dma_wait3A_451 = arith.constant 0 : i32
      %dma_wait3A_452 = tpu.memref_slice %arg3[%arg1, %dma_wait3A_451] : memref<16x10000xi32, #tpu.memory_space<hbm>> -> memref<1x10000xi32, #tpu.memory_space<hbm>>
      %dma_wait3A_453 = tpu.memref_squeeze %dma_wait3A_452 : memref<1x10000xi32, #tpu.memory_space<hbm>> -> memref<10000xi32, #tpu.memory_space<hbm>>
      tpu.wait_dma2 semaphore(%run_scoped3A : memref<!tpu.dma_semaphore, #tpu.memory_space<semaphore_mem>>) src(%dma_wait3A_453 : memref<10000xi32, #tpu.memory_space<hbm>>) dst(%arg7 : memref<10000xi32, #tpu.memory_space<vmem>>)
      tpu.yield
    }) : () -> ()
    %mul3A = arith.constant 5 : i32
    %mul3A_38 = arith.muli %arg1, %mul3A : i32
    %dma_start3A = arith.constant 0 : i32
    %dma_start3A_39 = tpu.memref_slice %arg4[%mul3A_38, %dma_start3A] : memref<80x2000xi32, #tpu.memory_space<hbm>> -> memref<1x2000xi32, #tpu.memory_space<hbm>>
    %dma_start3A_40 = tpu.memref_squeeze %dma_start3A_39 : memref<1x2000xi32, #tpu.memory_space<hbm>> -> memref<2000xi32, #tpu.memory_space<hbm>>
    %dma_start3A_41 = arith.constant 0 : i32
    %dma_start3A_42 = tpu.memref_slice %arg4[%mul3A_38, %dma_start3A_41] : memref<80x2000xi32, #tpu.memory_space<hbm>> -> memref<1x2000xi32, #tpu.memory_space<hbm>>
    %dma_start3A_43 = tpu.memref_squeeze %dma_start3A_42 : memref<1x2000xi32, #tpu.memory_space<hbm>> -> memref<2000xi32, #tpu.memory_space<hbm>>
    tpu.enqueue_dma source(%dma_start3A_43 : memref<2000xi32, #tpu.memory_space<hbm>>) target(%arg8 : memref<2000xi32, #tpu.memory_space<vmem>>) target_semaphore(%arg20 : memref<!tpu.dma_semaphore, #tpu.memory_space<semaphore_mem>>)
    %mul3A_44 = arith.constant 5 : i32
    %mul3A_45 = arith.muli %arg1, %mul3A_44 : i32
    %dma_wait3A = arith.constant 0 : i32
    %dma_wait3A_46 = tpu.memref_slice %arg4[%mul3A_45, %dma_wait3A] : memref<80x2000xi32, #tpu.memory_space<hbm>> -> memref<1x2000xi32, #tpu.memory_space<hbm>>
    %dma_wait3A_47 = tpu.memref_squeeze %dma_wait3A_46 : memref<1x2000xi32, #tpu.memory_space<hbm>> -> memref<2000xi32, #tpu.memory_space<hbm>>
    %dma_wait3A_48 = arith.constant 0 : i32
    %dma_wait3A_49 = tpu.memref_slice %arg4[%mul3A_45, %dma_wait3A_48] : memref<80x2000xi32, #tpu.memory_space<hbm>> -> memref<1x2000xi32, #tpu.memory_space<hbm>>
    %dma_wait3A_50 = tpu.memref_squeeze %dma_wait3A_49 : memref<1x2000xi32, #tpu.memory_space<hbm>> -> memref<2000xi32, #tpu.memory_space<hbm>>
    tpu.wait_dma2 semaphore(%arg20 : memref<!tpu.dma_semaphore, #tpu.memory_space<semaphore_mem>>) src(%dma_wait3A_50 : memref<2000xi32, #tpu.memory_space<hbm>>) dst(%arg8 : memref<2000xi32, #tpu.memory_space<vmem>>)
    %mul3A_51 = arith.constant 5 : i32
    %mul3A_52 = arith.muli %arg1, %mul3A_51 : i32
    %add3A_53 = arith.constant 0 : i32
    %add3A_54 = arith.addi %mul3A_52, %add3A_53 : i32
    %add3A_55 = arith.constant 1 : i32
    %add3A_56 = arith.addi %add3A_54, %add3A_55 : i32
    %dma_start3A_57 = arith.constant 0 : i32
    %dma_start3A_58 = tpu.memref_slice %arg4[%add3A_56, %dma_start3A_57] : memref<80x2000xi32, #tpu.memory_space<hbm>> -> memref<1x2000xi32, #tpu.memory_space<hbm>>
    %dma_start3A_59 = tpu.memref_squeeze %dma_start3A_58 : memref<1x2000xi32, #tpu.memory_space<hbm>> -> memref<2000xi32, #tpu.memory_space<hbm>>
    %dma_start3A_60 = arith.constant 0 : i32
    %dma_start3A_61 = tpu.memref_slice %arg4[%add3A_56, %dma_start3A_60] : memref<80x2000xi32, #tpu.memory_space<hbm>> -> memref<1x2000xi32, #tpu.memory_space<hbm>>
    %dma_start3A_62 = tpu.memref_squeeze %dma_start3A_61 : memref<1x2000xi32, #tpu.memory_space<hbm>> -> memref<2000xi32, #tpu.memory_space<hbm>>
    tpu.enqueue_dma source(%dma_start3A_62 : memref<2000xi32, #tpu.memory_space<hbm>>) target(%arg9 : memref<2000xi32, #tpu.memory_space<vmem>>) target_semaphore(%arg20 : memref<!tpu.dma_semaphore, #tpu.memory_space<semaphore_mem>>)
    %scan3A_63 = arith.constant 0 : i32
    %scan3A_64 = arith.constant 0 : i32
    %scan3A_65 = arith.constant 25 : i32
    %scan3A_66 = arith.addi %scan3A_64, %scan3A_65 : i32
    %scan3A_67 = arith.constant 1 : i32
    %scan3A_68 = scf.for %scan3A_442 = %scan3A_64 to %scan3A_66 step %scan3A_67 iter_args(%scan3A_443 = %scan3A_63) -> (i32)  : i32 {
      %mul3A_444 = arith.constant 80 : i32
      %mul3A_445 = arith.muli %scan3A_442, %mul3A_444 : i32
      %multiple_of3A_446 = tpu.assume_multiple %mul3A_445, 16 : i32
      %multiple_of3A_447 = arith.constant 0 : i32
      %multiple_of3A_448 = tpu.assume_multiple %multiple_of3A_447, 16 : i32
      %add3A_449 = arith.addi %multiple_of3A_448, %multiple_of3A_446 : i32
      %add3A_450 = arith.constant 0 : i32
      %add3A_451 = arith.addi %add3A_449, %add3A_450 : i32
      %get3A_452 = arith.index_cast %add3A_451 : i32 to index
      %get3A_453 = tpu.vector_load %arg7[%get3A_452] {strides = array<i32>} : memref<10000xi32, #tpu.memory_space<vmem>>, vector<16xi32>,
      %get3A_454 = vector.shape_cast %get3A_453 : vector<16xi32> to vector<16xi32>
      %mul3A_455 = arith.constant 2 : i32
      %mul3A_456 = vector.broadcast %mul3A_455 : i32 to vector<16xi32>
      %mul3A_457 = arith.muli %get3A_454, %mul3A_456 : vector<16xi32>
      %add3A_458 = vector.broadcast %arg0 : i32 to vector<16xi32>
      %add3A_459 = arith.addi %mul3A_457, %add3A_458 : vector<16xi32>
      %shift_left3A = arith.constant 16 : i32
      %shift_left3A_460 = vector.broadcast %shift_left3A : i32 to vector<16xi32>
      %shift_left3A_461 = arith.shli %add3A_459, %shift_left3A_460 : vector<16xi32>
      %add3A_462 = arith.constant 0 : i32
      %add3A_463 = arith.addi %multiple_of3A_446, %add3A_462 : i32
      %get3A_464 = arith.index_cast %add3A_463 : i32 to index
      %get3A_465 = tpu.vector_load %arg8[%get3A_464] {strides = array<i32>} : memref<2000xi32, #tpu.memory_space<vmem>>, vector<16xi32>,
      %get3A_466 = vector.shape_cast %get3A_465 : vector<16xi32> to vector<16xi32>
      %or3A = arith.ori %shift_left3A_461, %get3A_466 : vector<16xi32>
      %add3A_467 = arith.constant 0 : i32
      %add3A_468 = arith.addi %add3A_449, %add3A_467 : i32
      %swap3A_469 = arith.index_cast %add3A_468 : i32 to index
      %swap3A_470 = tpu.vector_load %arg7[%swap3A_469] {strides = array<i32>} : memref<10000xi32, #tpu.memory_space<vmem>>, vector<16xi32>,
      %swap3A_471 = vector.shape_cast %swap3A_470 : vector<16xi32> to vector<16xi32>
      %swap3A_472 = vector.shape_cast %or3A : vector<16xi32> to vector<16xi32>
      tpu.vector_store %arg7[%swap3A_469], %swap3A_472 {strides = array<i32>} : memref<10000xi32, #tpu.memory_space<vmem>>, vector<16xi32>,
      %add3A_473 = arith.constant 16 : i32
      %add3A_474 = arith.addi %add3A_449, %add3A_473 : i32
      %get3A_475 = arith.index_cast %add3A_474 : i32 to index
      %get3A_476 = tpu.vector_load %arg7[%get3A_475] {strides = array<i32>} : memref<10000xi32, #tpu.memory_space<vmem>>, vector<16xi32>,
      %get3A_477 = vector.shape_cast %get3A_476 : vector<16xi32> to vector<16xi32>
      %mul3A_478 = arith.constant 2 : i32
      %mul3A_479 = vector.broadcast %mul3A_478 : i32 to vector<16xi32>
      %mul3A_480 = arith.muli %get3A_477, %mul3A_479 : vector<16xi32>
      %add3A_481 = vector.broadcast %arg0 : i32 to vector<16xi32>
      %add3A_482 = arith.addi %mul3A_480, %add3A_481 : vector<16xi32>
      %shift_left3A_483 = arith.constant 16 : i32
      %shift_left3A_484 = vector.broadcast %shift_left3A_483 : i32 to vector<16xi32>
      %shift_left3A_485 = arith.shli %add3A_482, %shift_left3A_484 : vector<16xi32>
      %add3A_486 = arith.constant 16 : i32
      %add3A_487 = arith.addi %multiple_of3A_446, %add3A_486 : i32
      %get3A_488 = arith.index_cast %add3A_487 : i32 to index
      %get3A_489 = tpu.vector_load %arg8[%get3A_488] {strides = array<i32>} : memref<2000xi32, #tpu.memory_space<vmem>>, vector<16xi32>,
      %get3A_490 = vector.shape_cast %get3A_489 : vector<16xi32> to vector<16xi32>
      %or3A_491 = arith.ori %shift_left3A_485, %get3A_490 : vector<16xi32>
      %add3A_492 = arith.constant 16 : i32
      %add3A_493 = arith.addi %add3A_449, %add3A_492 : i32
      %swap3A_494 = arith.index_cast %add3A_493 : i32 to index
      %swap3A_495 = tpu.vector_load %arg7[%swap3A_494] {strides = array<i32>} : memref<10000xi32, #tpu.memory_space<vmem>>, vector<16xi32>,
      %swap3A_496 = vector.shape_cast %swap3A_495 : vector<16xi32> to vector<16xi32>
      %swap3A_497 = vector.shape_cast %or3A_491 : vector<16xi32> to vector<16xi32>
      tpu.vector_store %arg7[%swap3A_494], %swap3A_497 {strides = array<i32>} : memref<10000xi32, #tpu.memory_space<vmem>>, vector<16xi32>,
      %add3A_498 = arith.constant 32 : i32
      %add3A_499 = arith.addi %add3A_449, %add3A_498 : i32
      %get3A_500 = arith.index_cast %add3A_499 : i32 to index
      %get3A_501 = tpu.vector_load %arg7[%get3A_500] {strides = array<i32>} : memref<10000xi32, #tpu.memory_space<vmem>>, vector<16xi32>,
      %get3A_502 = vector.shape_cast %get3A_501 : vector<16xi32> to vector<16xi32>
      %mul3A_503 = arith.constant 2 : i32
      %mul3A_504 = vector.broadcast %mul3A_503 : i32 to vector<16xi32>
      %mul3A_505 = arith.muli %get3A_502, %mul3A_504 : vector<16xi32>
      %add3A_506 = vector.broadcast %arg0 : i32 to vector<16xi32>
      %add3A_507 = arith.addi %mul3A_505, %add3A_506 : vector<16xi32>
      %shift_left3A_508 = arith.constant 16 : i32
      %shift_left3A_509 = vector.broadcast %shift_left3A_508 : i32 to vector<16xi32>
      %shift_left3A_510 = arith.shli %add3A_507, %shift_left3A_509 : vector<16xi32>
      %add3A_511 = arith.constant 32 : i32
      %add3A_512 = arith.addi %multiple_of3A_446, %add3A_511 : i32
      %get3A_513 = arith.index_cast %add3A_512 : i32 to index
      %get3A_514 = tpu.vector_load %arg8[%get3A_513] {strides = array<i32>} : memref<2000xi32, #tpu.memory_space<vmem>>, vector<16xi32>,
      %get3A_515 = vector.shape_cast %get3A_514 : vector<16xi32> to vector<16xi32>
      %or3A_516 = arith.ori %shift_left3A_510, %get3A_515 : vector<16xi32>
      %add3A_517 = arith.constant 32 : i32
      %add3A_518 = arith.addi %add3A_449, %add3A_517 : i32
      %swap3A_519 = arith.index_cast %add3A_518 : i32 to index
      %swap3A_520 = tpu.vector_load %arg7[%swap3A_519] {strides = array<i32>} : memref<10000xi32, #tpu.memory_space<vmem>>, vector<16xi32>,
      %swap3A_521 = vector.shape_cast %swap3A_520 : vector<16xi32> to vector<16xi32>
      %swap3A_522 = vector.shape_cast %or3A_516 : vector<16xi32> to vector<16xi32>
      tpu.vector_store %arg7[%swap3A_519], %swap3A_522 {strides = array<i32>} : memref<10000xi32, #tpu.memory_space<vmem>>, vector<16xi32>,
      %add3A_523 = arith.constant 48 : i32
      %add3A_524 = arith.addi %add3A_449, %add3A_523 : i32
      %get3A_525 = arith.index_cast %add3A_524 : i32 to index
      %get3A_526 = tpu.vector_load %arg7[%get3A_525] {strides = array<i32>} : memref<10000xi32, #tpu.memory_space<vmem>>, vector<16xi32>,
      %get3A_527 = vector.shape_cast %get3A_526 : vector<16xi32> to vector<16xi32>
      %mul3A_528 = arith.constant 2 : i32
      %mul3A_529 = vector.broadcast %mul3A_528 : i32 to vector<16xi32>
      %mul3A_530 = arith.muli %get3A_527, %mul3A_529 : vector<16xi32>
      %add3A_531 = vector.broadcast %arg0 : i32 to vector<16xi32>
      %add3A_532 = arith.addi %mul3A_530, %add3A_531 : vector<16xi32>
      %shift_left3A_533 = arith.constant 16 : i32
      %shift_left3A_534 = vector.broadcast %shift_left3A_533 : i32 to vector<16xi32>
      %shift_left3A_535 = arith.shli %add3A_532, %shift_left3A_534 : vector<16xi32>
      %add3A_536 = arith.constant 48 : i32
      %add3A_537 = arith.addi %multiple_of3A_446, %add3A_536 : i32
      %get3A_538 = arith.index_cast %add3A_537 : i32 to index
      %get3A_539 = tpu.vector_load %arg8[%get3A_538] {strides = array<i32>} : memref<2000xi32, #tpu.memory_space<vmem>>, vector<16xi32>,
      %get3A_540 = vector.shape_cast %get3A_539 : vector<16xi32> to vector<16xi32>
      %or3A_541 = arith.ori %shift_left3A_535, %get3A_540 : vector<16xi32>
      %add3A_542 = arith.constant 48 : i32
      %add3A_543 = arith.addi %add3A_449, %add3A_542 : i32
      %swap3A_544 = arith.index_cast %add3A_543 : i32 to index
      %swap3A_545 = tpu.vector_load %arg7[%swap3A_544] {strides = array<i32>} : memref<10000xi32, #tpu.memory_space<vmem>>, vector<16xi32>,
      %swap3A_546 = vector.shape_cast %swap3A_545 : vector<16xi32> to vector<16xi32>
      %swap3A_547 = vector.shape_cast %or3A_541 : vector<16xi32> to vector<16xi32>
      tpu.vector_store %arg7[%swap3A_544], %swap3A_547 {strides = array<i32>} : memref<10000xi32, #tpu.memory_space<vmem>>, vector<16xi32>,
      %add3A_548 = arith.constant 64 : i32
      %add3A_549 = arith.addi %add3A_449, %add3A_548 : i32
      %get3A_550 = arith.index_cast %add3A_549 : i32 to index
      %get3A_551 = tpu.vector_load %arg7[%get3A_550] {strides = array<i32>} : memref<10000xi32, #tpu.memory_space<vmem>>, vector<16xi32>,
      %get3A_552 = vector.shape_cast %get3A_551 : vector<16xi32> to vector<16xi32>
      %mul3A_553 = arith.constant 2 : i32
      %mul3A_554 = vector.broadcast %mul3A_553 : i32 to vector<16xi32>
      %mul3A_555 = arith.muli %get3A_552, %mul3A_554 : vector<16xi32>
      %add3A_556 = vector.broadcast %arg0 : i32 to vector<16xi32>
      %add3A_557 = arith.addi %mul3A_555, %add3A_556 : vector<16xi32>
      %shift_left3A_558 = arith.constant 16 : i32
      %shift_left3A_559 = vector.broadcast %shift_left3A_558 : i32 to vector<16xi32>
      %shift_left3A_560 = arith.shli %add3A_557, %shift_left3A_559 : vector<16xi32>
      %add3A_561 = arith.constant 64 : i32
      %add3A_562 = arith.addi %multiple_of3A_446, %add3A_561 : i32
      %get3A_563 = arith.index_cast %add3A_562 : i32 to index
      %get3A_564 = tpu.vector_load %arg8[%get3A_563] {strides = array<i32>} : memref<2000xi32, #tpu.memory_space<vmem>>, vector<16xi32>,
      %get3A_565 = vector.shape_cast %get3A_564 : vector<16xi32> to vector<16xi32>
      %or3A_566 = arith.ori %shift_left3A_560, %get3A_565 : vector<16xi32>
      %add3A_567 = arith.constant 64 : i32
      %add3A_568 = arith.addi %add3A_449, %add3A_567 : i32
      %swap3A_569 = arith.index_cast %add3A_568 : i32 to index
      %swap3A_570 = tpu.vector_load %arg7[%swap3A_569] {strides = array<i32>} : memref<10000xi32, #tpu.memory_space<vmem>>, vector<16xi32>,
      %swap3A_571 = vector.shape_cast %swap3A_570 : vector<16xi32> to vector<16xi32>
      %swap3A_572 = vector.shape_cast %or3A_566 : vector<16xi32> to vector<16xi32>
      tpu.vector_store %arg7[%swap3A_569], %swap3A_572 {strides = array<i32>} : memref<10000xi32, #tpu.memory_space<vmem>>, vector<16xi32>,
      %scan3A_573 = arith.constant 0 : i32
      scf.yield %scan3A_573 : i32
    }
    %scan3A_69 = arith.constant 25 : i32
    %mul3A_70 = arith.constant 5 : i32
    %mul3A_71 = arith.muli %arg1, %mul3A_70 : i32
    %dma_wait3A_72 = arith.constant 0 : i32
    %dma_wait3A_73 = tpu.memref_slice %arg4[%mul3A_71, %dma_wait3A_72] : memref<80x2000xi32, #tpu.memory_space<hbm>> -> memref<1x2000xi32, #tpu.memory_space<hbm>>
    %dma_wait3A_74 = tpu.memref_squeeze %dma_wait3A_73 : memref<1x2000xi32, #tpu.memory_space<hbm>> -> memref<2000xi32, #tpu.memory_space<hbm>>
    %dma_wait3A_75 = arith.constant 0 : i32
    %dma_wait3A_76 = tpu.memref_slice %arg4[%mul3A_71, %dma_wait3A_75] : memref<80x2000xi32, #tpu.memory_space<hbm>> -> memref<1x2000xi32, #tpu.memory_space<hbm>>
    %dma_wait3A_77 = tpu.memref_squeeze %dma_wait3A_76 : memref<1x2000xi32, #tpu.memory_space<hbm>> -> memref<2000xi32, #tpu.memory_space<hbm>>
    tpu.wait_dma2 semaphore(%arg20 : memref<!tpu.dma_semaphore, #tpu.memory_space<semaphore_mem>>) src(%dma_wait3A_77 : memref<2000xi32, #tpu.memory_space<hbm>>) dst(%arg9 : memref<2000xi32, #tpu.memory_space<vmem>>)
    %mul3A_78 = arith.constant 5 : i32
    %mul3A_79 = arith.muli %arg1, %mul3A_78 : i32
    %add3A_80 = arith.constant 1 : i32
    %add3A_81 = arith.addi %mul3A_79, %add3A_80 : i32
    %add3A_82 = arith.constant 1 : i32
    %add3A_83 = arith.addi %add3A_81, %add3A_82 : i32
    %dma_start3A_84 = arith.constant 0 : i32
    %dma_start3A_85 = tpu.memref_slice %arg4[%add3A_83, %dma_start3A_84] : memref<80x2000xi32, #tpu.memory_space<hbm>> -> memref<1x2000xi32, #tpu.memory_space<hbm>>
    %dma_start3A_86 = tpu.memref_squeeze %dma_start3A_85 : memref<1x2000xi32, #tpu.memory_space<hbm>> -> memref<2000xi32, #tpu.memory_space<hbm>>
    %dma_start3A_87 = arith.constant 0 : i32
    %dma_start3A_88 = tpu.memref_slice %arg4[%add3A_83, %dma_start3A_87] : memref<80x2000xi32, #tpu.memory_space<hbm>> -> memref<1x2000xi32, #tpu.memory_space<hbm>>
    %dma_start3A_89 = tpu.memref_squeeze %dma_start3A_88 : memref<1x2000xi32, #tpu.memory_space<hbm>> -> memref<2000xi32, #tpu.memory_space<hbm>>
    tpu.enqueue_dma source(%dma_start3A_89 : memref<2000xi32, #tpu.memory_space<hbm>>) target(%arg8 : memref<2000xi32, #tpu.memory_space<vmem>>) target_semaphore(%arg20 : memref<!tpu.dma_semaphore, #tpu.memory_space<semaphore_mem>>)
    %scan3A_90 = arith.constant 0 : i32
    %scan3A_91 = arith.constant 0 : i32
    %scan3A_92 = arith.constant 25 : i32
    %scan3A_93 = arith.addi %scan3A_91, %scan3A_92 : i32
    %scan3A_94 = arith.constant 1 : i32
    %scan3A_95 = scf.for %scan3A_442 = %scan3A_91 to %scan3A_93 step %scan3A_94 iter_args(%scan3A_443 = %scan3A_90) -> (i32)  : i32 {
      %mul3A_444 = arith.constant 80 : i32
      %mul3A_445 = arith.muli %scan3A_442, %mul3A_444 : i32
      %multiple_of3A_446 = tpu.assume_multiple %mul3A_445, 16 : i32
      %multiple_of3A_447 = arith.constant 2000 : i32
      %multiple_of3A_448 = tpu.assume_multiple %multiple_of3A_447, 16 : i32
      %add3A_449 = arith.addi %multiple_of3A_448, %multiple_of3A_446 : i32
      %add3A_450 = arith.constant 0 : i32
      %add3A_451 = arith.addi %add3A_449, %add3A_450 : i32
      %get3A_452 = arith.index_cast %add3A_451 : i32 to index
      %get3A_453 = tpu.vector_load %arg7[%get3A_452] {strides = array<i32>} : memref<10000xi32, #tpu.memory_space<vmem>>, vector<16xi32>,
      %get3A_454 = vector.shape_cast %get3A_453 : vector<16xi32> to vector<16xi32>
      %mul3A_455 = arith.constant 2 : i32
      %mul3A_456 = vector.broadcast %mul3A_455 : i32 to vector<16xi32>
      %mul3A_457 = arith.muli %get3A_454, %mul3A_456 : vector<16xi32>
      %add3A_458 = vector.broadcast %arg0 : i32 to vector<16xi32>
      %add3A_459 = arith.addi %mul3A_457, %add3A_458 : vector<16xi32>
      %shift_left3A = arith.constant 16 : i32
      %shift_left3A_460 = vector.broadcast %shift_left3A : i32 to vector<16xi32>
      %shift_left3A_461 = arith.shli %add3A_459, %shift_left3A_460 : vector<16xi32>
      %add3A_462 = arith.constant 0 : i32
      %add3A_463 = arith.addi %multiple_of3A_446, %add3A_462 : i32
      %get3A_464 = arith.index_cast %add3A_463 : i32 to index
      %get3A_465 = tpu.vector_load %arg9[%get3A_464] {strides = array<i32>} : memref<2000xi32, #tpu.memory_space<vmem>>, vector<16xi32>,
      %get3A_466 = vector.shape_cast %get3A_465 : vector<16xi32> to vector<16xi32>
      %or3A = arith.ori %shift_left3A_461, %get3A_466 : vector<16xi32>
      %add3A_467 = arith.constant 0 : i32
      %add3A_468 = arith.addi %add3A_449, %add3A_467 : i32
      %swap3A_469 = arith.index_cast %add3A_468 : i32 to index
      %swap3A_470 = tpu.vector_load %arg7[%swap3A_469] {strides = array<i32>} : memref<10000xi32, #tpu.memory_space<vmem>>, vector<16xi32>,
      %swap3A_471 = vector.shape_cast %swap3A_470 : vector<16xi32> to vector<16xi32>
      %swap3A_472 = vector.shape_cast %or3A : vector<16xi32> to vector<16xi32>
      tpu.vector_store %arg7[%swap3A_469], %swap3A_472 {strides = array<i32>} : memref<10000xi32, #tpu.memory_space<vmem>>, vector<16xi32>,
      %add3A_473 = arith.constant 16 : i32
      %add3A_474 = arith.addi %add3A_449, %add3A_473 : i32
      %get3A_475 = arith.index_cast %add3A_474 : i32 to index
      %get3A_476 = tpu.vector_load %arg7[%get3A_475] {strides = array<i32>} : memref<10000xi32, #tpu.memory_space<vmem>>, vector<16xi32>,
      %get3A_477 = vector.shape_cast %get3A_476 : vector<16xi32> to vector<16xi32>
      %mul3A_478 = arith.constant 2 : i32
      %mul3A_479 = vector.broadcast %mul3A_478 : i32 to vector<16xi32>
      %mul3A_480 = arith.muli %get3A_477, %mul3A_479 : vector<16xi32>
      %add3A_481 = vector.broadcast %arg0 : i32 to vector<16xi32>
      %add3A_482 = arith.addi %mul3A_480, %add3A_481 : vector<16xi32>
      %shift_left3A_483 = arith.constant 16 : i32
      %shift_left3A_484 = vector.broadcast %shift_left3A_483 : i32 to vector<16xi32>
      %shift_left3A_485 = arith.shli %add3A_482, %shift_left3A_484 : vector<16xi32>
      %add3A_486 = arith.constant 16 : i32
      %add3A_487 = arith.addi %multiple_of3A_446, %add3A_486 : i32
      %get3A_488 = arith.index_cast %add3A_487 : i32 to index
      %get3A_489 = tpu.vector_load %arg9[%get3A_488] {strides = array<i32>} : memref<2000xi32, #tpu.memory_space<vmem>>, vector<16xi32>,
      %get3A_490 = vector.shape_cast %get3A_489 : vector<16xi32> to vector<16xi32>
      %or3A_491 = arith.ori %shift_left3A_485, %get3A_490 : vector<16xi32>
      %add3A_492 = arith.constant 16 : i32
      %add3A_493 = arith.addi %add3A_449, %add3A_492 : i32
      %swap3A_494 = arith.index_cast %add3A_493 : i32 to index
      %swap3A_495 = tpu.vector_load %arg7[%swap3A_494] {strides = array<i32>} : memref<10000xi32, #tpu.memory_space<vmem>>, vector<16xi32>,
      %swap3A_496 = vector.shape_cast %swap3A_495 : vector<16xi32> to vector<16xi32>
      %swap3A_497 = vector.shape_cast %or3A_491 : vector<16xi32> to vector<16xi32>
      tpu.vector_store %arg7[%swap3A_494], %swap3A_497 {strides = array<i32>} : memref<10000xi32, #tpu.memory_space<vmem>>, vector<16xi32>,
      %add3A_498 = arith.constant 32 : i32
      %add3A_499 = arith.addi %add3A_449, %add3A_498 : i32
      %get3A_500 = arith.index_cast %add3A_499 : i32 to index
      %get3A_501 = tpu.vector_load %arg7[%get3A_500] {strides = array<i32>} : memref<10000xi32, #tpu.memory_space<vmem>>, vector<16xi32>,
      %get3A_502 = vector.shape_cast %get3A_501 : vector<16xi32> to vector<16xi32>
      %mul3A_503 = arith.constant 2 : i32
      %mul3A_504 = vector.broadcast %mul3A_503 : i32 to vector<16xi32>
      %mul3A_505 = arith.muli %get3A_502, %mul3A_504 : vector<16xi32>
      %add3A_506 = vector.broadcast %arg0 : i32 to vector<16xi32>
      %add3A_507 = arith.addi %mul3A_505, %add3A_506 : vector<16xi32>
      %shift_left3A_508 = arith.constant 16 : i32
      %shift_left3A_509 = vector.broadcast %shift_left3A_508 : i32 to vector<16xi32>
      %shift_left3A_510 = arith.shli %add3A_507, %shift_left3A_509 : vector<16xi32>
      %add3A_511 = arith.constant 32 : i32
      %add3A_512 = arith.addi %multiple_of3A_446, %add3A_511 : i32
      %get3A_513 = arith.index_cast %add3A_512 : i32 to index
      %get3A_514 = tpu.vector_load %arg9[%get3A_513] {strides = array<i32>} : memref<2000xi32, #tpu.memory_space<vmem>>, vector<16xi32>,
      %get3A_515 = vector.shape_cast %get3A_514 : vector<16xi32> to vector<16xi32>
      %or3A_516 = arith.ori %shift_left3A_510, %get3A_515 : vector<16xi32>
      %add3A_517 = arith.constant 32 : i32
      %add3A_518 = arith.addi %add3A_449, %add3A_517 : i32
      %swap3A_519 = arith.index_cast %add3A_518 : i32 to index
      %swap3A_520 = tpu.vector_load %arg7[%swap3A_519] {strides = array<i32>} : memref<10000xi32, #tpu.memory_space<vmem>>, vector<16xi32>,
      %swap3A_521 = vector.shape_cast %swap3A_520 : vector<16xi32> to vector<16xi32>
      %swap3A_522 = vector.shape_cast %or3A_516 : vector<16xi32> to vector<16xi32>
      tpu.vector_store %arg7[%swap3A_519], %swap3A_522 {strides = array<i32>} : memref<10000xi32, #tpu.memory_space<vmem>>, vector<16xi32>,
      %add3A_523 = arith.constant 48 : i32
      %add3A_524 = arith.addi %add3A_449, %add3A_523 : i32
      %get3A_525 = arith.index_cast %add3A_524 : i32 to index
      %get3A_526 = tpu.vector_load %arg7[%get3A_525] {strides = array<i32>} : memref<10000xi32, #tpu.memory_space<vmem>>, vector<16xi32>,
      %get3A_527 = vector.shape_cast %get3A_526 : vector<16xi32> to vector<16xi32>
      %mul3A_528 = arith.constant 2 : i32
      %mul3A_529 = vector.broadcast %mul3A_528 : i32 to vector<16xi32>
      %mul3A_530 = arith.muli %get3A_527, %mul3A_529 : vector<16xi32>
      %add3A_531 = vector.broadcast %arg0 : i32 to vector<16xi32>
      %add3A_532 = arith.addi %mul3A_530, %add3A_531 : vector<16xi32>
      %shift_left3A_533 = arith.constant 16 : i32
      %shift_left3A_534 = vector.broadcast %shift_left3A_533 : i32 to vector<16xi32>
      %shift_left3A_535 = arith.shli %add3A_532, %shift_left3A_534 : vector<16xi32>
      %add3A_536 = arith.constant 48 : i32
      %add3A_537 = arith.addi %multiple_of3A_446, %add3A_536 : i32
      %get3A_538 = arith.index_cast %add3A_537 : i32 to index
      %get3A_539 = tpu.vector_load %arg9[%get3A_538] {strides = array<i32>} : memref<2000xi32, #tpu.memory_space<vmem>>, vector<16xi32>,
      %get3A_540 = vector.shape_cast %get3A_539 : vector<16xi32> to vector<16xi32>
      %or3A_541 = arith.ori %shift_left3A_535, %get3A_540 : vector<16xi32>
      %add3A_542 = arith.constant 48 : i32
      %add3A_543 = arith.addi %add3A_449, %add3A_542 : i32
      %swap3A_544 = arith.index_cast %add3A_543 : i32 to index
      %swap3A_545 = tpu.vector_load %arg7[%swap3A_544] {strides = array<i32>} : memref<10000xi32, #tpu.memory_space<vmem>>, vector<16xi32>,
      %swap3A_546 = vector.shape_cast %swap3A_545 : vector<16xi32> to vector<16xi32>
      %swap3A_547 = vector.shape_cast %or3A_541 : vector<16xi32> to vector<16xi32>
      tpu.vector_store %arg7[%swap3A_544], %swap3A_547 {strides = array<i32>} : memref<10000xi32, #tpu.memory_space<vmem>>, vector<16xi32>,
      %add3A_548 = arith.constant 64 : i32
      %add3A_549 = arith.addi %add3A_449, %add3A_548 : i32
      %get3A_550 = arith.index_cast %add3A_549 : i32 to index
      %get3A_551 = tpu.vector_load %arg7[%get3A_550] {strides = array<i32>} : memref<10000xi32, #tpu.memory_space<vmem>>, vector<16xi32>,
      %get3A_552 = vector.shape_cast %get3A_551 : vector<16xi32> to vector<16xi32>
      %mul3A_553 = arith.constant 2 : i32
      %mul3A_554 = vector.broadcast %mul3A_553 : i32 to vector<16xi32>
      %mul3A_555 = arith.muli %get3A_552, %mul3A_554 : vector<16xi32>
      %add3A_556 = vector.broadcast %arg0 : i32 to vector<16xi32>
      %add3A_557 = arith.addi %mul3A_555, %add3A_556 : vector<16xi32>
      %shift_left3A_558 = arith.constant 16 : i32
      %shift_left3A_559 = vector.broadcast %shift_left3A_558 : i32 to vector<16xi32>
      %shift_left3A_560 = arith.shli %add3A_557, %shift_left3A_559 : vector<16xi32>
      %add3A_561 = arith.constant 64 : i32
      %add3A_562 = arith.addi %multiple_of3A_446, %add3A_561 : i32
      %get3A_563 = arith.index_cast %add3A_562 : i32 to index
      %get3A_564 = tpu.vector_load %arg9[%get3A_563] {strides = array<i32>} : memref<2000xi32, #tpu.memory_space<vmem>>, vector<16xi32>,
      %get3A_565 = vector.shape_cast %get3A_564 : vector<16xi32> to vector<16xi32>
      %or3A_566 = arith.ori %shift_left3A_560, %get3A_565 : vector<16xi32>
      %add3A_567 = arith.constant 64 : i32
      %add3A_568 = arith.addi %add3A_449, %add3A_567 : i32
      %swap3A_569 = arith.index_cast %add3A_568 : i32 to index
      %swap3A_570 = tpu.vector_load %arg7[%swap3A_569] {strides = array<i32>} : memref<10000xi32, #tpu.memory_space<vmem>>, vector<16xi32>,
      %swap3A_571 = vector.shape_cast %swap3A_570 : vector<16xi32> to vector<16xi32>
      %swap3A_572 = vector.shape_cast %or3A_566 : vector<16xi32> to vector<16xi32>
      tpu.vector_store %arg7[%swap3A_569], %swap3A_572 {strides = array<i32>} : memref<10000xi32, #tpu.memory_space<vmem>>, vector<16xi32>,
      %scan3A_573 = arith.constant 0 : i32
      scf.yield %scan3A_573 : i32
    }
    %scan3A_96 = arith.constant 25 : i32
    %mul3A_97 = arith.constant 5 : i32
    %mul3A_98 = arith.muli %arg1, %mul3A_97 : i32
    %dma_wait3A_99 = arith.constant 0 : i32
    %dma_wait3A_100 = tpu.memref_slice %arg4[%mul3A_98, %dma_wait3A_99] : memref<80x2000xi32, #tpu.memory_space<hbm>> -> memref<1x2000xi32, #tpu.memory_space<hbm>>
    %dma_wait3A_101 = tpu.memref_squeeze %dma_wait3A_100 : memref<1x2000xi32, #tpu.memory_space<hbm>> -> memref<2000xi32, #tpu.memory_space<hbm>>
    %dma_wait3A_102 = arith.constant 0 : i32
    %dma_wait3A_103 = tpu.memref_slice %arg4[%mul3A_98, %dma_wait3A_102] : memref<80x2000xi32, #tpu.memory_space<hbm>> -> memref<1x2000xi32, #tpu.memory_space<hbm>>
    %dma_wait3A_104 = tpu.memref_squeeze %dma_wait3A_103 : memref<1x2000xi32, #tpu.memory_space<hbm>> -> memref<2000xi32, #tpu.memory_space<hbm>>
    tpu.wait_dma2 semaphore(%arg20 : memref<!tpu.dma_semaphore, #tpu.memory_space<semaphore_mem>>) src(%dma_wait3A_104 : memref<2000xi32, #tpu.memory_space<hbm>>) dst(%arg8 : memref<2000xi32, #tpu.memory_space<vmem>>)
    %mul3A_105 = arith.constant 5 : i32
    %mul3A_106 = arith.muli %arg1, %mul3A_105 : i32
    %add3A_107 = arith.constant 2 : i32
    %add3A_108 = arith.addi %mul3A_106, %add3A_107 : i32
    %add3A_109 = arith.constant 1 : i32
    %add3A_110 = arith.addi %add3A_108, %add3A_109 : i32
    %dma_start3A_111 = arith.constant 0 : i32
    %dma_start3A_112 = tpu.memref_slice %arg4[%add3A_110, %dma_start3A_111] : memref<80x2000xi32, #tpu.memory_space<hbm>> -> memref<1x2000xi32, #tpu.memory_space<hbm>>
    %dma_start3A_113 = tpu.memref_squeeze %dma_start3A_112 : memref<1x2000xi32, #tpu.memory_space<hbm>> -> memref<2000xi32, #tpu.memory_space<hbm>>
    %dma_start3A_114 = arith.constant 0 : i32
    %dma_start3A_115 = tpu.memref_slice %arg4[%add3A_110, %dma_start3A_114] : memref<80x2000xi32, #tpu.memory_space<hbm>> -> memref<1x2000xi32, #tpu.memory_space<hbm>>
    %dma_start3A_116 = tpu.memref_squeeze %dma_start3A_115 : memref<1x2000xi32, #tpu.memory_space<hbm>> -> memref<2000xi32, #tpu.memory_space<hbm>>
    tpu.enqueue_dma source(%dma_start3A_116 : memref<2000xi32, #tpu.memory_space<hbm>>) target(%arg9 : memref<2000xi32, #tpu.memory_space<vmem>>) target_semaphore(%arg20 : memref<!tpu.dma_semaphore, #tpu.memory_space<semaphore_mem>>)
    %scan3A_117 = arith.constant 0 : i32
    %scan3A_118 = arith.constant 0 : i32
    %scan3A_119 = arith.constant 25 : i32
    %scan3A_120 = arith.addi %scan3A_118, %scan3A_119 : i32
    %scan3A_121 = arith.constant 1 : i32
    %scan3A_122 = scf.for %scan3A_442 = %scan3A_118 to %scan3A_120 step %scan3A_121 iter_args(%scan3A_443 = %scan3A_117) -> (i32)  : i32 {
      %mul3A_444 = arith.constant 80 : i32
      %mul3A_445 = arith.muli %scan3A_442, %mul3A_444 : i32
      %multiple_of3A_446 = tpu.assume_multiple %mul3A_445, 16 : i32
      %multiple_of3A_447 = arith.constant 4000 : i32
      %multiple_of3A_448 = tpu.assume_multiple %multiple_of3A_447, 16 : i32
      %add3A_449 = arith.addi %multiple_of3A_448, %multiple_of3A_446 : i32
      %add3A_450 = arith.constant 0 : i32
      %add3A_451 = arith.addi %add3A_449, %add3A_450 : i32
      %get3A_452 = arith.index_cast %add3A_451 : i32 to index
      %get3A_453 = tpu.vector_load %arg7[%get3A_452] {strides = array<i32>} : memref<10000xi32, #tpu.memory_space<vmem>>, vector<16xi32>,
      %get3A_454 = vector.shape_cast %get3A_453 : vector<16xi32> to vector<16xi32>
      %mul3A_455 = arith.constant 2 : i32
      %mul3A_456 = vector.broadcast %mul3A_455 : i32 to vector<16xi32>
      %mul3A_457 = arith.muli %get3A_454, %mul3A_456 : vector<16xi32>
      %add3A_458 = vector.broadcast %arg0 : i32 to vector<16xi32>
      %add3A_459 = arith.addi %mul3A_457, %add3A_458 : vector<16xi32>
      %shift_left3A = arith.constant 16 : i32
      %shift_left3A_460 = vector.broadcast %shift_left3A : i32 to vector<16xi32>
      %shift_left3A_461 = arith.shli %add3A_459, %shift_left3A_460 : vector<16xi32>
      %add3A_462 = arith.constant 0 : i32
      %add3A_463 = arith.addi %multiple_of3A_446, %add3A_462 : i32
      %get3A_464 = arith.index_cast %add3A_463 : i32 to index
      %get3A_465 = tpu.vector_load %arg8[%get3A_464] {strides = array<i32>} : memref<2000xi32, #tpu.memory_space<vmem>>, vector<16xi32>,
      %get3A_466 = vector.shape_cast %get3A_465 : vector<16xi32> to vector<16xi32>
      %or3A = arith.ori %shift_left3A_461, %get3A_466 : vector<16xi32>
      %add3A_467 = arith.constant 0 : i32
      %add3A_468 = arith.addi %add3A_449, %add3A_467 : i32
      %swap3A_469 = arith.index_cast %add3A_468 : i32 to index
      %swap3A_470 = tpu.vector_load %arg7[%swap3A_469] {strides = array<i32>} : memref<10000xi32, #tpu.memory_space<vmem>>, vector<16xi32>,
      %swap3A_471 = vector.shape_cast %swap3A_470 : vector<16xi32> to vector<16xi32>
      %swap3A_472 = vector.shape_cast %or3A : vector<16xi32> to vector<16xi32>
      tpu.vector_store %arg7[%swap3A_469], %swap3A_472 {strides = array<i32>} : memref<10000xi32, #tpu.memory_space<vmem>>, vector<16xi32>,
      %add3A_473 = arith.constant 16 : i32
      %add3A_474 = arith.addi %add3A_449, %add3A_473 : i32
      %get3A_475 = arith.index_cast %add3A_474 : i32 to index
      %get3A_476 = tpu.vector_load %arg7[%get3A_475] {strides = array<i32>} : memref<10000xi32, #tpu.memory_space<vmem>>, vector<16xi32>,
      %get3A_477 = vector.shape_cast %get3A_476 : vector<16xi32> to vector<16xi32>
      %mul3A_478 = arith.constant 2 : i32
      %mul3A_479 = vector.broadcast %mul3A_478 : i32 to vector<16xi32>
      %mul3A_480 = arith.muli %get3A_477, %mul3A_479 : vector<16xi32>
      %add3A_481 = vector.broadcast %arg0 : i32 to vector<16xi32>
      %add3A_482 = arith.addi %mul3A_480, %add3A_481 : vector<16xi32>
      %shift_left3A_483 = arith.constant 16 : i32
      %shift_left3A_484 = vector.broadcast %shift_left3A_483 : i32 to vector<16xi32>
      %shift_left3A_485 = arith.shli %add3A_482, %shift_left3A_484 : vector<16xi32>
      %add3A_486 = arith.constant 16 : i32
      %add3A_487 = arith.addi %multiple_of3A_446, %add3A_486 : i32
      %get3A_488 = arith.index_cast %add3A_487 : i32 to index
      %get3A_489 = tpu.vector_load %arg8[%get3A_488] {strides = array<i32>} : memref<2000xi32, #tpu.memory_space<vmem>>, vector<16xi32>,
      %get3A_490 = vector.shape_cast %get3A_489 : vector<16xi32> to vector<16xi32>
      %or3A_491 = arith.ori %shift_left3A_485, %get3A_490 : vector<16xi32>
      %add3A_492 = arith.constant 16 : i32
      %add3A_493 = arith.addi %add3A_449, %add3A_492 : i32
      %swap3A_494 = arith.index_cast %add3A_493 : i32 to index
      %swap3A_495 = tpu.vector_load %arg7[%swap3A_494] {strides = array<i32>} : memref<10000xi32, #tpu.memory_space<vmem>>, vector<16xi32>,
      %swap3A_496 = vector.shape_cast %swap3A_495 : vector<16xi32> to vector<16xi32>
      %swap3A_497 = vector.shape_cast %or3A_491 : vector<16xi32> to vector<16xi32>
      tpu.vector_store %arg7[%swap3A_494], %swap3A_497 {strides = array<i32>} : memref<10000xi32, #tpu.memory_space<vmem>>, vector<16xi32>,
      %add3A_498 = arith.constant 32 : i32
      %add3A_499 = arith.addi %add3A_449, %add3A_498 : i32
      %get3A_500 = arith.index_cast %add3A_499 : i32 to index
      %get3A_501 = tpu.vector_load %arg7[%get3A_500] {strides = array<i32>} : memref<10000xi32, #tpu.memory_space<vmem>>, vector<16xi32>,
      %get3A_502 = vector.shape_cast %get3A_501 : vector<16xi32> to vector<16xi32>
      %mul3A_503 = arith.constant 2 : i32
      %mul3A_504 = vector.broadcast %mul3A_503 : i32 to vector<16xi32>
      %mul3A_505 = arith.muli %get3A_502, %mul3A_504 : vector<16xi32>
      %add3A_506 = vector.broadcast %arg0 : i32 to vector<16xi32>
      %add3A_507 = arith.addi %mul3A_505, %add3A_506 : vector<16xi32>
      %shift_left3A_508 = arith.constant 16 : i32
      %shift_left3A_509 = vector.broadcast %shift_left3A_508 : i32 to vector<16xi32>
      %shift_left3A_510 = arith.shli %add3A_507, %shift_left3A_509 : vector<16xi32>
      %add3A_511 = arith.constant 32 : i32
      %add3A_512 = arith.addi %multiple_of3A_446, %add3A_511 : i32
      %get3A_513 = arith.index_cast %add3A_512 : i32 to index
      %get3A_514 = tpu.vector_load %arg8[%get3A_513] {strides = array<i32>} : memref<2000xi32, #tpu.memory_space<vmem>>, vector<16xi32>,
      %get3A_515 = vector.shape_cast %get3A_514 : vector<16xi32> to vector<16xi32>
      %or3A_516 = arith.ori %shift_left3A_510, %get3A_515 : vector<16xi32>
      %add3A_517 = arith.constant 32 : i32
      %add3A_518 = arith.addi %add3A_449, %add3A_517 : i32
      %swap3A_519 = arith.index_cast %add3A_518 : i32 to index
      %swap3A_520 = tpu.vector_load %arg7[%swap3A_519] {strides = array<i32>} : memref<10000xi32, #tpu.memory_space<vmem>>, vector<16xi32>,
      %swap3A_521 = vector.shape_cast %swap3A_520 : vector<16xi32> to vector<16xi32>
      %swap3A_522 = vector.shape_cast %or3A_516 : vector<16xi32> to vector<16xi32>
      tpu.vector_store %arg7[%swap3A_519], %swap3A_522 {strides = array<i32>} : memref<10000xi32, #tpu.memory_space<vmem>>, vector<16xi32>,
      %add3A_523 = arith.constant 48 : i32
      %add3A_524 = arith.addi %add3A_449, %add3A_523 : i32
      %get3A_525 = arith.index_cast %add3A_524 : i32 to index
      %get3A_526 = tpu.vector_load %arg7[%get3A_525] {strides = array<i32>} : memref<10000xi32, #tpu.memory_space<vmem>>, vector<16xi32>,
      %get3A_527 = vector.shape_cast %get3A_526 : vector<16xi32> to vector<16xi32>
      %mul3A_528 = arith.constant 2 : i32
      %mul3A_529 = vector.broadcast %mul3A_528 : i32 to vector<16xi32>
      %mul3A_530 = arith.muli %get3A_527, %mul3A_529 : vector<16xi32>
      %add3A_531 = vector.broadcast %arg0 : i32 to vector<16xi32>
      %add3A_532 = arith.addi %mul3A_530, %add3A_531 : vector<16xi32>
      %shift_left3A_533 = arith.constant 16 : i32
      %shift_left3A_534 = vector.broadcast %shift_left3A_533 : i32 to vector<16xi32>
      %shift_left3A_535 = arith.shli %add3A_532, %shift_left3A_534 : vector<16xi32>
      %add3A_536 = arith.constant 48 : i32
      %add3A_537 = arith.addi %multiple_of3A_446, %add3A_536 : i32
      %get3A_538 = arith.index_cast %add3A_537 : i32 to index
      %get3A_539 = tpu.vector_load %arg8[%get3A_538] {strides = array<i32>} : memref<2000xi32, #tpu.memory_space<vmem>>, vector<16xi32>,
      %get3A_540 = vector.shape_cast %get3A_539 : vector<16xi32> to vector<16xi32>
      %or3A_541 = arith.ori %shift_left3A_535, %get3A_540 : vector<16xi32>
      %add3A_542 = arith.constant 48 : i32
      %add3A_543 = arith.addi %add3A_449, %add3A_542 : i32
      %swap3A_544 = arith.index_cast %add3A_543 : i32 to index
      %swap3A_545 = tpu.vector_load %arg7[%swap3A_544] {strides = array<i32>} : memref<10000xi32, #tpu.memory_space<vmem>>, vector<16xi32>,
      %swap3A_546 = vector.shape_cast %swap3A_545 : vector<16xi32> to vector<16xi32>
      %swap3A_547 = vector.shape_cast %or3A_541 : vector<16xi32> to vector<16xi32>
      tpu.vector_store %arg7[%swap3A_544], %swap3A_547 {strides = array<i32>} : memref<10000xi32, #tpu.memory_space<vmem>>, vector<16xi32>,
      %add3A_548 = arith.constant 64 : i32
      %add3A_549 = arith.addi %add3A_449, %add3A_548 : i32
      %get3A_550 = arith.index_cast %add3A_549 : i32 to index
      %get3A_551 = tpu.vector_load %arg7[%get3A_550] {strides = array<i32>} : memref<10000xi32, #tpu.memory_space<vmem>>, vector<16xi32>,
      %get3A_552 = vector.shape_cast %get3A_551 : vector<16xi32> to vector<16xi32>
      %mul3A_553 = arith.constant 2 : i32
      %mul3A_554 = vector.broadcast %mul3A_553 : i32 to vector<16xi32>
      %mul3A_555 = arith.muli %get3A_552, %mul3A_554 : vector<16xi32>
      %add3A_556 = vector.broadcast %arg0 : i32 to vector<16xi32>
      %add3A_557 = arith.addi %mul3A_555, %add3A_556 : vector<16xi32>
      %shift_left3A_558 = arith.constant 16 : i32
      %shift_left3A_559 = vector.broadcast %shift_left3A_558 : i32 to vector<16xi32>
      %shift_left3A_560 = arith.shli %add3A_557, %shift_left3A_559 : vector<16xi32>
      %add3A_561 = arith.constant 64 : i32
      %add3A_562 = arith.addi %multiple_of3A_446, %add3A_561 : i32
      %get3A_563 = arith.index_cast %add3A_562 : i32 to index
      %get3A_564 = tpu.vector_load %arg8[%get3A_563] {strides = array<i32>} : memref<2000xi32, #tpu.memory_space<vmem>>, vector<16xi32>,
      %get3A_565 = vector.shape_cast %get3A_564 : vector<16xi32> to vector<16xi32>
      %or3A_566 = arith.ori %shift_left3A_560, %get3A_565 : vector<16xi32>
      %add3A_567 = arith.constant 64 : i32
      %add3A_568 = arith.addi %add3A_449, %add3A_567 : i32
      %swap3A_569 = arith.index_cast %add3A_568 : i32 to index
      %swap3A_570 = tpu.vector_load %arg7[%swap3A_569] {strides = array<i32>} : memref<10000xi32, #tpu.memory_space<vmem>>, vector<16xi32>,
      %swap3A_571 = vector.shape_cast %swap3A_570 : vector<16xi32> to vector<16xi32>
      %swap3A_572 = vector.shape_cast %or3A_566 : vector<16xi32> to vector<16xi32>
      tpu.vector_store %arg7[%swap3A_569], %swap3A_572 {strides = array<i32>} : memref<10000xi32, #tpu.memory_space<vmem>>, vector<16xi32>,
      %scan3A_573 = arith.constant 0 : i32
      scf.yield %scan3A_573 : i32
    }
    %scan3A_123 = arith.constant 25 : i32
    %mul3A_124 = arith.constant 5 : i32
    %mul3A_125 = arith.muli %arg1, %mul3A_124 : i32
    %dma_wait3A_126 = arith.constant 0 : i32
    %dma_wait3A_127 = tpu.memref_slice %arg4[%mul3A_125, %dma_wait3A_126] : memref<80x2000xi32, #tpu.memory_space<hbm>> -> memref<1x2000xi32, #tpu.memory_space<hbm>>
    %dma_wait3A_128 = tpu.memref_squeeze %dma_wait3A_127 : memref<1x2000xi32, #tpu.memory_space<hbm>> -> memref<2000xi32, #tpu.memory_space<hbm>>
    %dma_wait3A_129 = arith.constant 0 : i32
    %dma_wait3A_130 = tpu.memref_slice %arg4[%mul3A_125, %dma_wait3A_129] : memref<80x2000xi32, #tpu.memory_space<hbm>> -> memref<1x2000xi32, #tpu.memory_space<hbm>>
    %dma_wait3A_131 = tpu.memref_squeeze %dma_wait3A_130 : memref<1x2000xi32, #tpu.memory_space<hbm>> -> memref<2000xi32, #tpu.memory_space<hbm>>
    tpu.wait_dma2 semaphore(%arg20 : memref<!tpu.dma_semaphore, #tpu.memory_space<semaphore_mem>>) src(%dma_wait3A_131 : memref<2000xi32, #tpu.memory_space<hbm>>) dst(%arg9 : memref<2000xi32, #tpu.memory_space<vmem>>)
    %mul3A_132 = arith.constant 5 : i32
    %mul3A_133 = arith.muli %arg1, %mul3A_132 : i32
    %add3A_134 = arith.constant 3 : i32
    %add3A_135 = arith.addi %mul3A_133, %add3A_134 : i32
    %add3A_136 = arith.constant 1 : i32
    %add3A_137 = arith.addi %add3A_135, %add3A_136 : i32
    %dma_start3A_138 = arith.constant 0 : i32
    %dma_start3A_139 = tpu.memref_slice %arg4[%add3A_137, %dma_start3A_138] : memref<80x2000xi32, #tpu.memory_space<hbm>> -> memref<1x2000xi32, #tpu.memory_space<hbm>>
    %dma_start3A_140 = tpu.memref_squeeze %dma_start3A_139 : memref<1x2000xi32, #tpu.memory_space<hbm>> -> memref<2000xi32, #tpu.memory_space<hbm>>
    %dma_start3A_141 = arith.constant 0 : i32
    %dma_start3A_142 = tpu.memref_slice %arg4[%add3A_137, %dma_start3A_141] : memref<80x2000xi32, #tpu.memory_space<hbm>> -> memref<1x2000xi32, #tpu.memory_space<hbm>>
    %dma_start3A_143 = tpu.memref_squeeze %dma_start3A_142 : memref<1x2000xi32, #tpu.memory_space<hbm>> -> memref<2000xi32, #tpu.memory_space<hbm>>
    tpu.enqueue_dma source(%dma_start3A_143 : memref<2000xi32, #tpu.memory_space<hbm>>) target(%arg8 : memref<2000xi32, #tpu.memory_space<vmem>>) target_semaphore(%arg20 : memref<!tpu.dma_semaphore, #tpu.memory_space<semaphore_mem>>)
    %scan3A_144 = arith.constant 0 : i32
    %scan3A_145 = arith.constant 0 : i32
    %scan3A_146 = arith.constant 25 : i32
    %scan3A_147 = arith.addi %scan3A_145, %scan3A_146 : i32
    %scan3A_148 = arith.constant 1 : i32
    %scan3A_149 = scf.for %scan3A_442 = %scan3A_145 to %scan3A_147 step %scan3A_148 iter_args(%scan3A_443 = %scan3A_144) -> (i32)  : i32 {
      %mul3A_444 = arith.constant 80 : i32
      %mul3A_445 = arith.muli %scan3A_442, %mul3A_444 : i32
      %multiple_of3A_446 = tpu.assume_multiple %mul3A_445, 16 : i32
      %multiple_of3A_447 = arith.constant 6000 : i32
      %multiple_of3A_448 = tpu.assume_multiple %multiple_of3A_447, 16 : i32
      %add3A_449 = arith.addi %multiple_of3A_448, %multiple_of3A_446 : i32
      %add3A_450 = arith.constant 0 : i32
      %add3A_451 = arith.addi %add3A_449, %add3A_450 : i32
      %get3A_452 = arith.index_cast %add3A_451 : i32 to index
      %get3A_453 = tpu.vector_load %arg7[%get3A_452] {strides = array<i32>} : memref<10000xi32, #tpu.memory_space<vmem>>, vector<16xi32>,
      %get3A_454 = vector.shape_cast %get3A_453 : vector<16xi32> to vector<16xi32>
      %mul3A_455 = arith.constant 2 : i32
      %mul3A_456 = vector.broadcast %mul3A_455 : i32 to vector<16xi32>
      %mul3A_457 = arith.muli %get3A_454, %mul3A_456 : vector<16xi32>
      %add3A_458 = vector.broadcast %arg0 : i32 to vector<16xi32>
      %add3A_459 = arith.addi %mul3A_457, %add3A_458 : vector<16xi32>
      %shift_left3A = arith.constant 16 : i32
      %shift_left3A_460 = vector.broadcast %shift_left3A : i32 to vector<16xi32>
      %shift_left3A_461 = arith.shli %add3A_459, %shift_left3A_460 : vector<16xi32>
      %add3A_462 = arith.constant 0 : i32
      %add3A_463 = arith.addi %multiple_of3A_446, %add3A_462 : i32
      %get3A_464 = arith.index_cast %add3A_463 : i32 to index
      %get3A_465 = tpu.vector_load %arg9[%get3A_464] {strides = array<i32>} : memref<2000xi32, #tpu.memory_space<vmem>>, vector<16xi32>,
      %get3A_466 = vector.shape_cast %get3A_465 : vector<16xi32> to vector<16xi32>
      %or3A = arith.ori %shift_left3A_461, %get3A_466 : vector<16xi32>
      %add3A_467 = arith.constant 0 : i32
      %add3A_468 = arith.addi %add3A_449, %add3A_467 : i32
      %swap3A_469 = arith.index_cast %add3A_468 : i32 to index
      %swap3A_470 = tpu.vector_load %arg7[%swap3A_469] {strides = array<i32>} : memref<10000xi32, #tpu.memory_space<vmem>>, vector<16xi32>,
      %swap3A_471 = vector.shape_cast %swap3A_470 : vector<16xi32> to vector<16xi32>
      %swap3A_472 = vector.shape_cast %or3A : vector<16xi32> to vector<16xi32>
      tpu.vector_store %arg7[%swap3A_469], %swap3A_472 {strides = array<i32>} : memref<10000xi32, #tpu.memory_space<vmem>>, vector<16xi32>,
      %add3A_473 = arith.constant 16 : i32
      %add3A_474 = arith.addi %add3A_449, %add3A_473 : i32
      %get3A_475 = arith.index_cast %add3A_474 : i32 to index
      %get3A_476 = tpu.vector_load %arg7[%get3A_475] {strides = array<i32>} : memref<10000xi32, #tpu.memory_space<vmem>>, vector<16xi32>,
      %get3A_477 = vector.shape_cast %get3A_476 : vector<16xi32> to vector<16xi32>
      %mul3A_478 = arith.constant 2 : i32
      %mul3A_479 = vector.broadcast %mul3A_478 : i32 to vector<16xi32>
      %mul3A_480 = arith.muli %get3A_477, %mul3A_479 : vector<16xi32>
      %add3A_481 = vector.broadcast %arg0 : i32 to vector<16xi32>
      %add3A_482 = arith.addi %mul3A_480, %add3A_481 : vector<16xi32>
      %shift_left3A_483 = arith.constant 16 : i32
      %shift_left3A_484 = vector.broadcast %shift_left3A_483 : i32 to vector<16xi32>
      %shift_left3A_485 = arith.shli %add3A_482, %shift_left3A_484 : vector<16xi32>
      %add3A_486 = arith.constant 16 : i32
      %add3A_487 = arith.addi %multiple_of3A_446, %add3A_486 : i32
      %get3A_488 = arith.index_cast %add3A_487 : i32 to index
      %get3A_489 = tpu.vector_load %arg9[%get3A_488] {strides = array<i32>} : memref<2000xi32, #tpu.memory_space<vmem>>, vector<16xi32>,
      %get3A_490 = vector.shape_cast %get3A_489 : vector<16xi32> to vector<16xi32>
      %or3A_491 = arith.ori %shift_left3A_485, %get3A_490 : vector<16xi32>
      %add3A_492 = arith.constant 16 : i32
      %add3A_493 = arith.addi %add3A_449, %add3A_492 : i32
      %swap3A_494 = arith.index_cast %add3A_493 : i32 to index
      %swap3A_495 = tpu.vector_load %arg7[%swap3A_494] {strides = array<i32>} : memref<10000xi32, #tpu.memory_space<vmem>>, vector<16xi32>,
      %swap3A_496 = vector.shape_cast %swap3A_495 : vector<16xi32> to vector<16xi32>
      %swap3A_497 = vector.shape_cast %or3A_491 : vector<16xi32> to vector<16xi32>
      tpu.vector_store %arg7[%swap3A_494], %swap3A_497 {strides = array<i32>} : memref<10000xi32, #tpu.memory_space<vmem>>, vector<16xi32>,
      %add3A_498 = arith.constant 32 : i32
      %add3A_499 = arith.addi %add3A_449, %add3A_498 : i32
      %get3A_500 = arith.index_cast %add3A_499 : i32 to index
      %get3A_501 = tpu.vector_load %arg7[%get3A_500] {strides = array<i32>} : memref<10000xi32, #tpu.memory_space<vmem>>, vector<16xi32>,
      %get3A_502 = vector.shape_cast %get3A_501 : vector<16xi32> to vector<16xi32>
      %mul3A_503 = arith.constant 2 : i32
      %mul3A_504 = vector.broadcast %mul3A_503 : i32 to vector<16xi32>
      %mul3A_505 = arith.muli %get3A_502, %mul3A_504 : vector<16xi32>
      %add3A_506 = vector.broadcast %arg0 : i32 to vector<16xi32>
      %add3A_507 = arith.addi %mul3A_505, %add3A_506 : vector<16xi32>
      %shift_left3A_508 = arith.constant 16 : i32
      %shift_left3A_509 = vector.broadcast %shift_left3A_508 : i32 to vector<16xi32>
      %shift_left3A_510 = arith.shli %add3A_507, %shift_left3A_509 : vector<16xi32>
      %add3A_511 = arith.constant 32 : i32
      %add3A_512 = arith.addi %multiple_of3A_446, %add3A_511 : i32
      %get3A_513 = arith.index_cast %add3A_512 : i32 to index
      %get3A_514 = tpu.vector_load %arg9[%get3A_513] {strides = array<i32>} : memref<2000xi32, #tpu.memory_space<vmem>>, vector<16xi32>,
      %get3A_515 = vector.shape_cast %get3A_514 : vector<16xi32> to vector<16xi32>
      %or3A_516 = arith.ori %shift_left3A_510, %get3A_515 : vector<16xi32>
      %add3A_517 = arith.constant 32 : i32
      %add3A_518 = arith.addi %add3A_449, %add3A_517 : i32
      %swap3A_519 = arith.index_cast %add3A_518 : i32 to index
      %swap3A_520 = tpu.vector_load %arg7[%swap3A_519] {strides = array<i32>} : memref<10000xi32, #tpu.memory_space<vmem>>, vector<16xi32>,
      %swap3A_521 = vector.shape_cast %swap3A_520 : vector<16xi32> to vector<16xi32>
      %swap3A_522 = vector.shape_cast %or3A_516 : vector<16xi32> to vector<16xi32>
      tpu.vector_store %arg7[%swap3A_519], %swap3A_522 {strides = array<i32>} : memref<10000xi32, #tpu.memory_space<vmem>>, vector<16xi32>,
      %add3A_523 = arith.constant 48 : i32
      %add3A_524 = arith.addi %add3A_449, %add3A_523 : i32
      %get3A_525 = arith.index_cast %add3A_524 : i32 to index
      %get3A_526 = tpu.vector_load %arg7[%get3A_525] {strides = array<i32>} : memref<10000xi32, #tpu.memory_space<vmem>>, vector<16xi32>,
      %get3A_527 = vector.shape_cast %get3A_526 : vector<16xi32> to vector<16xi32>
      %mul3A_528 = arith.constant 2 : i32
      %mul3A_529 = vector.broadcast %mul3A_528 : i32 to vector<16xi32>
      %mul3A_530 = arith.muli %get3A_527, %mul3A_529 : vector<16xi32>
      %add3A_531 = vector.broadcast %arg0 : i32 to vector<16xi32>
      %add3A_532 = arith.addi %mul3A_530, %add3A_531 : vector<16xi32>
      %shift_left3A_533 = arith.constant 16 : i32
      %shift_left3A_534 = vector.broadcast %shift_left3A_533 : i32 to vector<16xi32>
      %shift_left3A_535 = arith.shli %add3A_532, %shift_left3A_534 : vector<16xi32>
      %add3A_536 = arith.constant 48 : i32
      %add3A_537 = arith.addi %multiple_of3A_446, %add3A_536 : i32
      %get3A_538 = arith.index_cast %add3A_537 : i32 to index
      %get3A_539 = tpu.vector_load %arg9[%get3A_538] {strides = array<i32>} : memref<2000xi32, #tpu.memory_space<vmem>>, vector<16xi32>,
      %get3A_540 = vector.shape_cast %get3A_539 : vector<16xi32> to vector<16xi32>
      %or3A_541 = arith.ori %shift_left3A_535, %get3A_540 : vector<16xi32>
      %add3A_542 = arith.constant 48 : i32
      %add3A_543 = arith.addi %add3A_449, %add3A_542 : i32
      %swap3A_544 = arith.index_cast %add3A_543 : i32 to index
      %swap3A_545 = tpu.vector_load %arg7[%swap3A_544] {strides = array<i32>} : memref<10000xi32, #tpu.memory_space<vmem>>, vector<16xi32>,
      %swap3A_546 = vector.shape_cast %swap3A_545 : vector<16xi32> to vector<16xi32>
      %swap3A_547 = vector.shape_cast %or3A_541 : vector<16xi32> to vector<16xi32>
      tpu.vector_store %arg7[%swap3A_544], %swap3A_547 {strides = array<i32>} : memref<10000xi32, #tpu.memory_space<vmem>>, vector<16xi32>,
      %add3A_548 = arith.constant 64 : i32
      %add3A_549 = arith.addi %add3A_449, %add3A_548 : i32
      %get3A_550 = arith.index_cast %add3A_549 : i32 to index
      %get3A_551 = tpu.vector_load %arg7[%get3A_550] {strides = array<i32>} : memref<10000xi32, #tpu.memory_space<vmem>>, vector<16xi32>,
      %get3A_552 = vector.shape_cast %get3A_551 : vector<16xi32> to vector<16xi32>
      %mul3A_553 = arith.constant 2 : i32
      %mul3A_554 = vector.broadcast %mul3A_553 : i32 to vector<16xi32>
      %mul3A_555 = arith.muli %get3A_552, %mul3A_554 : vector<16xi32>
      %add3A_556 = vector.broadcast %arg0 : i32 to vector<16xi32>
      %add3A_557 = arith.addi %mul3A_555, %add3A_556 : vector<16xi32>
      %shift_left3A_558 = arith.constant 16 : i32
      %shift_left3A_559 = vector.broadcast %shift_left3A_558 : i32 to vector<16xi32>
      %shift_left3A_560 = arith.shli %add3A_557, %shift_left3A_559 : vector<16xi32>
      %add3A_561 = arith.constant 64 : i32
      %add3A_562 = arith.addi %multiple_of3A_446, %add3A_561 : i32
      %get3A_563 = arith.index_cast %add3A_562 : i32 to index
      %get3A_564 = tpu.vector_load %arg9[%get3A_563] {strides = array<i32>} : memref<2000xi32, #tpu.memory_space<vmem>>, vector<16xi32>,
      %get3A_565 = vector.shape_cast %get3A_564 : vector<16xi32> to vector<16xi32>
      %or3A_566 = arith.ori %shift_left3A_560, %get3A_565 : vector<16xi32>
      %add3A_567 = arith.constant 64 : i32
      %add3A_568 = arith.addi %add3A_449, %add3A_567 : i32
      %swap3A_569 = arith.index_cast %add3A_568 : i32 to index
      %swap3A_570 = tpu.vector_load %arg7[%swap3A_569] {strides = array<i32>} : memref<10000xi32, #tpu.memory_space<vmem>>, vector<16xi32>,
      %swap3A_571 = vector.shape_cast %swap3A_570 : vector<16xi32> to vector<16xi32>
      %swap3A_572 = vector.shape_cast %or3A_566 : vector<16xi32> to vector<16xi32>
      tpu.vector_store %arg7[%swap3A_569], %swap3A_572 {strides = array<i32>} : memref<10000xi32, #tpu.memory_space<vmem>>, vector<16xi32>,
      %scan3A_573 = arith.constant 0 : i32
      scf.yield %scan3A_573 : i32
    }
    %scan3A_150 = arith.constant 25 : i32
    %mul3A_151 = arith.constant 5 : i32
    %mul3A_152 = arith.muli %arg1, %mul3A_151 : i32
    %dma_wait3A_153 = arith.constant 0 : i32
    %dma_wait3A_154 = tpu.memref_slice %arg4[%mul3A_152, %dma_wait3A_153] : memref<80x2000xi32, #tpu.memory_space<hbm>> -> memref<1x2000xi32, #tpu.memory_space<hbm>>
    %dma_wait3A_155 = tpu.memref_squeeze %dma_wait3A_154 : memref<1x2000xi32, #tpu.memory_space<hbm>> -> memref<2000xi32, #tpu.memory_space<hbm>>
    %dma_wait3A_156 = arith.constant 0 : i32
    %dma_wait3A_157 = tpu.memref_slice %arg4[%mul3A_152, %dma_wait3A_156] : memref<80x2000xi32, #tpu.memory_space<hbm>> -> memref<1x2000xi32, #tpu.memory_space<hbm>>
    %dma_wait3A_158 = tpu.memref_squeeze %dma_wait3A_157 : memref<1x2000xi32, #tpu.memory_space<hbm>> -> memref<2000xi32, #tpu.memory_space<hbm>>
    tpu.wait_dma2 semaphore(%arg20 : memref<!tpu.dma_semaphore, #tpu.memory_space<semaphore_mem>>) src(%dma_wait3A_158 : memref<2000xi32, #tpu.memory_space<hbm>>) dst(%arg8 : memref<2000xi32, #tpu.memory_space<vmem>>)
    %scan3A_159 = arith.constant 0 : i32
    %scan3A_160 = arith.constant 0 : i32
    %scan3A_161 = arith.constant 25 : i32
    %scan3A_162 = arith.addi %scan3A_160, %scan3A_161 : i32
    %scan3A_163 = arith.constant 1 : i32
    %scan3A_164 = scf.for %scan3A_442 = %scan3A_160 to %scan3A_162 step %scan3A_163 iter_args(%scan3A_443 = %scan3A_159) -> (i32)  : i32 {
      %mul3A_444 = arith.constant 80 : i32
      %mul3A_445 = arith.muli %scan3A_442, %mul3A_444 : i32
      %multiple_of3A_446 = tpu.assume_multiple %mul3A_445, 16 : i32
      %multiple_of3A_447 = arith.constant 8000 : i32
      %multiple_of3A_448 = tpu.assume_multiple %multiple_of3A_447, 16 : i32
      %add3A_449 = arith.addi %multiple_of3A_448, %multiple_of3A_446 : i32
      %add3A_450 = arith.constant 0 : i32
      %add3A_451 = arith.addi %add3A_449, %add3A_450 : i32
      %get3A_452 = arith.index_cast %add3A_451 : i32 to index
      %get3A_453 = tpu.vector_load %arg7[%get3A_452] {strides = array<i32>} : memref<10000xi32, #tpu.memory_space<vmem>>, vector<16xi32>,
      %get3A_454 = vector.shape_cast %get3A_453 : vector<16xi32> to vector<16xi32>
      %mul3A_455 = arith.constant 2 : i32
      %mul3A_456 = vector.broadcast %mul3A_455 : i32 to vector<16xi32>
      %mul3A_457 = arith.muli %get3A_454, %mul3A_456 : vector<16xi32>
      %add3A_458 = vector.broadcast %arg0 : i32 to vector<16xi32>
      %add3A_459 = arith.addi %mul3A_457, %add3A_458 : vector<16xi32>
      %shift_left3A = arith.constant 16 : i32
      %shift_left3A_460 = vector.broadcast %shift_left3A : i32 to vector<16xi32>
      %shift_left3A_461 = arith.shli %add3A_459, %shift_left3A_460 : vector<16xi32>
      %add3A_462 = arith.constant 0 : i32
      %add3A_463 = arith.addi %multiple_of3A_446, %add3A_462 : i32
      %get3A_464 = arith.index_cast %add3A_463 : i32 to index
      %get3A_465 = tpu.vector_load %arg8[%get3A_464] {strides = array<i32>} : memref<2000xi32, #tpu.memory_space<vmem>>, vector<16xi32>,
      %get3A_466 = vector.shape_cast %get3A_465 : vector<16xi32> to vector<16xi32>
      %or3A = arith.ori %shift_left3A_461, %get3A_466 : vector<16xi32>
      %add3A_467 = arith.constant 0 : i32
      %add3A_468 = arith.addi %add3A_449, %add3A_467 : i32
      %swap3A_469 = arith.index_cast %add3A_468 : i32 to index
      %swap3A_470 = tpu.vector_load %arg7[%swap3A_469] {strides = array<i32>} : memref<10000xi32, #tpu.memory_space<vmem>>, vector<16xi32>,
      %swap3A_471 = vector.shape_cast %swap3A_470 : vector<16xi32> to vector<16xi32>
      %swap3A_472 = vector.shape_cast %or3A : vector<16xi32> to vector<16xi32>
      tpu.vector_store %arg7[%swap3A_469], %swap3A_472 {strides = array<i32>} : memref<10000xi32, #tpu.memory_space<vmem>>, vector<16xi32>,
      %add3A_473 = arith.constant 16 : i32
      %add3A_474 = arith.addi %add3A_449, %add3A_473 : i32
      %get3A_475 = arith.index_cast %add3A_474 : i32 to index
      %get3A_476 = tpu.vector_load %arg7[%get3A_475] {strides = array<i32>} : memref<10000xi32, #tpu.memory_space<vmem>>, vector<16xi32>,
      %get3A_477 = vector.shape_cast %get3A_476 : vector<16xi32> to vector<16xi32>
      %mul3A_478 = arith.constant 2 : i32
      %mul3A_479 = vector.broadcast %mul3A_478 : i32 to vector<16xi32>
      %mul3A_480 = arith.muli %get3A_477, %mul3A_479 : vector<16xi32>
      %add3A_481 = vector.broadcast %arg0 : i32 to vector<16xi32>
      %add3A_482 = arith.addi %mul3A_480, %add3A_481 : vector<16xi32>
      %shift_left3A_483 = arith.constant 16 : i32
      %shift_left3A_484 = vector.broadcast %shift_left3A_483 : i32 to vector<16xi32>
      %shift_left3A_485 = arith.shli %add3A_482, %shift_left3A_484 : vector<16xi32>
      %add3A_486 = arith.constant 16 : i32
      %add3A_487 = arith.addi %multiple_of3A_446, %add3A_486 : i32
      %get3A_488 = arith.index_cast %add3A_487 : i32 to index
      %get3A_489 = tpu.vector_load %arg8[%get3A_488] {strides = array<i32>} : memref<2000xi32, #tpu.memory_space<vmem>>, vector<16xi32>,
      %get3A_490 = vector.shape_cast %get3A_489 : vector<16xi32> to vector<16xi32>
      %or3A_491 = arith.ori %shift_left3A_485, %get3A_490 : vector<16xi32>
      %add3A_492 = arith.constant 16 : i32
      %add3A_493 = arith.addi %add3A_449, %add3A_492 : i32
      %swap3A_494 = arith.index_cast %add3A_493 : i32 to index
      %swap3A_495 = tpu.vector_load %arg7[%swap3A_494] {strides = array<i32>} : memref<10000xi32, #tpu.memory_space<vmem>>, vector<16xi32>,
      %swap3A_496 = vector.shape_cast %swap3A_495 : vector<16xi32> to vector<16xi32>
      %swap3A_497 = vector.shape_cast %or3A_491 : vector<16xi32> to vector<16xi32>
      tpu.vector_store %arg7[%swap3A_494], %swap3A_497 {strides = array<i32>} : memref<10000xi32, #tpu.memory_space<vmem>>, vector<16xi32>,
      %add3A_498 = arith.constant 32 : i32
      %add3A_499 = arith.addi %add3A_449, %add3A_498 : i32
      %get3A_500 = arith.index_cast %add3A_499 : i32 to index
      %get3A_501 = tpu.vector_load %arg7[%get3A_500] {strides = array<i32>} : memref<10000xi32, #tpu.memory_space<vmem>>, vector<16xi32>,
      %get3A_502 = vector.shape_cast %get3A_501 : vector<16xi32> to vector<16xi32>
      %mul3A_503 = arith.constant 2 : i32
      %mul3A_504 = vector.broadcast %mul3A_503 : i32 to vector<16xi32>
      %mul3A_505 = arith.muli %get3A_502, %mul3A_504 : vector<16xi32>
      %add3A_506 = vector.broadcast %arg0 : i32 to vector<16xi32>
      %add3A_507 = arith.addi %mul3A_505, %add3A_506 : vector<16xi32>
      %shift_left3A_508 = arith.constant 16 : i32
      %shift_left3A_509 = vector.broadcast %shift_left3A_508 : i32 to vector<16xi32>
      %shift_left3A_510 = arith.shli %add3A_507, %shift_left3A_509 : vector<16xi32>
      %add3A_511 = arith.constant 32 : i32
      %add3A_512 = arith.addi %multiple_of3A_446, %add3A_511 : i32
      %get3A_513 = arith.index_cast %add3A_512 : i32 to index
      %get3A_514 = tpu.vector_load %arg8[%get3A_513] {strides = array<i32>} : memref<2000xi32, #tpu.memory_space<vmem>>, vector<16xi32>,
      %get3A_515 = vector.shape_cast %get3A_514 : vector<16xi32> to vector<16xi32>
      %or3A_516 = arith.ori %shift_left3A_510, %get3A_515 : vector<16xi32>
      %add3A_517 = arith.constant 32 : i32
      %add3A_518 = arith.addi %add3A_449, %add3A_517 : i32
      %swap3A_519 = arith.index_cast %add3A_518 : i32 to index
      %swap3A_520 = tpu.vector_load %arg7[%swap3A_519] {strides = array<i32>} : memref<10000xi32, #tpu.memory_space<vmem>>, vector<16xi32>,
      %swap3A_521 = vector.shape_cast %swap3A_520 : vector<16xi32> to vector<16xi32>
      %swap3A_522 = vector.shape_cast %or3A_516 : vector<16xi32> to vector<16xi32>
      tpu.vector_store %arg7[%swap3A_519], %swap3A_522 {strides = array<i32>} : memref<10000xi32, #tpu.memory_space<vmem>>, vector<16xi32>,
      %add3A_523 = arith.constant 48 : i32
      %add3A_524 = arith.addi %add3A_449, %add3A_523 : i32
      %get3A_525 = arith.index_cast %add3A_524 : i32 to index
      %get3A_526 = tpu.vector_load %arg7[%get3A_525] {strides = array<i32>} : memref<10000xi32, #tpu.memory_space<vmem>>, vector<16xi32>,
      %get3A_527 = vector.shape_cast %get3A_526 : vector<16xi32> to vector<16xi32>
      %mul3A_528 = arith.constant 2 : i32
      %mul3A_529 = vector.broadcast %mul3A_528 : i32 to vector<16xi32>
      %mul3A_530 = arith.muli %get3A_527, %mul3A_529 : vector<16xi32>
      %add3A_531 = vector.broadcast %arg0 : i32 to vector<16xi32>
      %add3A_532 = arith.addi %mul3A_530, %add3A_531 : vector<16xi32>
      %shift_left3A_533 = arith.constant 16 : i32
      %shift_left3A_534 = vector.broadcast %shift_left3A_533 : i32 to vector<16xi32>
      %shift_left3A_535 = arith.shli %add3A_532, %shift_left3A_534 : vector<16xi32>
      %add3A_536 = arith.constant 48 : i32
      %add3A_537 = arith.addi %multiple_of3A_446, %add3A_536 : i32
      %get3A_538 = arith.index_cast %add3A_537 : i32 to index
      %get3A_539 = tpu.vector_load %arg8[%get3A_538] {strides = array<i32>} : memref<2000xi32, #tpu.memory_space<vmem>>, vector<16xi32>,
      %get3A_540 = vector.shape_cast %get3A_539 : vector<16xi32> to vector<16xi32>
      %or3A_541 = arith.ori %shift_left3A_535, %get3A_540 : vector<16xi32>
      %add3A_542 = arith.constant 48 : i32
      %add3A_543 = arith.addi %add3A_449, %add3A_542 : i32
      %swap3A_544 = arith.index_cast %add3A_543 : i32 to index
      %swap3A_545 = tpu.vector_load %arg7[%swap3A_544] {strides = array<i32>} : memref<10000xi32, #tpu.memory_space<vmem>>, vector<16xi32>,
      %swap3A_546 = vector.shape_cast %swap3A_545 : vector<16xi32> to vector<16xi32>
      %swap3A_547 = vector.shape_cast %or3A_541 : vector<16xi32> to vector<16xi32>
      tpu.vector_store %arg7[%swap3A_544], %swap3A_547 {strides = array<i32>} : memref<10000xi32, #tpu.memory_space<vmem>>, vector<16xi32>,
      %add3A_548 = arith.constant 64 : i32
      %add3A_549 = arith.addi %add3A_449, %add3A_548 : i32
      %get3A_550 = arith.index_cast %add3A_549 : i32 to index
      %get3A_551 = tpu.vector_load %arg7[%get3A_550] {strides = array<i32>} : memref<10000xi32, #tpu.memory_space<vmem>>, vector<16xi32>,
      %get3A_552 = vector.shape_cast %get3A_551 : vector<16xi32> to vector<16xi32>
      %mul3A_553 = arith.constant 2 : i32
      %mul3A_554 = vector.broadcast %mul3A_553 : i32 to vector<16xi32>
      %mul3A_555 = arith.muli %get3A_552, %mul3A_554 : vector<16xi32>
      %add3A_556 = vector.broadcast %arg0 : i32 to vector<16xi32>
      %add3A_557 = arith.addi %mul3A_555, %add3A_556 : vector<16xi32>
      %shift_left3A_558 = arith.constant 16 : i32
      %shift_left3A_559 = vector.broadcast %shift_left3A_558 : i32 to vector<16xi32>
      %shift_left3A_560 = arith.shli %add3A_557, %shift_left3A_559 : vector<16xi32>
      %add3A_561 = arith.constant 64 : i32
      %add3A_562 = arith.addi %multiple_of3A_446, %add3A_561 : i32
      %get3A_563 = arith.index_cast %add3A_562 : i32 to index
      %get3A_564 = tpu.vector_load %arg8[%get3A_563] {strides = array<i32>} : memref<2000xi32, #tpu.memory_space<vmem>>, vector<16xi32>,
      %get3A_565 = vector.shape_cast %get3A_564 : vector<16xi32> to vector<16xi32>
      %or3A_566 = arith.ori %shift_left3A_560, %get3A_565 : vector<16xi32>
      %add3A_567 = arith.constant 64 : i32
      %add3A_568 = arith.addi %add3A_449, %add3A_567 : i32
      %swap3A_569 = arith.index_cast %add3A_568 : i32 to index
      %swap3A_570 = tpu.vector_load %arg7[%swap3A_569] {strides = array<i32>} : memref<10000xi32, #tpu.memory_space<vmem>>, vector<16xi32>,
      %swap3A_571 = vector.shape_cast %swap3A_570 : vector<16xi32> to vector<16xi32>
      %swap3A_572 = vector.shape_cast %or3A_566 : vector<16xi32> to vector<16xi32>
      tpu.vector_store %arg7[%swap3A_569], %swap3A_572 {strides = array<i32>} : memref<10000xi32, #tpu.memory_space<vmem>>, vector<16xi32>,
      %scan3A_573 = arith.constant 0 : i32
      scf.yield %scan3A_573 : i32
    }
    %scan3A_165 = arith.constant 25 : i32
    %while3A_166 = arith.constant 0 : i32
    %while3A_167 = arith.constant 0 : i32
    %while3A_168 = arith.subi %select_n3A, %while3A_166 : i32
    %while3A_169 = arith.addi %while3A_166, %while3A_168 : i32
    %while3A_170 = arith.constant 1 : i32
    %while3A_171 = arith.divsi %while3A_168, %while3A_170 : i32
    %while3A_172 = arith.muli %while3A_171, %while3A_170 : i32
    %while3A_173 = arith.addi %while3A_166, %while3A_172 : i32
    %while3A_174 = arith.constant 1 : i32
    %while3A_175 = scf.for %while3A_442 = %while3A_166 to %while3A_173 step %while3A_174 iter_args(%while3A_443 = %while3A_167) -> (i32)  : i32 {
      %dma_wait3A_444 = arith.constant 0 : i32
      %dma_wait3A_445 = arith.constant 0 : i32
      %dma_wait3A_446 = tpu.memref_slice %arg6[%dma_wait3A_444, %dma_wait3A_445] : memref<10000x128xf32, #tpu.memory_space<vmem_shared>> -> memref<80x128xf32, #tpu.memory_space<vmem_shared>>
      %dma_wait3A_447 = arith.constant 0 : i32
      %dma_wait3A_448 = arith.constant 0 : i32
      %dma_wait3A_449 = tpu.memref_slice %arg6[%dma_wait3A_447, %dma_wait3A_448] : memref<10000x128xf32, #tpu.memory_space<vmem_shared>> -> memref<80x128xf32, #tpu.memory_space<vmem_shared>>
      tpu.wait_dma2 semaphore(%arg19 : memref<!tpu.dma_semaphore, #tpu.memory_space<semaphore_mem>>) src(%arg10 : memref<80x128xf32, #tpu.memory_space<vmem>>) dst(%dma_wait3A_449 : memref<80x128xf32, #tpu.memory_space<vmem_shared>>)
      %while3A_450 = arith.constant 0 : i32
      scf.yield %while3A_450 : i32
    }
    %while3A_176 = arith.constant 1 : i32
    %while3A_177 = scf.for %while3A_442 = %while3A_173 to %while3A_169 step %while3A_176 iter_args(%while3A_443 = %while3A_175) -> (i32)  : i32 {
      %dma_wait3A_444 = arith.constant 0 : i32
      %dma_wait3A_445 = arith.constant 0 : i32
      %dma_wait3A_446 = tpu.memref_slice %arg6[%dma_wait3A_444, %dma_wait3A_445] : memref<10000x128xf32, #tpu.memory_space<vmem_shared>> -> memref<80x128xf32, #tpu.memory_space<vmem_shared>>
      %dma_wait3A_447 = arith.constant 0 : i32
      %dma_wait3A_448 = arith.constant 0 : i32
      %dma_wait3A_449 = tpu.memref_slice %arg6[%dma_wait3A_447, %dma_wait3A_448] : memref<10000x128xf32, #tpu.memory_space<vmem_shared>> -> memref<80x128xf32, #tpu.memory_space<vmem_shared>>
      tpu.wait_dma2 semaphore(%arg19 : memref<!tpu.dma_semaphore, #tpu.memory_space<semaphore_mem>>) src(%arg10 : memref<80x128xf32, #tpu.memory_space<vmem>>) dst(%dma_wait3A_449 : memref<80x128xf32, #tpu.memory_space<vmem_shared>>)
      %while3A_450 = arith.constant 0 : i32
      scf.yield %while3A_450 : i32
    }
    %barrier3A = arith.constant 0 : index
    tpu.barrier barrier_id(%barrier3A)
    %multiple_of3A = arith.constant 0 : i32
    %multiple_of3A_178 = tpu.assume_multiple %multiple_of3A, 16 : i32
    %add3A_179 = arith.constant 0 : i32
    %add3A_180 = arith.addi %multiple_of3A_178, %add3A_179 : i32
    %get3A = arith.index_cast %add3A_180 : i32 to index
    %get3A_181 = tpu.vector_load %arg7[%get3A] {strides = array<i32>} : memref<10000xi32, #tpu.memory_space<vmem>>, vector<16xi32>,
    %get3A_182 = vector.shape_cast %get3A_181 : vector<16xi32> to vector<16xi32>
    %shift_right_arithmetic3A = arith.constant 16 : i32
    %shift_right_arithmetic3A_183 = vector.broadcast %shift_right_arithmetic3A : i32 to vector<16xi32>
    %shift_right_arithmetic3A_184 = arith.shrsi %get3A_182, %shift_right_arithmetic3A_183 : vector<16xi32>
    %swap3A = arith.constant 0 : index
    %swap3A_185 = tpu.vector_load %arg13[%swap3A] {strides = array<i32>} : memref<80xi32, #tpu.memory_space<vmem>>, vector<16xi32>,
    %swap3A_186 = vector.shape_cast %swap3A_185 : vector<16xi32> to vector<16xi32>
    %swap3A_187 = vector.shape_cast %shift_right_arithmetic3A_184 : vector<16xi32> to vector<16xi32>
    tpu.vector_store %arg13[%swap3A], %swap3A_187 {strides = array<i32>} : memref<80xi32, #tpu.memory_space<vmem>>, vector<16xi32>,
    %and3A_188 = arith.constant 65535 : i32
    %and3A_189 = vector.broadcast %and3A_188 : i32 to vector<16xi32>
    %and3A_190 = arith.andi %get3A_182, %and3A_189 : vector<16xi32>
    %swap3A_191 = arith.constant 0 : index
    %swap3A_192 = tpu.vector_load %arg16[%swap3A_191] {strides = array<i32>} : memref<80xi32, #tpu.memory_space<vmem>>, vector<16xi32>,
    %swap3A_193 = vector.shape_cast %swap3A_192 : vector<16xi32> to vector<16xi32>
    %swap3A_194 = vector.shape_cast %and3A_190 : vector<16xi32> to vector<16xi32>
    tpu.vector_store %arg16[%swap3A_191], %swap3A_194 {strides = array<i32>} : memref<80xi32, #tpu.memory_space<vmem>>, vector<16xi32>,
    %add3A_195 = arith.constant 16 : i32
    %add3A_196 = arith.addi %multiple_of3A_178, %add3A_195 : i32
    %get3A_197 = arith.index_cast %add3A_196 : i32 to index
    %get3A_198 = tpu.vector_load %arg7[%get3A_197] {strides = array<i32>} : memref<10000xi32, #tpu.memory_space<vmem>>, vector<16xi32>,
    %get3A_199 = vector.shape_cast %get3A_198 : vector<16xi32> to vector<16xi32>
    %shift_right_arithmetic3A_200 = arith.constant 16 : i32
    %shift_right_arithmetic3A_201 = vector.broadcast %shift_right_arithmetic3A_200 : i32 to vector<16xi32>
    %shift_right_arithmetic3A_202 = arith.shrsi %get3A_199, %shift_right_arithmetic3A_201 : vector<16xi32>
    %swap3A_203 = arith.constant 16 : index
    %swap3A_204 = tpu.vector_load %arg13[%swap3A_203] {strides = array<i32>} : memref<80xi32, #tpu.memory_space<vmem>>, vector<16xi32>,
    %swap3A_205 = vector.shape_cast %swap3A_204 : vector<16xi32> to vector<16xi32>
    %swap3A_206 = vector.shape_cast %shift_right_arithmetic3A_202 : vector<16xi32> to vector<16xi32>
    tpu.vector_store %arg13[%swap3A_203], %swap3A_206 {strides = array<i32>} : memref<80xi32, #tpu.memory_space<vmem>>, vector<16xi32>,
    %and3A_207 = arith.constant 65535 : i32
    %and3A_208 = vector.broadcast %and3A_207 : i32 to vector<16xi32>
    %and3A_209 = arith.andi %get3A_199, %and3A_208 : vector<16xi32>
    %swap3A_210 = arith.constant 16 : index
    %swap3A_211 = tpu.vector_load %arg16[%swap3A_210] {strides = array<i32>} : memref<80xi32, #tpu.memory_space<vmem>>, vector<16xi32>,
    %swap3A_212 = vector.shape_cast %swap3A_211 : vector<16xi32> to vector<16xi32>
    %swap3A_213 = vector.shape_cast %and3A_209 : vector<16xi32> to vector<16xi32>
    tpu.vector_store %arg16[%swap3A_210], %swap3A_213 {strides = array<i32>} : memref<80xi32, #tpu.memory_space<vmem>>, vector<16xi32>,
    %add3A_214 = arith.constant 32 : i32
    %add3A_215 = arith.addi %multiple_of3A_178, %add3A_214 : i32
    %get3A_216 = arith.index_cast %add3A_215 : i32 to index
    %get3A_217 = tpu.vector_load %arg7[%get3A_216] {strides = array<i32>} : memref<10000xi32, #tpu.memory_space<vmem>>, vector<16xi32>,
    %get3A_218 = vector.shape_cast %get3A_217 : vector<16xi32> to vector<16xi32>
    %shift_right_arithmetic3A_219 = arith.constant 16 : i32
    %shift_right_arithmetic3A_220 = vector.broadcast %shift_right_arithmetic3A_219 : i32 to vector<16xi32>
    %shift_right_arithmetic3A_221 = arith.shrsi %get3A_218, %shift_right_arithmetic3A_220 : vector<16xi32>
    %swap3A_222 = arith.constant 32 : index
    %swap3A_223 = tpu.vector_load %arg13[%swap3A_222] {strides = array<i32>} : memref<80xi32, #tpu.memory_space<vmem>>, vector<16xi32>,
    %swap3A_224 = vector.shape_cast %swap3A_223 : vector<16xi32> to vector<16xi32>
    %swap3A_225 = vector.shape_cast %shift_right_arithmetic3A_221 : vector<16xi32> to vector<16xi32>
    tpu.vector_store %arg13[%swap3A_222], %swap3A_225 {strides = array<i32>} : memref<80xi32, #tpu.memory_space<vmem>>, vector<16xi32>,
    %and3A_226 = arith.constant 65535 : i32
    %and3A_227 = vector.broadcast %and3A_226 : i32 to vector<16xi32>
    %and3A_228 = arith.andi %get3A_218, %and3A_227 : vector<16xi32>
    %swap3A_229 = arith.constant 32 : index
    %swap3A_230 = tpu.vector_load %arg16[%swap3A_229] {strides = array<i32>} : memref<80xi32, #tpu.memory_space<vmem>>, vector<16xi32>,
    %swap3A_231 = vector.shape_cast %swap3A_230 : vector<16xi32> to vector<16xi32>
    %swap3A_232 = vector.shape_cast %and3A_228 : vector<16xi32> to vector<16xi32>
    tpu.vector_store %arg16[%swap3A_229], %swap3A_232 {strides = array<i32>} : memref<80xi32, #tpu.memory_space<vmem>>, vector<16xi32>,
    %add3A_233 = arith.constant 48 : i32
    %add3A_234 = arith.addi %multiple_of3A_178, %add3A_233 : i32
    %get3A_235 = arith.index_cast %add3A_234 : i32 to index
    %get3A_236 = tpu.vector_load %arg7[%get3A_235] {strides = array<i32>} : memref<10000xi32, #tpu.memory_space<vmem>>, vector<16xi32>,
    %get3A_237 = vector.shape_cast %get3A_236 : vector<16xi32> to vector<16xi32>
    %shift_right_arithmetic3A_238 = arith.constant 16 : i32
    %shift_right_arithmetic3A_239 = vector.broadcast %shift_right_arithmetic3A_238 : i32 to vector<16xi32>
    %shift_right_arithmetic3A_240 = arith.shrsi %get3A_237, %shift_right_arithmetic3A_239 : vector<16xi32>
    %swap3A_241 = arith.constant 48 : index
    %swap3A_242 = tpu.vector_load %arg13[%swap3A_241] {strides = array<i32>} : memref<80xi32, #tpu.memory_space<vmem>>, vector<16xi32>,
    %swap3A_243 = vector.shape_cast %swap3A_242 : vector<16xi32> to vector<16xi32>
    %swap3A_244 = vector.shape_cast %shift_right_arithmetic3A_240 : vector<16xi32> to vector<16xi32>
    tpu.vector_store %arg13[%swap3A_241], %swap3A_244 {strides = array<i32>} : memref<80xi32, #tpu.memory_space<vmem>>, vector<16xi32>,
    %and3A_245 = arith.constant 65535 : i32
    %and3A_246 = vector.broadcast %and3A_245 : i32 to vector<16xi32>
    %and3A_247 = arith.andi %get3A_237, %and3A_246 : vector<16xi32>
    %swap3A_248 = arith.constant 48 : index
    %swap3A_249 = tpu.vector_load %arg16[%swap3A_248] {strides = array<i32>} : memref<80xi32, #tpu.memory_space<vmem>>, vector<16xi32>,
    %swap3A_250 = vector.shape_cast %swap3A_249 : vector<16xi32> to vector<16xi32>
    %swap3A_251 = vector.shape_cast %and3A_247 : vector<16xi32> to vector<16xi32>
    tpu.vector_store %arg16[%swap3A_248], %swap3A_251 {strides = array<i32>} : memref<80xi32, #tpu.memory_space<vmem>>, vector<16xi32>,
    %add3A_252 = arith.constant 64 : i32
    %add3A_253 = arith.addi %multiple_of3A_178, %add3A_252 : i32
    %get3A_254 = arith.index_cast %add3A_253 : i32 to index
    %get3A_255 = tpu.vector_load %arg7[%get3A_254] {strides = array<i32>} : memref<10000xi32, #tpu.memory_space<vmem>>, vector<16xi32>,
    %get3A_256 = vector.shape_cast %get3A_255 : vector<16xi32> to vector<16xi32>
    %shift_right_arithmetic3A_257 = arith.constant 16 : i32
    %shift_right_arithmetic3A_258 = vector.broadcast %shift_right_arithmetic3A_257 : i32 to vector<16xi32>
    %shift_right_arithmetic3A_259 = arith.shrsi %get3A_256, %shift_right_arithmetic3A_258 : vector<16xi32>
    %swap3A_260 = arith.constant 64 : index
    %swap3A_261 = tpu.vector_load %arg13[%swap3A_260] {strides = array<i32>} : memref<80xi32, #tpu.memory_space<vmem>>, vector<16xi32>,
    %swap3A_262 = vector.shape_cast %swap3A_261 : vector<16xi32> to vector<16xi32>
    %swap3A_263 = vector.shape_cast %shift_right_arithmetic3A_259 : vector<16xi32> to vector<16xi32>
    tpu.vector_store %arg13[%swap3A_260], %swap3A_263 {strides = array<i32>} : memref<80xi32, #tpu.memory_space<vmem>>, vector<16xi32>,
    %and3A_264 = arith.constant 65535 : i32
    %and3A_265 = vector.broadcast %and3A_264 : i32 to vector<16xi32>
    %and3A_266 = arith.andi %get3A_256, %and3A_265 : vector<16xi32>
    %swap3A_267 = arith.constant 64 : index
    %swap3A_268 = tpu.vector_load %arg16[%swap3A_267] {strides = array<i32>} : memref<80xi32, #tpu.memory_space<vmem>>, vector<16xi32>,
    %swap3A_269 = vector.shape_cast %swap3A_268 : vector<16xi32> to vector<16xi32>
    %swap3A_270 = vector.shape_cast %and3A_266 : vector<16xi32> to vector<16xi32>
    tpu.vector_store %arg16[%swap3A_267], %swap3A_270 {strides = array<i32>} : memref<80xi32, #tpu.memory_space<vmem>>, vector<16xi32>,
    %dma_start3A_271 = arith.constant 0 : i32
    %dma_start3A_272 = arith.constant 0 : i32
    %dma_start3A_273 = tpu.memref_slice %arg2[%dma_start3A_271, %dma_start3A_272] : memref<20000x128xf32, #tpu.memory_space<hbm>> -> memref<20000x128xf32, #tpu.memory_space<hbm>>
    tpu.enqueue_indirect_dma source(%dma_start3A_273 : memref<20000x128xf32, #tpu.memory_space<hbm>>) target(%arg10 : memref<80x128xf32, #tpu.memory_space<vmem>>) offsets(%arg13 : memref<80xi32, #tpu.memory_space<vmem>>) semaphore(%arg19 : memref<!tpu.dma_semaphore, #tpu.memory_space<semaphore_mem>>)
    %multiple_of3A_274 = arith.constant 80 : i32
    %multiple_of3A_275 = tpu.assume_multiple %multiple_of3A_274, 16 : i32
    %add3A_276 = arith.constant 0 : i32
    %add3A_277 = arith.addi %multiple_of3A_275, %add3A_276 : i32
    %get3A_278 = arith.index_cast %add3A_277 : i32 to index
    %get3A_279 = tpu.vector_load %arg7[%get3A_278] {strides = array<i32>} : memref<10000xi32, #tpu.memory_space<vmem>>, vector<16xi32>,
    %get3A_280 = vector.shape_cast %get3A_279 : vector<16xi32> to vector<16xi32>
    %shift_right_arithmetic3A_281 = arith.constant 16 : i32
    %shift_right_arithmetic3A_282 = vector.broadcast %shift_right_arithmetic3A_281 : i32 to vector<16xi32>
    %shift_right_arithmetic3A_283 = arith.shrsi %get3A_280, %shift_right_arithmetic3A_282 : vector<16xi32>
    %swap3A_284 = arith.constant 0 : index
    %swap3A_285 = tpu.vector_load %arg14[%swap3A_284] {strides = array<i32>} : memref<80xi32, #tpu.memory_space<vmem>>, vector<16xi32>,
    %swap3A_286 = vector.shape_cast %swap3A_285 : vector<16xi32> to vector<16xi32>
    %swap3A_287 = vector.shape_cast %shift_right_arithmetic3A_283 : vector<16xi32> to vector<16xi32>
    tpu.vector_store %arg14[%swap3A_284], %swap3A_287 {strides = array<i32>} : memref<80xi32, #tpu.memory_space<vmem>>, vector<16xi32>,
    %and3A_288 = arith.constant 65535 : i32
    %and3A_289 = vector.broadcast %and3A_288 : i32 to vector<16xi32>
    %and3A_290 = arith.andi %get3A_280, %and3A_289 : vector<16xi32>
    %swap3A_291 = arith.constant 0 : index
    %swap3A_292 = tpu.vector_load %arg17[%swap3A_291] {strides = array<i32>} : memref<80xi32, #tpu.memory_space<vmem>>, vector<16xi32>,
    %swap3A_293 = vector.shape_cast %swap3A_292 : vector<16xi32> to vector<16xi32>
    %swap3A_294 = vector.shape_cast %and3A_290 : vector<16xi32> to vector<16xi32>
    tpu.vector_store %arg17[%swap3A_291], %swap3A_294 {strides = array<i32>} : memref<80xi32, #tpu.memory_space<vmem>>, vector<16xi32>,
    %add3A_295 = arith.constant 16 : i32
    %add3A_296 = arith.addi %multiple_of3A_275, %add3A_295 : i32
    %get3A_297 = arith.index_cast %add3A_296 : i32 to index
    %get3A_298 = tpu.vector_load %arg7[%get3A_297] {strides = array<i32>} : memref<10000xi32, #tpu.memory_space<vmem>>, vector<16xi32>,
    %get3A_299 = vector.shape_cast %get3A_298 : vector<16xi32> to vector<16xi32>
    %shift_right_arithmetic3A_300 = arith.constant 16 : i32
    %shift_right_arithmetic3A_301 = vector.broadcast %shift_right_arithmetic3A_300 : i32 to vector<16xi32>
    %shift_right_arithmetic3A_302 = arith.shrsi %get3A_299, %shift_right_arithmetic3A_301 : vector<16xi32>
    %swap3A_303 = arith.constant 16 : index
    %swap3A_304 = tpu.vector_load %arg14[%swap3A_303] {strides = array<i32>} : memref<80xi32, #tpu.memory_space<vmem>>, vector<16xi32>,
    %swap3A_305 = vector.shape_cast %swap3A_304 : vector<16xi32> to vector<16xi32>
    %swap3A_306 = vector.shape_cast %shift_right_arithmetic3A_302 : vector<16xi32> to vector<16xi32>
    tpu.vector_store %arg14[%swap3A_303], %swap3A_306 {strides = array<i32>} : memref<80xi32, #tpu.memory_space<vmem>>, vector<16xi32>,
    %and3A_307 = arith.constant 65535 : i32
    %and3A_308 = vector.broadcast %and3A_307 : i32 to vector<16xi32>
    %and3A_309 = arith.andi %get3A_299, %and3A_308 : vector<16xi32>
    %swap3A_310 = arith.constant 16 : index
    %swap3A_311 = tpu.vector_load %arg17[%swap3A_310] {strides = array<i32>} : memref<80xi32, #tpu.memory_space<vmem>>, vector<16xi32>,
    %swap3A_312 = vector.shape_cast %swap3A_311 : vector<16xi32> to vector<16xi32>
    %swap3A_313 = vector.shape_cast %and3A_309 : vector<16xi32> to vector<16xi32>
    tpu.vector_store %arg17[%swap3A_310], %swap3A_313 {strides = array<i32>} : memref<80xi32, #tpu.memory_space<vmem>>, vector<16xi32>,
    %add3A_314 = arith.constant 32 : i32
    %add3A_315 = arith.addi %multiple_of3A_275, %add3A_314 : i32
    %get3A_316 = arith.index_cast %add3A_315 : i32 to index
    %get3A_317 = tpu.vector_load %arg7[%get3A_316] {strides = array<i32>} : memref<10000xi32, #tpu.memory_space<vmem>>, vector<16xi32>,
    %get3A_318 = vector.shape_cast %get3A_317 : vector<16xi32> to vector<16xi32>
    %shift_right_arithmetic3A_319 = arith.constant 16 : i32
    %shift_right_arithmetic3A_320 = vector.broadcast %shift_right_arithmetic3A_319 : i32 to vector<16xi32>
    %shift_right_arithmetic3A_321 = arith.shrsi %get3A_318, %shift_right_arithmetic3A_320 : vector<16xi32>
    %swap3A_322 = arith.constant 32 : index
    %swap3A_323 = tpu.vector_load %arg14[%swap3A_322] {strides = array<i32>} : memref<80xi32, #tpu.memory_space<vmem>>, vector<16xi32>,
    %swap3A_324 = vector.shape_cast %swap3A_323 : vector<16xi32> to vector<16xi32>
    %swap3A_325 = vector.shape_cast %shift_right_arithmetic3A_321 : vector<16xi32> to vector<16xi32>
    tpu.vector_store %arg14[%swap3A_322], %swap3A_325 {strides = array<i32>} : memref<80xi32, #tpu.memory_space<vmem>>, vector<16xi32>,
    %and3A_326 = arith.constant 65535 : i32
    %and3A_327 = vector.broadcast %and3A_326 : i32 to vector<16xi32>
    %and3A_328 = arith.andi %get3A_318, %and3A_327 : vector<16xi32>
    %swap3A_329 = arith.constant 32 : index
    %swap3A_330 = tpu.vector_load %arg17[%swap3A_329] {strides = array<i32>} : memref<80xi32, #tpu.memory_space<vmem>>, vector<16xi32>,
    %swap3A_331 = vector.shape_cast %swap3A_330 : vector<16xi32> to vector<16xi32>
    %swap3A_332 = vector.shape_cast %and3A_328 : vector<16xi32> to vector<16xi32>
    tpu.vector_store %arg17[%swap3A_329], %swap3A_332 {strides = array<i32>} : memref<80xi32, #tpu.memory_space<vmem>>, vector<16xi32>,
    %add3A_333 = arith.constant 48 : i32
    %add3A_334 = arith.addi %multiple_of3A_275, %add3A_333 : i32
    %get3A_335 = arith.index_cast %add3A_334 : i32 to index
    %get3A_336 = tpu.vector_load %arg7[%get3A_335] {strides = array<i32>} : memref<10000xi32, #tpu.memory_space<vmem>>, vector<16xi32>,
    %get3A_337 = vector.shape_cast %get3A_336 : vector<16xi32> to vector<16xi32>
    %shift_right_arithmetic3A_338 = arith.constant 16 : i32
    %shift_right_arithmetic3A_339 = vector.broadcast %shift_right_arithmetic3A_338 : i32 to vector<16xi32>
    %shift_right_arithmetic3A_340 = arith.shrsi %get3A_337, %shift_right_arithmetic3A_339 : vector<16xi32>
    %swap3A_341 = arith.constant 48 : index
    %swap3A_342 = tpu.vector_load %arg14[%swap3A_341] {strides = array<i32>} : memref<80xi32, #tpu.memory_space<vmem>>, vector<16xi32>,
    %swap3A_343 = vector.shape_cast %swap3A_342 : vector<16xi32> to vector<16xi32>
    %swap3A_344 = vector.shape_cast %shift_right_arithmetic3A_340 : vector<16xi32> to vector<16xi32>
    tpu.vector_store %arg14[%swap3A_341], %swap3A_344 {strides = array<i32>} : memref<80xi32, #tpu.memory_space<vmem>>, vector<16xi32>,
    %and3A_345 = arith.constant 65535 : i32
    %and3A_346 = vector.broadcast %and3A_345 : i32 to vector<16xi32>
    %and3A_347 = arith.andi %get3A_337, %and3A_346 : vector<16xi32>
    %swap3A_348 = arith.constant 48 : index
    %swap3A_349 = tpu.vector_load %arg17[%swap3A_348] {strides = array<i32>} : memref<80xi32, #tpu.memory_space<vmem>>, vector<16xi32>,
    %swap3A_350 = vector.shape_cast %swap3A_349 : vector<16xi32> to vector<16xi32>
    %swap3A_351 = vector.shape_cast %and3A_347 : vector<16xi32> to vector<16xi32>
    tpu.vector_store %arg17[%swap3A_348], %swap3A_351 {strides = array<i32>} : memref<80xi32, #tpu.memory_space<vmem>>, vector<16xi32>,
    %add3A_352 = arith.constant 64 : i32
    %add3A_353 = arith.addi %multiple_of3A_275, %add3A_352 : i32
    %get3A_354 = arith.index_cast %add3A_353 : i32 to index
    %get3A_355 = tpu.vector_load %arg7[%get3A_354] {strides = array<i32>} : memref<10000xi32, #tpu.memory_space<vmem>>, vector<16xi32>,
    %get3A_356 = vector.shape_cast %get3A_355 : vector<16xi32> to vector<16xi32>
    %shift_right_arithmetic3A_357 = arith.constant 16 : i32
    %shift_right_arithmetic3A_358 = vector.broadcast %shift_right_arithmetic3A_357 : i32 to vector<16xi32>
    %shift_right_arithmetic3A_359 = arith.shrsi %get3A_356, %shift_right_arithmetic3A_358 : vector<16xi32>
    %swap3A_360 = arith.constant 64 : index
    %swap3A_361 = tpu.vector_load %arg14[%swap3A_360] {strides = array<i32>} : memref<80xi32, #tpu.memory_space<vmem>>, vector<16xi32>,
    %swap3A_362 = vector.shape_cast %swap3A_361 : vector<16xi32> to vector<16xi32>
    %swap3A_363 = vector.shape_cast %shift_right_arithmetic3A_359 : vector<16xi32> to vector<16xi32>
    tpu.vector_store %arg14[%swap3A_360], %swap3A_363 {strides = array<i32>} : memref<80xi32, #tpu.memory_space<vmem>>, vector<16xi32>,
    %and3A_364 = arith.constant 65535 : i32
    %and3A_365 = vector.broadcast %and3A_364 : i32 to vector<16xi32>
    %and3A_366 = arith.andi %get3A_356, %and3A_365 : vector<16xi32>
    %swap3A_367 = arith.constant 64 : index
    %swap3A_368 = tpu.vector_load %arg17[%swap3A_367] {strides = array<i32>} : memref<80xi32, #tpu.memory_space<vmem>>, vector<16xi32>,
    %swap3A_369 = vector.shape_cast %swap3A_368 : vector<16xi32> to vector<16xi32>
    %swap3A_370 = vector.shape_cast %and3A_366 : vector<16xi32> to vector<16xi32>
    tpu.vector_store %arg17[%swap3A_367], %swap3A_370 {strides = array<i32>} : memref<80xi32, #tpu.memory_space<vmem>>, vector<16xi32>,
    %dma_start3A_371 = arith.constant 0 : i32
    %dma_start3A_372 = arith.constant 0 : i32
    %dma_start3A_373 = tpu.memref_slice %arg2[%dma_start3A_371, %dma_start3A_372] : memref<20000x128xf32, #tpu.memory_space<hbm>> -> memref<20000x128xf32, #tpu.memory_space<hbm>>
    tpu.enqueue_indirect_dma source(%dma_start3A_373 : memref<20000x128xf32, #tpu.memory_space<hbm>>) target(%arg11 : memref<80x128xf32, #tpu.memory_space<vmem>>) offsets(%arg14 : memref<80xi32, #tpu.memory_space<vmem>>) semaphore(%arg20 : memref<!tpu.dma_semaphore, #tpu.memory_space<semaphore_mem>>)
    %scan3A_374 = arith.constant 0 : i32
    %scan3A_375 = arith.constant 0 : i32
    %scan3A_376 = arith.constant 41 : i32
    %scan3A_377 = arith.addi %scan3A_375, %scan3A_376 : i32
    %scan3A_378 = arith.constant 1 : i32
    %scan3A_379 = scf.for %scan3A_442 = %scan3A_375 to %scan3A_377 step %scan3A_378 iter_args(%scan3A_443 = %scan3A_374) -> (i32)  : i32 {
      %mul3A_444 = arith.constant 3 : i32
      %mul3A_445 = arith.muli %scan3A_442, %mul3A_444 : i32
      %add3A_446 = arith.constant 0 : i32
      %add3A_447 = arith.addi %mul3A_445, %add3A_446 : i32
      %dma_wait3A_448 = arith.constant 0 : i32
      %dma_wait3A_449 = arith.constant 0 : i32
      %dma_wait3A_450 = tpu.memref_slice %arg2[%dma_wait3A_448, %dma_wait3A_449] : memref<20000x128xf32, #tpu.memory_space<hbm>> -> memref<80x128xf32, #tpu.memory_space<hbm>>
      %dma_wait3A_451 = arith.constant 0 : i32
      %dma_wait3A_452 = arith.constant 0 : i32
      %dma_wait3A_453 = tpu.memref_slice %arg2[%dma_wait3A_451, %dma_wait3A_452] : memref<20000x128xf32, #tpu.memory_space<hbm>> -> memref<80x128xf32, #tpu.memory_space<hbm>>
      tpu.wait_dma2 semaphore(%arg19 : memref<!tpu.dma_semaphore, #tpu.memory_space<semaphore_mem>>) src(%dma_wait3A_453 : memref<80x128xf32, #tpu.memory_space<hbm>>) dst(%arg10 : memref<80x128xf32, #tpu.memory_space<vmem>>)
      %dma_start3A_454 = arith.constant 0 : i32
      %dma_start3A_455 = arith.constant 0 : i32
      %dma_start3A_456 = tpu.memref_slice %arg6[%dma_start3A_454, %dma_start3A_455] : memref<10000x128xf32, #tpu.memory_space<vmem_shared>> -> memref<10000x128xf32, #tpu.memory_space<vmem_shared>>
      tpu.enqueue_indirect_dma source(%arg10 : memref<80x128xf32, #tpu.memory_space<vmem>>) target(%dma_start3A_456 : memref<10000x128xf32, #tpu.memory_space<vmem_shared>>) offsets(%arg16 : memref<80xi32, #tpu.memory_space<vmem>>) semaphore(%arg22 : memref<!tpu.dma_semaphore, #tpu.memory_space<semaphore_mem>>) {add = true}
      %ge3A = arith.constant 1 : i32
      %ge3A_457 = arith.cmpi sge, %add3A_447, %ge3A : i32
      %convert_element_type3A = arith.extui %ge3A_457 : i1 to i32
      %cond3A = arith.constant 0 : i32
      %cond3A_458 = arith.cmpi ne, %convert_element_type3A, %cond3A : i32
      scf.if %cond3A_458 {
        %dma_wait3A_516 = arith.constant 0 : i32
        %dma_wait3A_517 = arith.constant 0 : i32
        %dma_wait3A_518 = tpu.memref_slice %arg2[%dma_wait3A_516, %dma_wait3A_517] : memref<20000x128xf32, #tpu.memory_space<hbm>> -> memref<80x128xf32, #tpu.memory_space<hbm>>
        %dma_wait3A_519 = arith.constant 0 : i32
        %dma_wait3A_520 = arith.constant 0 : i32
        %dma_wait3A_521 = tpu.memref_slice %arg2[%dma_wait3A_519, %dma_wait3A_520] : memref<20000x128xf32, #tpu.memory_space<hbm>> -> memref<80x128xf32, #tpu.memory_space<hbm>>
        tpu.wait_dma2 semaphore(%arg24 : memref<!tpu.dma_semaphore, #tpu.memory_space<semaphore_mem>>) src(%dma_wait3A_521 : memref<80x128xf32, #tpu.memory_space<hbm>>) dst(%arg12 : memref<80x128xf32, #tpu.memory_space<vmem>>)
      } else {
      }
      %add3A_459 = arith.constant 2 : i32
      %add3A_460 = arith.addi %add3A_447, %add3A_459 : i32
      %lt3A = arith.constant 125 : i32
      %lt3A_461 = arith.cmpi slt, %add3A_460, %lt3A : i32
      %convert_element_type3A_462 = arith.extui %lt3A_461 : i1 to i32
      %cond3A_463 = arith.constant 0 : i32
      %cond3A_464 = arith.cmpi ne, %convert_element_type3A_462, %cond3A_463 : i32
      scf.if %cond3A_464 {
        %add3A_516 = arith.constant 2 : i32
        %add3A_517 = arith.addi %add3A_447, %add3A_516 : i32
        %mul3A_518 = arith.constant 80 : i32
        %mul3A_519 = arith.muli %add3A_517, %mul3A_518 : i32
        %multiple_of3A_520 = tpu.assume_multiple %mul3A_519, 16 : i32
        %add3A_521 = arith.constant 0 : i32
        %add3A_522 = arith.addi %multiple_of3A_520, %add3A_521 : i32
        %get3A_523 = arith.index_cast %add3A_522 : i32 to index
        %get3A_524 = tpu.vector_load %arg7[%get3A_523] {strides = array<i32>} : memref<10000xi32, #tpu.memory_space<vmem>>, vector<16xi32>,
        %get3A_525 = vector.shape_cast %get3A_524 : vector<16xi32> to vector<16xi32>
        %shift_right_arithmetic3A_526 = arith.constant 16 : i32
        %shift_right_arithmetic3A_527 = vector.broadcast %shift_right_arithmetic3A_526 : i32 to vector<16xi32>
        %shift_right_arithmetic3A_528 = arith.shrsi %get3A_525, %shift_right_arithmetic3A_527 : vector<16xi32>
        %swap3A_529 = arith.constant 0 : index
        %swap3A_530 = tpu.vector_load %arg15[%swap3A_529] {strides = array<i32>} : memref<80xi32, #tpu.memory_space<vmem>>, vector<16xi32>,
        %swap3A_531 = vector.shape_cast %swap3A_530 : vector<16xi32> to vector<16xi32>
        %swap3A_532 = vector.shape_cast %shift_right_arithmetic3A_528 : vector<16xi32> to vector<16xi32>
        tpu.vector_store %arg15[%swap3A_529], %swap3A_532 {strides = array<i32>} : memref<80xi32, #tpu.memory_space<vmem>>, vector<16xi32>,
        %and3A_533 = arith.constant 65535 : i32
        %and3A_534 = vector.broadcast %and3A_533 : i32 to vector<16xi32>
        %and3A_535 = arith.andi %get3A_525, %and3A_534 : vector<16xi32>
        %swap3A_536 = arith.constant 0 : index
        %swap3A_537 = tpu.vector_load %arg18[%swap3A_536] {strides = array<i32>} : memref<80xi32, #tpu.memory_space<vmem>>, vector<16xi32>,
        %swap3A_538 = vector.shape_cast %swap3A_537 : vector<16xi32> to vector<16xi32>
        %swap3A_539 = vector.shape_cast %and3A_535 : vector<16xi32> to vector<16xi32>
        tpu.vector_store %arg18[%swap3A_536], %swap3A_539 {strides = array<i32>} : memref<80xi32, #tpu.memory_space<vmem>>, vector<16xi32>,
        %add3A_540 = arith.constant 16 : i32
        %add3A_541 = arith.addi %multiple_of3A_520, %add3A_540 : i32
        %get3A_542 = arith.index_cast %add3A_541 : i32 to index
        %get3A_543 = tpu.vector_load %arg7[%get3A_542] {strides = array<i32>} : memref<10000xi32, #tpu.memory_space<vmem>>, vector<16xi32>,
        %get3A_544 = vector.shape_cast %get3A_543 : vector<16xi32> to vector<16xi32>
        %shift_right_arithmetic3A_545 = arith.constant 16 : i32
        %shift_right_arithmetic3A_546 = vector.broadcast %shift_right_arithmetic3A_545 : i32 to vector<16xi32>
        %shift_right_arithmetic3A_547 = arith.shrsi %get3A_544, %shift_right_arithmetic3A_546 : vector<16xi32>
        %swap3A_548 = arith.constant 16 : index
        %swap3A_549 = tpu.vector_load %arg15[%swap3A_548] {strides = array<i32>} : memref<80xi32, #tpu.memory_space<vmem>>, vector<16xi32>,
        %swap3A_550 = vector.shape_cast %swap3A_549 : vector<16xi32> to vector<16xi32>
        %swap3A_551 = vector.shape_cast %shift_right_arithmetic3A_547 : vector<16xi32> to vector<16xi32>
        tpu.vector_store %arg15[%swap3A_548], %swap3A_551 {strides = array<i32>} : memref<80xi32, #tpu.memory_space<vmem>>, vector<16xi32>,
        %and3A_552 = arith.constant 65535 : i32
        %and3A_553 = vector.broadcast %and3A_552 : i32 to vector<16xi32>
        %and3A_554 = arith.andi %get3A_544, %and3A_553 : vector<16xi32>
        %swap3A_555 = arith.constant 16 : index
        %swap3A_556 = tpu.vector_load %arg18[%swap3A_555] {strides = array<i32>} : memref<80xi32, #tpu.memory_space<vmem>>, vector<16xi32>,
        %swap3A_557 = vector.shape_cast %swap3A_556 : vector<16xi32> to vector<16xi32>
        %swap3A_558 = vector.shape_cast %and3A_554 : vector<16xi32> to vector<16xi32>
        tpu.vector_store %arg18[%swap3A_555], %swap3A_558 {strides = array<i32>} : memref<80xi32, #tpu.memory_space<vmem>>, vector<16xi32>,
        %add3A_559 = arith.constant 32 : i32
        %add3A_560 = arith.addi %multiple_of3A_520, %add3A_559 : i32
        %get3A_561 = arith.index_cast %add3A_560 : i32 to index
        %get3A_562 = tpu.vector_load %arg7[%get3A_561] {strides = array<i32>} : memref<10000xi32, #tpu.memory_space<vmem>>, vector<16xi32>,
        %get3A_563 = vector.shape_cast %get3A_562 : vector<16xi32> to vector<16xi32>
        %shift_right_arithmetic3A_564 = arith.constant 16 : i32
        %shift_right_arithmetic3A_565 = vector.broadcast %shift_right_arithmetic3A_564 : i32 to vector<16xi32>
        %shift_right_arithmetic3A_566 = arith.shrsi %get3A_563, %shift_right_arithmetic3A_565 : vector<16xi32>
        %swap3A_567 = arith.constant 32 : index
        %swap3A_568 = tpu.vector_load %arg15[%swap3A_567] {strides = array<i32>} : memref<80xi32, #tpu.memory_space<vmem>>, vector<16xi32>,
        %swap3A_569 = vector.shape_cast %swap3A_568 : vector<16xi32> to vector<16xi32>
        %swap3A_570 = vector.shape_cast %shift_right_arithmetic3A_566 : vector<16xi32> to vector<16xi32>
        tpu.vector_store %arg15[%swap3A_567], %swap3A_570 {strides = array<i32>} : memref<80xi32, #tpu.memory_space<vmem>>, vector<16xi32>,
        %and3A_571 = arith.constant 65535 : i32
        %and3A_572 = vector.broadcast %and3A_571 : i32 to vector<16xi32>
        %and3A_573 = arith.andi %get3A_563, %and3A_572 : vector<16xi32>
        %swap3A_574 = arith.constant 32 : index
        %swap3A_575 = tpu.vector_load %arg18[%swap3A_574] {strides = array<i32>} : memref<80xi32, #tpu.memory_space<vmem>>, vector<16xi32>,
        %swap3A_576 = vector.shape_cast %swap3A_575 : vector<16xi32> to vector<16xi32>
        %swap3A_577 = vector.shape_cast %and3A_573 : vector<16xi32> to vector<16xi32>
        tpu.vector_store %arg18[%swap3A_574], %swap3A_577 {strides = array<i32>} : memref<80xi32, #tpu.memory_space<vmem>>, vector<16xi32>,
        %add3A_578 = arith.constant 48 : i32
        %add3A_579 = arith.addi %multiple_of3A_520, %add3A_578 : i32
        %get3A_580 = arith.index_cast %add3A_579 : i32 to index
        %get3A_581 = tpu.vector_load %arg7[%get3A_580] {strides = array<i32>} : memref<10000xi32, #tpu.memory_space<vmem>>, vector<16xi32>,
        %get3A_582 = vector.shape_cast %get3A_581 : vector<16xi32> to vector<16xi32>
        %shift_right_arithmetic3A_583 = arith.constant 16 : i32
        %shift_right_arithmetic3A_584 = vector.broadcast %shift_right_arithmetic3A_583 : i32 to vector<16xi32>
        %shift_right_arithmetic3A_585 = arith.shrsi %get3A_582, %shift_right_arithmetic3A_584 : vector<16xi32>
        %swap3A_586 = arith.constant 48 : index
        %swap3A_587 = tpu.vector_load %arg15[%swap3A_586] {strides = array<i32>} : memref<80xi32, #tpu.memory_space<vmem>>, vector<16xi32>,
        %swap3A_588 = vector.shape_cast %swap3A_587 : vector<16xi32> to vector<16xi32>
        %swap3A_589 = vector.shape_cast %shift_right_arithmetic3A_585 : vector<16xi32> to vector<16xi32>
        tpu.vector_store %arg15[%swap3A_586], %swap3A_589 {strides = array<i32>} : memref<80xi32, #tpu.memory_space<vmem>>, vector<16xi32>,
        %and3A_590 = arith.constant 65535 : i32
        %and3A_591 = vector.broadcast %and3A_590 : i32 to vector<16xi32>
        %and3A_592 = arith.andi %get3A_582, %and3A_591 : vector<16xi32>
        %swap3A_593 = arith.constant 48 : index
        %swap3A_594 = tpu.vector_load %arg18[%swap3A_593] {strides = array<i32>} : memref<80xi32, #tpu.memory_space<vmem>>, vector<16xi32>,
        %swap3A_595 = vector.shape_cast %swap3A_594 : vector<16xi32> to vector<16xi32>
        %swap3A_596 = vector.shape_cast %and3A_592 : vector<16xi32> to vector<16xi32>
        tpu.vector_store %arg18[%swap3A_593], %swap3A_596 {strides = array<i32>} : memref<80xi32, #tpu.memory_space<vmem>>, vector<16xi32>,
        %add3A_597 = arith.constant 64 : i32
        %add3A_598 = arith.addi %multiple_of3A_520, %add3A_597 : i32
        %get3A_599 = arith.index_cast %add3A_598 : i32 to index
        %get3A_600 = tpu.vector_load %arg7[%get3A_599] {strides = array<i32>} : memref<10000xi32, #tpu.memory_space<vmem>>, vector<16xi32>,
        %get3A_601 = vector.shape_cast %get3A_600 : vector<16xi32> to vector<16xi32>
        %shift_right_arithmetic3A_602 = arith.constant 16 : i32
        %shift_right_arithmetic3A_603 = vector.broadcast %shift_right_arithmetic3A_602 : i32 to vector<16xi32>
        %shift_right_arithmetic3A_604 = arith.shrsi %get3A_601, %shift_right_arithmetic3A_603 : vector<16xi32>
        %swap3A_605 = arith.constant 64 : index
        %swap3A_606 = tpu.vector_load %arg15[%swap3A_605] {strides = array<i32>} : memref<80xi32, #tpu.memory_space<vmem>>, vector<16xi32>,
        %swap3A_607 = vector.shape_cast %swap3A_606 : vector<16xi32> to vector<16xi32>
        %swap3A_608 = vector.shape_cast %shift_right_arithmetic3A_604 : vector<16xi32> to vector<16xi32>
        tpu.vector_store %arg15[%swap3A_605], %swap3A_608 {strides = array<i32>} : memref<80xi32, #tpu.memory_space<vmem>>, vector<16xi32>,
        %and3A_609 = arith.constant 65535 : i32
        %and3A_610 = vector.broadcast %and3A_609 : i32 to vector<16xi32>
        %and3A_611 = arith.andi %get3A_601, %and3A_610 : vector<16xi32>
        %swap3A_612 = arith.constant 64 : index
        %swap3A_613 = tpu.vector_load %arg18[%swap3A_612] {strides = array<i32>} : memref<80xi32, #tpu.memory_space<vmem>>, vector<16xi32>,
        %swap3A_614 = vector.shape_cast %swap3A_613 : vector<16xi32> to vector<16xi32>
        %swap3A_615 = vector.shape_cast %and3A_611 : vector<16xi32> to vector<16xi32>
        tpu.vector_store %arg18[%swap3A_612], %swap3A_615 {strides = array<i32>} : memref<80xi32, #tpu.memory_space<vmem>>, vector<16xi32>,
        %dma_start3A_616 = arith.constant 0 : i32
        %dma_start3A_617 = arith.constant 0 : i32
        %dma_start3A_618 = tpu.memref_slice %arg2[%dma_start3A_616, %dma_start3A_617] : memref<20000x128xf32, #tpu.memory_space<hbm>> -> memref<20000x128xf32, #tpu.memory_space<hbm>>
        tpu.enqueue_indirect_dma source(%dma_start3A_618 : memref<20000x128xf32, #tpu.memory_space<hbm>>) target(%arg12 : memref<80x128xf32, #tpu.memory_space<vmem>>) offsets(%arg15 : memref<80xi32, #tpu.memory_space<vmem>>) semaphore(%arg21 : memref<!tpu.dma_semaphore, #tpu.memory_space<semaphore_mem>>)
      } else {
      }
      %mul3A_465 = arith.constant 3 : i32
      %mul3A_466 = arith.muli %scan3A_442, %mul3A_465 : i32
      %add3A_467 = arith.constant 1 : i32
      %add3A_468 = arith.addi %mul3A_466, %add3A_467 : i32
      %dma_wait3A_469 = arith.constant 0 : i32
      %dma_wait3A_470 = arith.constant 0 : i32
      %dma_wait3A_471 = tpu.memref_slice %arg2[%dma_wait3A_469, %dma_wait3A_470] : memref<20000x128xf32, #tpu.memory_space<hbm>> -> memref<80x128xf32, #tpu.memory_space<hbm>>
      %dma_wait3A_472 = arith.constant 0 : i32
      %dma_wait3A_473 = arith.constant 0 : i32
      %dma_wait3A_474 = tpu.memref_slice %arg2[%dma_wait3A_472, %dma_wait3A_473] : memref<20000x128xf32, #tpu.memory_space<hbm>> -> memref<80x128xf32, #tpu.memory_space<hbm>>
      tpu.wait_dma2 semaphore(%arg20 : memref<!tpu.dma_semaphore, #tpu.memory_space<semaphore_mem>>) src(%dma_wait3A_474 : memref<80x128xf32, #tpu.memory_space<hbm>>) dst(%arg11 : memref<80x128xf32, #tpu.memory_space<vmem>>)
      %dma_start3A_475 = arith.constant 0 : i32
      %dma_start3A_476 = arith.constant 0 : i32
      %dma_start3A_477 = tpu.memref_slice %arg6[%dma_start3A_475, %dma_start3A_476] : memref<10000x128xf32, #tpu.memory_space<vmem_shared>> -> memref<10000x128xf32, #tpu.memory_space<vmem_shared>>
      tpu.enqueue_indirect_dma source(%arg11 : memref<80x128xf32, #tpu.memory_space<vmem>>) target(%dma_start3A_477 : memref<10000x128xf32, #tpu.memory_space<vmem_shared>>) offsets(%arg17 : memref<80xi32, #tpu.memory_space<vmem>>) semaphore(%arg23 : memref<!tpu.dma_semaphore, #tpu.memory_space<semaphore_mem>>) {add = true}
      %ge3A_478 = arith.constant 1 : i32
      %ge3A_479 = arith.cmpi sge, %add3A_468, %ge3A_478 : i32
      %convert_element_type3A_480 = arith.extui %ge3A_479 : i1 to i32
      %cond3A_481 = arith.constant 0 : i32
      %cond3A_482 = arith.cmpi ne, %convert_element_type3A_480, %cond3A_481 : i32
      scf.if %cond3A_482 {
        %dma_wait3A_516 = arith.constant 0 : i32
        %dma_wait3A_517 = arith.constant 0 : i32
        %dma_wait3A_518 = tpu.memref_slice %arg2[%dma_wait3A_516, %dma_wait3A_517] : memref<20000x128xf32, #tpu.memory_space<hbm>> -> memref<80x128xf32, #tpu.memory_space<hbm>>
        %dma_wait3A_519 = arith.constant 0 : i32
        %dma_wait3A_520 = arith.constant 0 : i32
        %dma_wait3A_521 = tpu.memref_slice %arg2[%dma_wait3A_519, %dma_wait3A_520] : memref<20000x128xf32, #tpu.memory_space<hbm>> -> memref<80x128xf32, #tpu.memory_space<hbm>>
        tpu.wait_dma2 semaphore(%arg22 : memref<!tpu.dma_semaphore, #tpu.memory_space<semaphore_mem>>) src(%dma_wait3A_521 : memref<80x128xf32, #tpu.memory_space<hbm>>) dst(%arg10 : memref<80x128xf32, #tpu.memory_space<vmem>>)
      } else {
      }
      %add3A_483 = arith.constant 2 : i32
      %add3A_484 = arith.addi %add3A_468, %add3A_483 : i32
      %lt3A_485 = arith.constant 125 : i32
      %lt3A_486 = arith.cmpi slt, %add3A_484, %lt3A_485 : i32
      %convert_element_type3A_487 = arith.extui %lt3A_486 : i1 to i32
      %cond3A_488 = arith.constant 0 : i32
      %cond3A_489 = arith.cmpi ne, %convert_element_type3A_487, %cond3A_488 : i32
      scf.if %cond3A_489 {
        %add3A_516 = arith.constant 2 : i32
        %add3A_517 = arith.addi %add3A_468, %add3A_516 : i32
        %mul3A_518 = arith.constant 80 : i32
        %mul3A_519 = arith.muli %add3A_517, %mul3A_518 : i32
        %multiple_of3A_520 = tpu.assume_multiple %mul3A_519, 16 : i32
        %add3A_521 = arith.constant 0 : i32
        %add3A_522 = arith.addi %multiple_of3A_520, %add3A_521 : i32
        %get3A_523 = arith.index_cast %add3A_522 : i32 to index
        %get3A_524 = tpu.vector_load %arg7[%get3A_523] {strides = array<i32>} : memref<10000xi32, #tpu.memory_space<vmem>>, vector<16xi32>,
        %get3A_525 = vector.shape_cast %get3A_524 : vector<16xi32> to vector<16xi32>
        %shift_right_arithmetic3A_526 = arith.constant 16 : i32
        %shift_right_arithmetic3A_527 = vector.broadcast %shift_right_arithmetic3A_526 : i32 to vector<16xi32>
        %shift_right_arithmetic3A_528 = arith.shrsi %get3A_525, %shift_right_arithmetic3A_527 : vector<16xi32>
        %swap3A_529 = arith.constant 0 : index
        %swap3A_530 = tpu.vector_load %arg13[%swap3A_529] {strides = array<i32>} : memref<80xi32, #tpu.memory_space<vmem>>, vector<16xi32>,
        %swap3A_531 = vector.shape_cast %swap3A_530 : vector<16xi32> to vector<16xi32>
        %swap3A_532 = vector.shape_cast %shift_right_arithmetic3A_528 : vector<16xi32> to vector<16xi32>
        tpu.vector_store %arg13[%swap3A_529], %swap3A_532 {strides = array<i32>} : memref<80xi32, #tpu.memory_space<vmem>>, vector<16xi32>,
        %and3A_533 = arith.constant 65535 : i32
        %and3A_534 = vector.broadcast %and3A_533 : i32 to vector<16xi32>
        %and3A_535 = arith.andi %get3A_525, %and3A_534 : vector<16xi32>
        %swap3A_536 = arith.constant 0 : index
        %swap3A_537 = tpu.vector_load %arg16[%swap3A_536] {strides = array<i32>} : memref<80xi32, #tpu.memory_space<vmem>>, vector<16xi32>,
        %swap3A_538 = vector.shape_cast %swap3A_537 : vector<16xi32> to vector<16xi32>
        %swap3A_539 = vector.shape_cast %and3A_535 : vector<16xi32> to vector<16xi32>
        tpu.vector_store %arg16[%swap3A_536], %swap3A_539 {strides = array<i32>} : memref<80xi32, #tpu.memory_space<vmem>>, vector<16xi32>,
        %add3A_540 = arith.constant 16 : i32
        %add3A_541 = arith.addi %multiple_of3A_520, %add3A_540 : i32
        %get3A_542 = arith.index_cast %add3A_541 : i32 to index
        %get3A_543 = tpu.vector_load %arg7[%get3A_542] {strides = array<i32>} : memref<10000xi32, #tpu.memory_space<vmem>>, vector<16xi32>,
        %get3A_544 = vector.shape_cast %get3A_543 : vector<16xi32> to vector<16xi32>
        %shift_right_arithmetic3A_545 = arith.constant 16 : i32
        %shift_right_arithmetic3A_546 = vector.broadcast %shift_right_arithmetic3A_545 : i32 to vector<16xi32>
        %shift_right_arithmetic3A_547 = arith.shrsi %get3A_544, %shift_right_arithmetic3A_546 : vector<16xi32>
        %swap3A_548 = arith.constant 16 : index
        %swap3A_549 = tpu.vector_load %arg13[%swap3A_548] {strides = array<i32>} : memref<80xi32, #tpu.memory_space<vmem>>, vector<16xi32>,
        %swap3A_550 = vector.shape_cast %swap3A_549 : vector<16xi32> to vector<16xi32>
        %swap3A_551 = vector.shape_cast %shift_right_arithmetic3A_547 : vector<16xi32> to vector<16xi32>
        tpu.vector_store %arg13[%swap3A_548], %swap3A_551 {strides = array<i32>} : memref<80xi32, #tpu.memory_space<vmem>>, vector<16xi32>,
        %and3A_552 = arith.constant 65535 : i32
        %and3A_553 = vector.broadcast %and3A_552 : i32 to vector<16xi32>
        %and3A_554 = arith.andi %get3A_544, %and3A_553 : vector<16xi32>
        %swap3A_555 = arith.constant 16 : index
        %swap3A_556 = tpu.vector_load %arg16[%swap3A_555] {strides = array<i32>} : memref<80xi32, #tpu.memory_space<vmem>>, vector<16xi32>,
        %swap3A_557 = vector.shape_cast %swap3A_556 : vector<16xi32> to vector<16xi32>
        %swap3A_558 = vector.shape_cast %and3A_554 : vector<16xi32> to vector<16xi32>
        tpu.vector_store %arg16[%swap3A_555], %swap3A_558 {strides = array<i32>} : memref<80xi32, #tpu.memory_space<vmem>>, vector<16xi32>,
        %add3A_559 = arith.constant 32 : i32
        %add3A_560 = arith.addi %multiple_of3A_520, %add3A_559 : i32
        %get3A_561 = arith.index_cast %add3A_560 : i32 to index
        %get3A_562 = tpu.vector_load %arg7[%get3A_561] {strides = array<i32>} : memref<10000xi32, #tpu.memory_space<vmem>>, vector<16xi32>,
        %get3A_563 = vector.shape_cast %get3A_562 : vector<16xi32> to vector<16xi32>
        %shift_right_arithmetic3A_564 = arith.constant 16 : i32
        %shift_right_arithmetic3A_565 = vector.broadcast %shift_right_arithmetic3A_564 : i32 to vector<16xi32>
        %shift_right_arithmetic3A_566 = arith.shrsi %get3A_563, %shift_right_arithmetic3A_565 : vector<16xi32>
        %swap3A_567 = arith.constant 32 : index
        %swap3A_568 = tpu.vector_load %arg13[%swap3A_567] {strides = array<i32>} : memref<80xi32, #tpu.memory_space<vmem>>, vector<16xi32>,
        %swap3A_569 = vector.shape_cast %swap3A_568 : vector<16xi32> to vector<16xi32>
        %swap3A_570 = vector.shape_cast %shift_right_arithmetic3A_566 : vector<16xi32> to vector<16xi32>
        tpu.vector_store %arg13[%swap3A_567], %swap3A_570 {strides = array<i32>} : memref<80xi32, #tpu.memory_space<vmem>>, vector<16xi32>,
        %and3A_571 = arith.constant 65535 : i32
        %and3A_572 = vector.broadcast %and3A_571 : i32 to vector<16xi32>
        %and3A_573 = arith.andi %get3A_563, %and3A_572 : vector<16xi32>
        %swap3A_574 = arith.constant 32 : index
        %swap3A_575 = tpu.vector_load %arg16[%swap3A_574] {strides = array<i32>} : memref<80xi32, #tpu.memory_space<vmem>>, vector<16xi32>,
        %swap3A_576 = vector.shape_cast %swap3A_575 : vector<16xi32> to vector<16xi32>
        %swap3A_577 = vector.shape_cast %and3A_573 : vector<16xi32> to vector<16xi32>
        tpu.vector_store %arg16[%swap3A_574], %swap3A_577 {strides = array<i32>} : memref<80xi32, #tpu.memory_space<vmem>>, vector<16xi32>,
        %add3A_578 = arith.constant 48 : i32
        %add3A_579 = arith.addi %multiple_of3A_520, %add3A_578 : i32
        %get3A_580 = arith.index_cast %add3A_579 : i32 to index
        %get3A_581 = tpu.vector_load %arg7[%get3A_580] {strides = array<i32>} : memref<10000xi32, #tpu.memory_space<vmem>>, vector<16xi32>,
        %get3A_582 = vector.shape_cast %get3A_581 : vector<16xi32> to vector<16xi32>
        %shift_right_arithmetic3A_583 = arith.constant 16 : i32
        %shift_right_arithmetic3A_584 = vector.broadcast %shift_right_arithmetic3A_583 : i32 to vector<16xi32>
        %shift_right_arithmetic3A_585 = arith.shrsi %get3A_582, %shift_right_arithmetic3A_584 : vector<16xi32>
        %swap3A_586 = arith.constant 48 : index
        %swap3A_587 = tpu.vector_load %arg13[%swap3A_586] {strides = array<i32>} : memref<80xi32, #tpu.memory_space<vmem>>, vector<16xi32>,
        %swap3A_588 = vector.shape_cast %swap3A_587 : vector<16xi32> to vector<16xi32>
        %swap3A_589 = vector.shape_cast %shift_right_arithmetic3A_585 : vector<16xi32> to vector<16xi32>
        tpu.vector_store %arg13[%swap3A_586], %swap3A_589 {strides = array<i32>} : memref<80xi32, #tpu.memory_space<vmem>>, vector<16xi32>,
        %and3A_590 = arith.constant 65535 : i32
        %and3A_591 = vector.broadcast %and3A_590 : i32 to vector<16xi32>
        %and3A_592 = arith.andi %get3A_582, %and3A_591 : vector<16xi32>
        %swap3A_593 = arith.constant 48 : index
        %swap3A_594 = tpu.vector_load %arg16[%swap3A_593] {strides = array<i32>} : memref<80xi32, #tpu.memory_space<vmem>>, vector<16xi32>,
        %swap3A_595 = vector.shape_cast %swap3A_594 : vector<16xi32> to vector<16xi32>
        %swap3A_596 = vector.shape_cast %and3A_592 : vector<16xi32> to vector<16xi32>
        tpu.vector_store %arg16[%swap3A_593], %swap3A_596 {strides = array<i32>} : memref<80xi32, #tpu.memory_space<vmem>>, vector<16xi32>,
        %add3A_597 = arith.constant 64 : i32
        %add3A_598 = arith.addi %multiple_of3A_520, %add3A_597 : i32
        %get3A_599 = arith.index_cast %add3A_598 : i32 to index
        %get3A_600 = tpu.vector_load %arg7[%get3A_599] {strides = array<i32>} : memref<10000xi32, #tpu.memory_space<vmem>>, vector<16xi32>,
        %get3A_601 = vector.shape_cast %get3A_600 : vector<16xi32> to vector<16xi32>
        %shift_right_arithmetic3A_602 = arith.constant 16 : i32
        %shift_right_arithmetic3A_603 = vector.broadcast %shift_right_arithmetic3A_602 : i32 to vector<16xi32>
        %shift_right_arithmetic3A_604 = arith.shrsi %get3A_601, %shift_right_arithmetic3A_603 : vector<16xi32>
        %swap3A_605 = arith.constant 64 : index
        %swap3A_606 = tpu.vector_load %arg13[%swap3A_605] {strides = array<i32>} : memref<80xi32, #tpu.memory_space<vmem>>, vector<16xi32>,
        %swap3A_607 = vector.shape_cast %swap3A_606 : vector<16xi32> to vector<16xi32>
        %swap3A_608 = vector.shape_cast %shift_right_arithmetic3A_604 : vector<16xi32> to vector<16xi32>
        tpu.vector_store %arg13[%swap3A_605], %swap3A_608 {strides = array<i32>} : memref<80xi32, #tpu.memory_space<vmem>>, vector<16xi32>,
        %and3A_609 = arith.constant 65535 : i32
        %and3A_610 = vector.broadcast %and3A_609 : i32 to vector<16xi32>
        %and3A_611 = arith.andi %get3A_601, %and3A_610 : vector<16xi32>
        %swap3A_612 = arith.constant 64 : index
        %swap3A_613 = tpu.vector_load %arg16[%swap3A_612] {strides = array<i32>} : memref<80xi32, #tpu.memory_space<vmem>>, vector<16xi32>,
        %swap3A_614 = vector.shape_cast %swap3A_613 : vector<16xi32> to vector<16xi32>
        %swap3A_615 = vector.shape_cast %and3A_611 : vector<16xi32> to vector<16xi32>
        tpu.vector_store %arg16[%swap3A_612], %swap3A_615 {strides = array<i32>} : memref<80xi32, #tpu.memory_space<vmem>>, vector<16xi32>,
        %dma_start3A_616 = arith.constant 0 : i32
        %dma_start3A_617 = arith.constant 0 : i32
        %dma_start3A_618 = tpu.memref_slice %arg2[%dma_start3A_616, %dma_start3A_617] : memref<20000x128xf32, #tpu.memory_space<hbm>> -> memref<20000x128xf32, #tpu.memory_space<hbm>>
        tpu.enqueue_indirect_dma source(%dma_start3A_618 : memref<20000x128xf32, #tpu.memory_space<hbm>>) target(%arg10 : memref<80x128xf32, #tpu.memory_space<vmem>>) offsets(%arg13 : memref<80xi32, #tpu.memory_space<vmem>>) semaphore(%arg19 : memref<!tpu.dma_semaphore, #tpu.memory_space<semaphore_mem>>)
      } else {
      }
      %mul3A_490 = arith.constant 3 : i32
      %mul3A_491 = arith.muli %scan3A_442, %mul3A_490 : i32
      %add3A_492 = arith.constant 2 : i32
      %add3A_493 = arith.addi %mul3A_491, %add3A_492 : i32
      %dma_wait3A_494 = arith.constant 0 : i32
      %dma_wait3A_495 = arith.constant 0 : i32
      %dma_wait3A_496 = tpu.memref_slice %arg2[%dma_wait3A_494, %dma_wait3A_495] : memref<20000x128xf32, #tpu.memory_space<hbm>> -> memref<80x128xf32, #tpu.memory_space<hbm>>
      %dma_wait3A_497 = arith.constant 0 : i32
      %dma_wait3A_498 = arith.constant 0 : i32
      %dma_wait3A_499 = tpu.memref_slice %arg2[%dma_wait3A_497, %dma_wait3A_498] : memref<20000x128xf32, #tpu.memory_space<hbm>> -> memref<80x128xf32, #tpu.memory_space<hbm>>
      tpu.wait_dma2 semaphore(%arg21 : memref<!tpu.dma_semaphore, #tpu.memory_space<semaphore_mem>>) src(%dma_wait3A_499 : memref<80x128xf32, #tpu.memory_space<hbm>>) dst(%arg12 : memref<80x128xf32, #tpu.memory_space<vmem>>)
      %dma_start3A_500 = arith.constant 0 : i32
      %dma_start3A_501 = arith.constant 0 : i32
      %dma_start3A_502 = tpu.memref_slice %arg6[%dma_start3A_500, %dma_start3A_501] : memref<10000x128xf32, #tpu.memory_space<vmem_shared>> -> memref<10000x128xf32, #tpu.memory_space<vmem_shared>>
      tpu.enqueue_indirect_dma source(%arg12 : memref<80x128xf32, #tpu.memory_space<vmem>>) target(%dma_start3A_502 : memref<10000x128xf32, #tpu.memory_space<vmem_shared>>) offsets(%arg18 : memref<80xi32, #tpu.memory_space<vmem>>) semaphore(%arg24 : memref<!tpu.dma_semaphore, #tpu.memory_space<semaphore_mem>>) {add = true}
      %ge3A_503 = arith.constant 1 : i32
      %ge3A_504 = arith.cmpi sge, %add3A_493, %ge3A_503 : i32
      %convert_element_type3A_505 = arith.extui %ge3A_504 : i1 to i32
      %cond3A_506 = arith.constant 0 : i32
      %cond3A_507 = arith.cmpi ne, %convert_element_type3A_505, %cond3A_506 : i32
      scf.if %cond3A_507 {
        %dma_wait3A_516 = arith.constant 0 : i32
        %dma_wait3A_517 = arith.constant 0 : i32
        %dma_wait3A_518 = tpu.memref_slice %arg2[%dma_wait3A_516, %dma_wait3A_517] : memref<20000x128xf32, #tpu.memory_space<hbm>> -> memref<80x128xf32, #tpu.memory_space<hbm>>
        %dma_wait3A_519 = arith.constant 0 : i32
        %dma_wait3A_520 = arith.constant 0 : i32
        %dma_wait3A_521 = tpu.memref_slice %arg2[%dma_wait3A_519, %dma_wait3A_520] : memref<20000x128xf32, #tpu.memory_space<hbm>> -> memref<80x128xf32, #tpu.memory_space<hbm>>
        tpu.wait_dma2 semaphore(%arg23 : memref<!tpu.dma_semaphore, #tpu.memory_space<semaphore_mem>>) src(%dma_wait3A_521 : memref<80x128xf32, #tpu.memory_space<hbm>>) dst(%arg11 : memref<80x128xf32, #tpu.memory_space<vmem>>)
      } else {
      }
      %add3A_508 = arith.constant 2 : i32
      %add3A_509 = arith.addi %add3A_493, %add3A_508 : i32
      %lt3A_510 = arith.constant 125 : i32
      %lt3A_511 = arith.cmpi slt, %add3A_509, %lt3A_510 : i32
      %convert_element_type3A_512 = arith.extui %lt3A_511 : i1 to i32
      %cond3A_513 = arith.constant 0 : i32
      %cond3A_514 = arith.cmpi ne, %convert_element_type3A_512, %cond3A_513 : i32
      scf.if %cond3A_514 {
        %add3A_516 = arith.constant 2 : i32
        %add3A_517 = arith.addi %add3A_493, %add3A_516 : i32
        %mul3A_518 = arith.constant 80 : i32
        %mul3A_519 = arith.muli %add3A_517, %mul3A_518 : i32
        %multiple_of3A_520 = tpu.assume_multiple %mul3A_519, 16 : i32
        %add3A_521 = arith.constant 0 : i32
        %add3A_522 = arith.addi %multiple_of3A_520, %add3A_521 : i32
        %get3A_523 = arith.index_cast %add3A_522 : i32 to index
        %get3A_524 = tpu.vector_load %arg7[%get3A_523] {strides = array<i32>} : memref<10000xi32, #tpu.memory_space<vmem>>, vector<16xi32>,
        %get3A_525 = vector.shape_cast %get3A_524 : vector<16xi32> to vector<16xi32>
        %shift_right_arithmetic3A_526 = arith.constant 16 : i32
        %shift_right_arithmetic3A_527 = vector.broadcast %shift_right_arithmetic3A_526 : i32 to vector<16xi32>
        %shift_right_arithmetic3A_528 = arith.shrsi %get3A_525, %shift_right_arithmetic3A_527 : vector<16xi32>
        %swap3A_529 = arith.constant 0 : index
        %swap3A_530 = tpu.vector_load %arg14[%swap3A_529] {strides = array<i32>} : memref<80xi32, #tpu.memory_space<vmem>>, vector<16xi32>,
        %swap3A_531 = vector.shape_cast %swap3A_530 : vector<16xi32> to vector<16xi32>
        %swap3A_532 = vector.shape_cast %shift_right_arithmetic3A_528 : vector<16xi32> to vector<16xi32>
        tpu.vector_store %arg14[%swap3A_529], %swap3A_532 {strides = array<i32>} : memref<80xi32, #tpu.memory_space<vmem>>, vector<16xi32>,
        %and3A_533 = arith.constant 65535 : i32
        %and3A_534 = vector.broadcast %and3A_533 : i32 to vector<16xi32>
        %and3A_535 = arith.andi %get3A_525, %and3A_534 : vector<16xi32>
        %swap3A_536 = arith.constant 0 : index
        %swap3A_537 = tpu.vector_load %arg17[%swap3A_536] {strides = array<i32>} : memref<80xi32, #tpu.memory_space<vmem>>, vector<16xi32>,
        %swap3A_538 = vector.shape_cast %swap3A_537 : vector<16xi32> to vector<16xi32>
        %swap3A_539 = vector.shape_cast %and3A_535 : vector<16xi32> to vector<16xi32>
        tpu.vector_store %arg17[%swap3A_536], %swap3A_539 {strides = array<i32>} : memref<80xi32, #tpu.memory_space<vmem>>, vector<16xi32>,
        %add3A_540 = arith.constant 16 : i32
        %add3A_541 = arith.addi %multiple_of3A_520, %add3A_540 : i32
        %get3A_542 = arith.index_cast %add3A_541 : i32 to index
        %get3A_543 = tpu.vector_load %arg7[%get3A_542] {strides = array<i32>} : memref<10000xi32, #tpu.memory_space<vmem>>, vector<16xi32>,
        %get3A_544 = vector.shape_cast %get3A_543 : vector<16xi32> to vector<16xi32>
        %shift_right_arithmetic3A_545 = arith.constant 16 : i32
        %shift_right_arithmetic3A_546 = vector.broadcast %shift_right_arithmetic3A_545 : i32 to vector<16xi32>
        %shift_right_arithmetic3A_547 = arith.shrsi %get3A_544, %shift_right_arithmetic3A_546 : vector<16xi32>
        %swap3A_548 = arith.constant 16 : index
        %swap3A_549 = tpu.vector_load %arg14[%swap3A_548] {strides = array<i32>} : memref<80xi32, #tpu.memory_space<vmem>>, vector<16xi32>,
        %swap3A_550 = vector.shape_cast %swap3A_549 : vector<16xi32> to vector<16xi32>
        %swap3A_551 = vector.shape_cast %shift_right_arithmetic3A_547 : vector<16xi32> to vector<16xi32>
        tpu.vector_store %arg14[%swap3A_548], %swap3A_551 {strides = array<i32>} : memref<80xi32, #tpu.memory_space<vmem>>, vector<16xi32>,
        %and3A_552 = arith.constant 65535 : i32
        %and3A_553 = vector.broadcast %and3A_552 : i32 to vector<16xi32>
        %and3A_554 = arith.andi %get3A_544, %and3A_553 : vector<16xi32>
        %swap3A_555 = arith.constant 16 : index
        %swap3A_556 = tpu.vector_load %arg17[%swap3A_555] {strides = array<i32>} : memref<80xi32, #tpu.memory_space<vmem>>, vector<16xi32>,
        %swap3A_557 = vector.shape_cast %swap3A_556 : vector<16xi32> to vector<16xi32>
        %swap3A_558 = vector.shape_cast %and3A_554 : vector<16xi32> to vector<16xi32>
        tpu.vector_store %arg17[%swap3A_555], %swap3A_558 {strides = array<i32>} : memref<80xi32, #tpu.memory_space<vmem>>, vector<16xi32>,
        %add3A_559 = arith.constant 32 : i32
        %add3A_560 = arith.addi %multiple_of3A_520, %add3A_559 : i32
        %get3A_561 = arith.index_cast %add3A_560 : i32 to index
        %get3A_562 = tpu.vector_load %arg7[%get3A_561] {strides = array<i32>} : memref<10000xi32, #tpu.memory_space<vmem>>, vector<16xi32>,
        %get3A_563 = vector.shape_cast %get3A_562 : vector<16xi32> to vector<16xi32>
        %shift_right_arithmetic3A_564 = arith.constant 16 : i32
        %shift_right_arithmetic3A_565 = vector.broadcast %shift_right_arithmetic3A_564 : i32 to vector<16xi32>
        %shift_right_arithmetic3A_566 = arith.shrsi %get3A_563, %shift_right_arithmetic3A_565 : vector<16xi32>
        %swap3A_567 = arith.constant 32 : index
        %swap3A_568 = tpu.vector_load %arg14[%swap3A_567] {strides = array<i32>} : memref<80xi32, #tpu.memory_space<vmem>>, vector<16xi32>,
        %swap3A_569 = vector.shape_cast %swap3A_568 : vector<16xi32> to vector<16xi32>
        %swap3A_570 = vector.shape_cast %shift_right_arithmetic3A_566 : vector<16xi32> to vector<16xi32>
        tpu.vector_store %arg14[%swap3A_567], %swap3A_570 {strides = array<i32>} : memref<80xi32, #tpu.memory_space<vmem>>, vector<16xi32>,
        %and3A_571 = arith.constant 65535 : i32
        %and3A_572 = vector.broadcast %and3A_571 : i32 to vector<16xi32>
        %and3A_573 = arith.andi %get3A_563, %and3A_572 : vector<16xi32>
        %swap3A_574 = arith.constant 32 : index
        %swap3A_575 = tpu.vector_load %arg17[%swap3A_574] {strides = array<i32>} : memref<80xi32, #tpu.memory_space<vmem>>, vector<16xi32>,
        %swap3A_576 = vector.shape_cast %swap3A_575 : vector<16xi32> to vector<16xi32>
        %swap3A_577 = vector.shape_cast %and3A_573 : vector<16xi32> to vector<16xi32>
        tpu.vector_store %arg17[%swap3A_574], %swap3A_577 {strides = array<i32>} : memref<80xi32, #tpu.memory_space<vmem>>, vector<16xi32>,
        %add3A_578 = arith.constant 48 : i32
        %add3A_579 = arith.addi %multiple_of3A_520, %add3A_578 : i32
        %get3A_580 = arith.index_cast %add3A_579 : i32 to index
        %get3A_581 = tpu.vector_load %arg7[%get3A_580] {strides = array<i32>} : memref<10000xi32, #tpu.memory_space<vmem>>, vector<16xi32>,
        %get3A_582 = vector.shape_cast %get3A_581 : vector<16xi32> to vector<16xi32>
        %shift_right_arithmetic3A_583 = arith.constant 16 : i32
        %shift_right_arithmetic3A_584 = vector.broadcast %shift_right_arithmetic3A_583 : i32 to vector<16xi32>
        %shift_right_arithmetic3A_585 = arith.shrsi %get3A_582, %shift_right_arithmetic3A_584 : vector<16xi32>
        %swap3A_586 = arith.constant 48 : index
        %swap3A_587 = tpu.vector_load %arg14[%swap3A_586] {strides = array<i32>} : memref<80xi32, #tpu.memory_space<vmem>>, vector<16xi32>,
        %swap3A_588 = vector.shape_cast %swap3A_587 : vector<16xi32> to vector<16xi32>
        %swap3A_589 = vector.shape_cast %shift_right_arithmetic3A_585 : vector<16xi32> to vector<16xi32>
        tpu.vector_store %arg14[%swap3A_586], %swap3A_589 {strides = array<i32>} : memref<80xi32, #tpu.memory_space<vmem>>, vector<16xi32>,
        %and3A_590 = arith.constant 65535 : i32
        %and3A_591 = vector.broadcast %and3A_590 : i32 to vector<16xi32>
        %and3A_592 = arith.andi %get3A_582, %and3A_591 : vector<16xi32>
        %swap3A_593 = arith.constant 48 : index
        %swap3A_594 = tpu.vector_load %arg17[%swap3A_593] {strides = array<i32>} : memref<80xi32, #tpu.memory_space<vmem>>, vector<16xi32>,
        %swap3A_595 = vector.shape_cast %swap3A_594 : vector<16xi32> to vector<16xi32>
        %swap3A_596 = vector.shape_cast %and3A_592 : vector<16xi32> to vector<16xi32>
        tpu.vector_store %arg17[%swap3A_593], %swap3A_596 {strides = array<i32>} : memref<80xi32, #tpu.memory_space<vmem>>, vector<16xi32>,
        %add3A_597 = arith.constant 64 : i32
        %add3A_598 = arith.addi %multiple_of3A_520, %add3A_597 : i32
        %get3A_599 = arith.index_cast %add3A_598 : i32 to index
        %get3A_600 = tpu.vector_load %arg7[%get3A_599] {strides = array<i32>} : memref<10000xi32, #tpu.memory_space<vmem>>, vector<16xi32>,
        %get3A_601 = vector.shape_cast %get3A_600 : vector<16xi32> to vector<16xi32>
        %shift_right_arithmetic3A_602 = arith.constant 16 : i32
        %shift_right_arithmetic3A_603 = vector.broadcast %shift_right_arithmetic3A_602 : i32 to vector<16xi32>
        %shift_right_arithmetic3A_604 = arith.shrsi %get3A_601, %shift_right_arithmetic3A_603 : vector<16xi32>
        %swap3A_605 = arith.constant 64 : index
        %swap3A_606 = tpu.vector_load %arg14[%swap3A_605] {strides = array<i32>} : memref<80xi32, #tpu.memory_space<vmem>>, vector<16xi32>,
        %swap3A_607 = vector.shape_cast %swap3A_606 : vector<16xi32> to vector<16xi32>
        %swap3A_608 = vector.shape_cast %shift_right_arithmetic3A_604 : vector<16xi32> to vector<16xi32>
        tpu.vector_store %arg14[%swap3A_605], %swap3A_608 {strides = array<i32>} : memref<80xi32, #tpu.memory_space<vmem>>, vector<16xi32>,
        %and3A_609 = arith.constant 65535 : i32
        %and3A_610 = vector.broadcast %and3A_609 : i32 to vector<16xi32>
        %and3A_611 = arith.andi %get3A_601, %and3A_610 : vector<16xi32>
        %swap3A_612 = arith.constant 64 : index
        %swap3A_613 = tpu.vector_load %arg17[%swap3A_612] {strides = array<i32>} : memref<80xi32, #tpu.memory_space<vmem>>, vector<16xi32>,
        %swap3A_614 = vector.shape_cast %swap3A_613 : vector<16xi32> to vector<16xi32>
        %swap3A_615 = vector.shape_cast %and3A_611 : vector<16xi32> to vector<16xi32>
        tpu.vector_store %arg17[%swap3A_612], %swap3A_615 {strides = array<i32>} : memref<80xi32, #tpu.memory_space<vmem>>, vector<16xi32>,
        %dma_start3A_616 = arith.constant 0 : i32
        %dma_start3A_617 = arith.constant 0 : i32
        %dma_start3A_618 = tpu.memref_slice %arg2[%dma_start3A_616, %dma_start3A_617] : memref<20000x128xf32, #tpu.memory_space<hbm>> -> memref<20000x128xf32, #tpu.memory_space<hbm>>
        tpu.enqueue_indirect_dma source(%dma_start3A_618 : memref<20000x128xf32, #tpu.memory_space<hbm>>) target(%arg11 : memref<80x128xf32, #tpu.memory_space<vmem>>) offsets(%arg14 : memref<80xi32, #tpu.memory_space<vmem>>) semaphore(%arg20 : memref<!tpu.dma_semaphore, #tpu.memory_space<semaphore_mem>>)
      } else {
      }
      %scan3A_515 = arith.constant 0 : i32
      scf.yield %scan3A_515 : i32
    }
    %scan3A_380 = arith.constant 41 : i32
    %dma_wait3A_381 = arith.constant 0 : i32
    %dma_wait3A_382 = arith.constant 0 : i32
    %dma_wait3A_383 = tpu.memref_slice %arg2[%dma_wait3A_381, %dma_wait3A_382] : memref<20000x128xf32, #tpu.memory_space<hbm>> -> memref<80x128xf32, #tpu.memory_space<hbm>>
    %dma_wait3A_384 = arith.constant 0 : i32
    %dma_wait3A_385 = arith.constant 0 : i32
    %dma_wait3A_386 = tpu.memref_slice %arg2[%dma_wait3A_384, %dma_wait3A_385] : memref<20000x128xf32, #tpu.memory_space<hbm>> -> memref<80x128xf32, #tpu.memory_space<hbm>>
    tpu.wait_dma2 semaphore(%arg19 : memref<!tpu.dma_semaphore, #tpu.memory_space<semaphore_mem>>) src(%dma_wait3A_386 : memref<80x128xf32, #tpu.memory_space<hbm>>) dst(%arg10 : memref<80x128xf32, #tpu.memory_space<vmem>>)
    %dma_start3A_387 = arith.constant 0 : i32
    %dma_start3A_388 = arith.constant 0 : i32
    %dma_start3A_389 = tpu.memref_slice %arg6[%dma_start3A_387, %dma_start3A_388] : memref<10000x128xf32, #tpu.memory_space<vmem_shared>> -> memref<10000x128xf32, #tpu.memory_space<vmem_shared>>
    tpu.enqueue_indirect_dma source(%arg10 : memref<80x128xf32, #tpu.memory_space<vmem>>) target(%dma_start3A_389 : memref<10000x128xf32, #tpu.memory_space<vmem_shared>>) offsets(%arg16 : memref<80xi32, #tpu.memory_space<vmem>>) semaphore(%arg22 : memref<!tpu.dma_semaphore, #tpu.memory_space<semaphore_mem>>) {add = true}
    %dma_wait3A_390 = arith.constant 0 : i32
    %dma_wait3A_391 = arith.constant 0 : i32
    %dma_wait3A_392 = tpu.memref_slice %arg2[%dma_wait3A_390, %dma_wait3A_391] : memref<20000x128xf32, #tpu.memory_space<hbm>> -> memref<80x128xf32, #tpu.memory_space<hbm>>
    %dma_wait3A_393 = arith.constant 0 : i32
    %dma_wait3A_394 = arith.constant 0 : i32
    %dma_wait3A_395 = tpu.memref_slice %arg2[%dma_wait3A_393, %dma_wait3A_394] : memref<20000x128xf32, #tpu.memory_space<hbm>> -> memref<80x128xf32, #tpu.memory_space<hbm>>
    tpu.wait_dma2 semaphore(%arg24 : memref<!tpu.dma_semaphore, #tpu.memory_space<semaphore_mem>>) src(%dma_wait3A_395 : memref<80x128xf32, #tpu.memory_space<hbm>>) dst(%arg12 : memref<80x128xf32, #tpu.memory_space<vmem>>)
    %dma_wait3A_396 = arith.constant 0 : i32
    %dma_wait3A_397 = arith.constant 0 : i32
    %dma_wait3A_398 = tpu.memref_slice %arg2[%dma_wait3A_396, %dma_wait3A_397] : memref<20000x128xf32, #tpu.memory_space<hbm>> -> memref<80x128xf32, #tpu.memory_space<hbm>>
    %dma_wait3A_399 = arith.constant 0 : i32
    %dma_wait3A_400 = arith.constant 0 : i32
    %dma_wait3A_401 = tpu.memref_slice %arg2[%dma_wait3A_399, %dma_wait3A_400] : memref<20000x128xf32, #tpu.memory_space<hbm>> -> memref<80x128xf32, #tpu.memory_space<hbm>>
    tpu.wait_dma2 semaphore(%arg20 : memref<!tpu.dma_semaphore, #tpu.memory_space<semaphore_mem>>) src(%dma_wait3A_401 : memref<80x128xf32, #tpu.memory_space<hbm>>) dst(%arg11 : memref<80x128xf32, #tpu.memory_space<vmem>>)
    %dma_start3A_402 = arith.constant 0 : i32
    %dma_start3A_403 = arith.constant 0 : i32
    %dma_start3A_404 = tpu.memref_slice %arg6[%dma_start3A_402, %dma_start3A_403] : memref<10000x128xf32, #tpu.memory_space<vmem_shared>> -> memref<10000x128xf32, #tpu.memory_space<vmem_shared>>
    tpu.enqueue_indirect_dma source(%arg11 : memref<80x128xf32, #tpu.memory_space<vmem>>) target(%dma_start3A_404 : memref<10000x128xf32, #tpu.memory_space<vmem_shared>>) offsets(%arg17 : memref<80xi32, #tpu.memory_space<vmem>>) semaphore(%arg23 : memref<!tpu.dma_semaphore, #tpu.memory_space<semaphore_mem>>) {add = true}
    %dma_wait3A_405 = arith.constant 0 : i32
    %dma_wait3A_406 = arith.constant 0 : i32
    %dma_wait3A_407 = tpu.memref_slice %arg2[%dma_wait3A_405, %dma_wait3A_406] : memref<20000x128xf32, #tpu.memory_space<hbm>> -> memref<80x128xf32, #tpu.memory_space<hbm>>
    %dma_wait3A_408 = arith.constant 0 : i32
    %dma_wait3A_409 = arith.constant 0 : i32
    %dma_wait3A_410 = tpu.memref_slice %arg2[%dma_wait3A_408, %dma_wait3A_409] : memref<20000x128xf32, #tpu.memory_space<hbm>> -> memref<80x128xf32, #tpu.memory_space<hbm>>
    tpu.wait_dma2 semaphore(%arg22 : memref<!tpu.dma_semaphore, #tpu.memory_space<semaphore_mem>>) src(%dma_wait3A_410 : memref<80x128xf32, #tpu.memory_space<hbm>>) dst(%arg10 : memref<80x128xf32, #tpu.memory_space<vmem>>)
    %dma_wait3A_411 = arith.constant 0 : i32
    %dma_wait3A_412 = arith.constant 0 : i32
    %dma_wait3A_413 = tpu.memref_slice %arg2[%dma_wait3A_411, %dma_wait3A_412] : memref<20000x128xf32, #tpu.memory_space<hbm>> -> memref<80x128xf32, #tpu.memory_space<hbm>>
    %dma_wait3A_414 = arith.constant 0 : i32
    %dma_wait3A_415 = arith.constant 0 : i32
    %dma_wait3A_416 = tpu.memref_slice %arg2[%dma_wait3A_414, %dma_wait3A_415] : memref<20000x128xf32, #tpu.memory_space<hbm>> -> memref<80x128xf32, #tpu.memory_space<hbm>>
    tpu.wait_dma2 semaphore(%arg23 : memref<!tpu.dma_semaphore, #tpu.memory_space<semaphore_mem>>) src(%dma_wait3A_416 : memref<80x128xf32, #tpu.memory_space<hbm>>) dst(%arg11 : memref<80x128xf32, #tpu.memory_space<vmem>>)
    %barrier3A_417 = arith.constant 0 : index
    tpu.barrier barrier_id(%barrier3A_417)
    %while3A_418 = arith.constant 0 : i32
    %while3A_419 = arith.constant 0 : i32
    %while3A_420 = arith.subi %select_n3A, %while3A_418 : i32
    %while3A_421 = arith.addi %while3A_418, %while3A_420 : i32
    %while3A_422 = arith.constant 1 : i32
    %while3A_423 = arith.divsi %while3A_420, %while3A_422 : i32
    %while3A_424 = arith.muli %while3A_423, %while3A_422 : i32
    %while3A_425 = arith.addi %while3A_418, %while3A_424 : i32
    %while3A_426 = arith.constant 1 : i32
    %while3A_427 = scf.for %while3A_442 = %while3A_418 to %while3A_425 step %while3A_426 iter_args(%while3A_443 = %while3A_419) -> (i32)  : i32 {
      %mul3A_444 = arith.constant 16 : i32
      %mul3A_445 = arith.muli %while3A_442, %mul3A_444 : i32
      %add3A_446 = arith.addi %arg1, %mul3A_445 : i32
      %mul3A_447 = arith.constant 80 : i32
      %mul3A_448 = arith.muli %add3A_446, %mul3A_447 : i32
      %multiple_of3A_449 = tpu.assume_multiple %mul3A_448, 8 : i32
      %mul3A_450 = arith.constant 10000 : i32
      %mul3A_451 = arith.muli %arg0, %mul3A_450 : i32
      %add3A_452 = arith.addi %mul3A_451, %multiple_of3A_449 : i32
      %dma_start3A_453 = arith.constant 0 : i32
      %dma_start3A_454 = tpu.memref_slice %arg5[%add3A_452, %dma_start3A_453] : memref<20000x128xf32, #tpu.memory_space<hbm>> -> memref<80x128xf32, #tpu.memory_space<hbm>>
      %dma_start3A_455 = arith.constant 0 : i32
      %dma_start3A_456 = tpu.memref_slice %arg6[%multiple_of3A_449, %dma_start3A_455] : memref<10000x128xf32, #tpu.memory_space<vmem_shared>> -> memref<80x128xf32, #tpu.memory_space<vmem_shared>>
      tpu.enqueue_dma source(%dma_start3A_456 : memref<80x128xf32, #tpu.memory_space<vmem_shared>>) target(%dma_start3A_454 : memref<80x128xf32, #tpu.memory_space<hbm>>) target_semaphore(%arg19 : memref<!tpu.dma_semaphore, #tpu.memory_space<semaphore_mem>>)
      %while3A_457 = arith.constant 0 : i32
      scf.yield %while3A_457 : i32
    }
    %while3A_428 = arith.constant 1 : i32
    %while3A_429 = scf.for %while3A_442 = %while3A_425 to %while3A_421 step %while3A_428 iter_args(%while3A_443 = %while3A_427) -> (i32)  : i32 {
      %mul3A_444 = arith.constant 16 : i32
      %mul3A_445 = arith.muli %while3A_442, %mul3A_444 : i32
      %add3A_446 = arith.addi %arg1, %mul3A_445 : i32
      %mul3A_447 = arith.constant 80 : i32
      %mul3A_448 = arith.muli %add3A_446, %mul3A_447 : i32
      %multiple_of3A_449 = tpu.assume_multiple %mul3A_448, 8 : i32
      %mul3A_450 = arith.constant 10000 : i32
      %mul3A_451 = arith.muli %arg0, %mul3A_450 : i32
      %add3A_452 = arith.addi %mul3A_451, %multiple_of3A_449 : i32
      %dma_start3A_453 = arith.constant 0 : i32
      %dma_start3A_454 = tpu.memref_slice %arg5[%add3A_452, %dma_start3A_453] : memref<20000x128xf32, #tpu.memory_space<hbm>> -> memref<80x128xf32, #tpu.memory_space<hbm>>
      %dma_start3A_455 = arith.constant 0 : i32
      %dma_start3A_456 = tpu.memref_slice %arg6[%multiple_of3A_449, %dma_start3A_455] : memref<10000x128xf32, #tpu.memory_space<vmem_shared>> -> memref<80x128xf32, #tpu.memory_space<vmem_shared>>
      tpu.enqueue_dma source(%dma_start3A_456 : memref<80x128xf32, #tpu.memory_space<vmem_shared>>) target(%dma_start3A_454 : memref<80x128xf32, #tpu.memory_space<hbm>>) target_semaphore(%arg19 : memref<!tpu.dma_semaphore, #tpu.memory_space<semaphore_mem>>)
      %while3A_457 = arith.constant 0 : i32
      scf.yield %while3A_457 : i32
    }
    %while3A_430 = arith.constant 0 : i32
    %while3A_431 = arith.constant 0 : i32
    %while3A_432 = arith.subi %select_n3A, %while3A_430 : i32
    %while3A_433 = arith.addi %while3A_430, %while3A_432 : i32
    %while3A_434 = arith.constant 1 : i32
    %while3A_435 = arith.divsi %while3A_432, %while3A_434 : i32
    %while3A_436 = arith.muli %while3A_435, %while3A_434 : i32
    %while3A_437 = arith.addi %while3A_430, %while3A_436 : i32
    %while3A_438 = arith.constant 1 : i32
    %while3A_439 = scf.for %while3A_442 = %while3A_430 to %while3A_437 step %while3A_438 iter_args(%while3A_443 = %while3A_431) -> (i32)  : i32 {
      %dma_wait3A_444 = arith.constant 0 : i32
      %dma_wait3A_445 = arith.constant 0 : i32
      %dma_wait3A_446 = tpu.memref_slice %arg5[%dma_wait3A_444, %dma_wait3A_445] : memref<20000x128xf32, #tpu.memory_space<hbm>> -> memref<80x128xf32, #tpu.memory_space<hbm>>
      %dma_wait3A_447 = arith.constant 0 : i32
      %dma_wait3A_448 = arith.constant 0 : i32
      %dma_wait3A_449 = tpu.memref_slice %arg6[%dma_wait3A_447, %dma_wait3A_448] : memref<10000x128xf32, #tpu.memory_space<vmem_shared>> -> memref<80x128xf32, #tpu.memory_space<vmem_shared>>
      tpu.wait_dma2 semaphore(%arg19 : memref<!tpu.dma_semaphore, #tpu.memory_space<semaphore_mem>>) src(%dma_wait3A_449 : memref<80x128xf32, #tpu.memory_space<vmem_shared>>) dst(%dma_wait3A_446 : memref<80x128xf32, #tpu.memory_space<hbm>>)
      %while3A_450 = arith.constant 0 : i32
      scf.yield %while3A_450 : i32
    }
    %while3A_440 = arith.constant 1 : i32
    %while3A_441 = scf.for %while3A_442 = %while3A_437 to %while3A_433 step %while3A_440 iter_args(%while3A_443 = %while3A_439) -> (i32)  : i32 {
      %dma_wait3A_444 = arith.constant 0 : i32
      %dma_wait3A_445 = arith.constant 0 : i32
      %dma_wait3A_446 = tpu.memref_slice %arg5[%dma_wait3A_444, %dma_wait3A_445] : memref<20000x128xf32, #tpu.memory_space<hbm>> -> memref<80x128xf32, #tpu.memory_space<hbm>>
      %dma_wait3A_447 = arith.constant 0 : i32
      %dma_wait3A_448 = arith.constant 0 : i32
      %dma_wait3A_449 = tpu.memref_slice %arg6[%dma_wait3A_447, %dma_wait3A_448] : memref<10000x128xf32, #tpu.memory_space<vmem_shared>> -> memref<80x128xf32, #tpu.memory_space<vmem_shared>>
      tpu.wait_dma2 semaphore(%arg19 : memref<!tpu.dma_semaphore, #tpu.memory_space<semaphore_mem>>) src(%dma_wait3A_449 : memref<80x128xf32, #tpu.memory_space<vmem_shared>>) dst(%dma_wait3A_446 : memref<80x128xf32, #tpu.memory_space<hbm>>)
      %while3A_450 = arith.constant 0 : i32
      scf.yield %while3A_450 : i32
    }
    return
  }
}

module attributes {stable_mosaic.version = 14 : i64} {
  func.func @_tc_body(%arg0: i32, %arg1: memref<1000x256xf32, #tpu.memory_space<vmem>>, %arg2: memref<256x256xf32, #tpu.memory_space<vmem>>, %arg3: memref<1x256xf32, #tpu.memory_space<vmem>>, %arg4: memref<1000x1xf32, #tpu.memory_space<vmem>>, %arg5: memref<2x1000x128xf32, #tpu.memory_space<vmem>>, %arg6: memref<1000x256xf32, #tpu.memory_space<vmem>>) attributes {dimension_semantics = [#tpu.dimension_semantics<arbitrary>], iteration_bounds = array<i64: 10>, scalar_prefetch = 0 : i64, scratch_operands = 0 : i64, tpu.core_type = #tpu.core_type<tc>, window_params = [{transform_indices = @transform_0, window_bounds = array<i64: 1000, 256>}, {pipeline_mode = #tpu.pipeline_mode<synchronous>, transform_indices = @transform_1, window_bounds = array<i64: 256, 256>}, {pipeline_mode = #tpu.pipeline_mode<synchronous>, transform_indices = @transform_2, window_bounds = array<i64: 1, 256>}, {transform_indices = @transform_3, window_bounds = array<i64: 1000, 1>}, {transform_indices = @transform_4, window_bounds = array<i64: 2, 1000, 128>}, {transform_indices = @transform_5, window_bounds = array<i64: 1000, 256>}]} {
    %get3A = arith.constant 0 : index
    %get3A_0 = arith.constant 0 : index
    %get3A_1 = vector.load %arg1[%get3A, %get3A_0] : memref<1000x256xf32, #tpu.memory_space<vmem>>, vector<1000x256xf32>
    %get3A_2 = arith.constant 0 : index
    %get3A_3 = arith.constant 0 : index
    %get3A_4 = vector.load %arg2[%get3A_2, %get3A_3] : memref<256x256xf32, #tpu.memory_space<vmem>>, vector<256x256xf32>
    %dot_general3A = arith.constant dense<0.000000e+00> : vector<1000x256xf32>
    %dot_general3A_5 = tpu.matmul %get3A_1, %get3A_4, %dot_general3A {dimension_numbers = #tpu.dot_dimension_numbers<[1], [1], [0], [0], [0, 0, 1, 0], [], []>, transpose_lhs_hint = false} : vector<1000x256xf32>, vector<256x256xf32>, vector<1000x256xf32> -> vector<1000x256xf32>
    %get3A_6 = arith.constant 0 : index
    %get3A_7 = arith.constant 0 : index
    %get3A_8 = vector.load %arg3[%get3A_6, %get3A_7] : memref<1x256xf32, #tpu.memory_space<vmem>>, vector<1x256xf32>
    %add3A = vector.broadcast %get3A_8 : vector<1x256xf32> to vector<1000x256xf32>
    %add3A_9 = arith.addf %dot_general3A_5, %add3A : vector<1000x256xf32>
    %get3A_10 = arith.constant 0 : index
    %get3A_11 = arith.constant 0 : index
    %get3A_12 = vector.load %arg4[%get3A_10, %get3A_11] : memref<1000x1xf32, #tpu.memory_space<vmem>>, vector<1000x1xf32>
    %mul3A = vector.broadcast %get3A_12 : vector<1000x1xf32> to vector<1000x256xf32>
    %mul3A_13 = arith.mulf %add3A_9, %mul3A : vector<1000x256xf32>
    %get3A_14 = arith.constant 0 : index
    %get3A_15 = arith.constant 0 : index
    %get3A_16 = arith.constant 0 : index
    %get3A_17 = vector.load %arg5[%get3A_14, %get3A_15, %get3A_16] : memref<2x1000x128xf32, #tpu.memory_space<vmem>>, vector<1x1000x128xf32>
    %get3A_18 = vector.shape_cast %get3A_17 : vector<1x1000x128xf32> to vector<1000x128xf32>
    %get3A_19 = arith.constant 1 : index
    %get3A_20 = arith.constant 0 : index
    %get3A_21 = arith.constant 0 : index
    %get3A_22 = vector.load %arg5[%get3A_19, %get3A_20, %get3A_21] : memref<2x1000x128xf32, #tpu.memory_space<vmem>>, vector<1x1000x128xf32>
    %get3A_23 = vector.shape_cast %get3A_22 : vector<1x1000x128xf32> to vector<1000x128xf32>
    %concatenate3A = tpu.concatenate %get3A_18, %get3A_23 in 1 : vector<1000x128xf32>, vector<1000x128xf32> -> vector<1000x256xf32>
    %add3A_24 = arith.addf %mul3A_13, %concatenate3A : vector<1000x256xf32>
    %tanh3A = math.tanh %add3A_24 : vector<1000x256xf32>
    %swap3A = arith.constant 0 : index
    %swap3A_25 = arith.constant 0 : index
    %swap3A_26 = vector.load %arg6[%swap3A, %swap3A_25] : memref<1000x256xf32, #tpu.memory_space<vmem>>, vector<1000x256xf32>
    tpu.vector_store %arg6[%swap3A, %swap3A_25], %tanh3A {strides = array<i32>} : memref<1000x256xf32, #tpu.memory_space<vmem>>, vector<1000x256xf32>,
    return
  }
  func.func @transform_0(%arg0: i32) -> (i32, i32) {
    %c0_i32 = arith.constant 0 : i32
    %c0_i32_0 = arith.constant 0 : i32
    return %arg0, %c0_i32 : i32, i32
  }
  func.func @transform_1(%arg0: i32) -> (i32, i32) {
    %c0_i32 = arith.constant 0 : i32
    %c0_i32_0 = arith.constant 0 : i32
    %c0_i32_1 = arith.constant 0 : i32
    return %c0_i32, %c0_i32_0 : i32, i32
  }
  func.func @transform_2(%arg0: i32) -> (i32, i32) {
    %c0_i32 = arith.constant 0 : i32
    %c0_i32_0 = arith.constant 0 : i32
    %c0_i32_1 = arith.constant 0 : i32
    return %c0_i32, %c0_i32_0 : i32, i32
  }
  func.func @transform_3(%arg0: i32) -> (i32, i32) {
    %c0_i32 = arith.constant 0 : i32
    %c0_i32_0 = arith.constant 0 : i32
    return %arg0, %c0_i32 : i32, i32
  }
  func.func @transform_4(%arg0: i32) -> (i32, i32, i32) {
    %c0_i32 = arith.constant 0 : i32
    %c0_i32_0 = arith.constant 0 : i32
    %c0_i32_1 = arith.constant 0 : i32
    return %c0_i32, %arg0, %c0_i32_0 : i32, i32, i32
  }
  func.func @transform_5(%arg0: i32) -> (i32, i32) {
    %c0_i32 = arith.constant 0 : i32
    %c0_i32_0 = arith.constant 0 : i32
    return %arg0, %c0_i32 : i32, i32
  }
}

</mosaic_0001>

<sc_bundles>
// kernel: kernel.4.cloned.1.call-start
scs
__scs_entry_jumppad:
0x0: {  	(pc) =	sbr.rel $0x88, $3  }
0x1: {  	(tag) =	ssettag $0x0;
	lr =	simm.s32 $0x1  }
0x2: {  	[smem:$0x3F9B] =	sst lr;
	_ =	strace $0xD0000000  }
0x3: {  	_ = 	snop  }
0x4: {  	_ = 	snop  }
0x5: {  	_ = 	snop  }
0x6: {  	_ = 	snop  }
0x7: {  	_ = 	snop  }
__scs_overlays_trampoline_lowered:
0x8: {  	[smem:$0x3FAA] =	sst s0  }
0x9: {  	[smem:$0x3FAB] =	sst s1  }
0xa: {  	[smem:$0x3FAC] =	sst s2  }
0xb: {  	[smem:$0x3FAD] =	sst s3  }
0xc: {  	[smem:$0x3FAE] =	sst s4  }
0xd: {  	[smem:$0x3FAF] =	sst s5  }
0xe: {  	[smem:$0x3FB0] =	sst s6  }
0xf: {  	[smem:$0x3FB1] =	sst s7  }
0x10: {  	[smem:$0x3FB2] =	sst s8  }
0x11: {  	[smem:$0x3FB3] =	sst s9;
	s0 =	simm.s32 @!p0 $0x0  }
0x12: {  	s1 =	sld [smem:$0x3F99];
	s0 =	simm.s32 @p0 $0x1  }
0x13: {  	[smem:$0x3FB4] =	sst s0;
	s0 =	simm.s32 @!p1 $0x0  }
0x14: {  	s2 =	sld [smem:$0x3F98];
	s0 =	simm.s32 @p1 $0x1  }
0x15: {  	[smem:$0x3FB5] =	sst s0;
	s0 =	simm.s32 @!p2 $0x0  }
0x16: {  	s3 =	sld [smem:$0x3FDB];
	s0 =	simm.s32 @p2 $0x1  }
0x17: {  	s4 =	simm.s32 $0x1BF5;
	[smem:$0x3FB7] =	sst s0  }
0x18: {  	s0 =	sld [smem:$0x3F9A];
	_ =	swait.ge [sflag:s4], $0x0  }
0x19: {  	s7 =	sld [smem:$0x3F9B]  }
0x1a: {  	s8 =	sadd.s32 $0xFFFFE003, lr  }
0x1b: {  	s9 =	sadd.s32 $0xFFFFFEF7, lr;
	s5 =	simm.s32 $0xFFFFFFFF;
	p2 =	slt.u32 s8, $0xFFFFF086  }
0x1c: {  	p1 =	slt.u32 s9, $0xF7A;
	s5 =	simm.s32 @!p2 $0x0  }
0x1d: {  	s5 =	simm.s32 @p1 $0x1;
	p0 =	seq.s32 s7, s2  }
0x1e: {  	s7 =	smul.u32 @!p0 $0xF7A, s2;
	p2 =	seq.s32 @!p0 s5, $0x0  }
0x1f: {  	s9 =	smul.u32 $0xF7A, s1;
	s8 =	simm.s32 @!p0 $0x1BF5;
	p2 =	por !p2, p0  }
0x20: {  	[sflag:s8] =	ssyncset.s32 @!p0 $0xFFFFF086;
	s6 =	sadd.s32 @!p0 s3, s7;
	s7 =	simm.s32 @!p0 $0x108  }
0x21: {  	s3 =	sadd.s32 s3, s9;
	s6 =	sadd.s32 @!p0 $0x88, s6;
	s7 =	simm.s32 @p2 $0x1082  }
0x22: {  	[simem:s7], [sflag:s8] =	dma.local @!p0 [hbm:s6], $0xF7A  }
0x23: {  	s9 =	sor.u32 $0xD0000000, s2;
	s6 =	simm.s32 $0x108;
	_ =	swait.ge @!p0 [sflag:s8], $0x0  }
0x24: {  	s3 =	sadd.s32 $0x88, s3;
	s6 =	simm.s32 @!p1 $0x1082;
	[sflag:s4] =	ssyncset.s32 $0xFFFFF086  }
0x25: {  	[simem:s6], [sflag:s4] =	dma.local [hbm:s3], $0xF7A  }
0x26: {  	[smem:$0x3F9B] =	sst s1;
	(tag) =	ssettag s2;
	_ =	strace s9  }
0x27: {  	s1 =	sld [smem:$0x3FAB]  }
0x28: {  	s2 =	sld [smem:$0x3FAC]  }
0x29: {  	s4 =	sld [smem:$0x3FAE]  }
0x2a: {  	p0 =	seq.s32 s5, $0x0;
	s5 =	sld [smem:$0x3FAF]  }
0x2b: {  	s6 =	sld [smem:$0x3FB0]  }
0x2c: {  	s7 =	sld [smem:$0x3FB1]  }
0x2d: {  	s3 =	simm.s32 $0x108;
	s8 =	sld [smem:$0x3FB2]  }
0x2e: {  	s3 =	simm.s32 @!p0 $0x1082;
	s9 =	sld [smem:$0x3FB3]  }
0x2f: {  	lr =	sadd.s32 s0, s3;
	s0 =	sld [smem:$0x3FAA]  }
0x30: {  	s3 =	sld [smem:$0x3FAD]  }
0x31: {  	[smem:$0x3FB6] =	sst s10  }
0x32: {  	s10 =	sld [smem:$0x3FB4];
	_ =	sdelay $0x3  }
0x33: {  	p0 =	seq.s32 s10, $0x1;
	s10 =	sld [smem:$0x3FB6];
	_ =	sdelay $0x3  }
0x34: {  	[smem:$0x3FB6] =	sst s10  }
0x35: {  	s10 =	sld [smem:$0x3FB5];
	_ =	sdelay $0x3  }
0x36: {  	p1 =	seq.s32 s10, $0x1;
	s10 =	sld [smem:$0x3FB6];
	_ =	sdelay $0x3  }
0x37: {  	[smem:$0x3FB6] =	sst s10  }
0x38: {  	s10 =	sld [smem:$0x3FB7]  }
0x39: {  	_ = 	snop;
	(pc) =	sbr.ind lr, $3  }
0x3a: {  	_ = 	snop  }
0x3b: {  	_ = 	snop  }
0x3c: {  	p2 =	seq.s32 s10, $0x1;
	s10 =	sld [smem:$0x3FB6]  }
0x3d: {  	_ =	shalt  }
0x3e: {  	_ =	shalt  }
0x3f: {  	_ =	shalt  }
0x40: {  	_ =	shalt  }
0x41: {  	_ =	shalt  }
0x42: {  	_ =	shalt  }
0x43: {  	_ =	shalt  }
0x44: {  	_ =	shalt  }
0x45: {  	_ =	shalt  }
0x46: {  	_ =	shalt  }
0x47: {  	_ =	shalt  }
0x48: {  	_ =	shalt  }
0x49: {  	_ =	shalt  }
0x4a: {  	_ =	shalt  }
0x4b: {  	_ =	shalt  }
0x4c: {  	_ =	shalt  }
0x4d: {  	_ =	shalt  }
0x4e: {  	_ =	shalt  }
0x4f: {  	_ =	shalt  }
0x50: {  	_ =	shalt  }
0x51: {  	_ =	shalt  }
0x52: {  	_ =	shalt  }
0x53: {  	_ =	shalt  }
0x54: {  	_ =	shalt  }
0x55: {  	_ =	shalt  }
0x56: {  	_ =	shalt  }
0x57: {  	_ =	shalt  }
0x58: {  	_ =	shalt  }
0x59: {  	_ =	shalt  }
0x5a: {  	_ =	shalt  }
0x5b: {  	_ =	shalt  }
0x5c: {  	_ =	shalt  }
0x5d: {  	_ =	shalt  }
0x5e: {  	_ =	shalt  }
0x5f: {  	_ =	shalt  }
0x60: {  	_ =	shalt  }
0x61: {  	_ =	shalt  }
0x62: {  	_ =	shalt  }
0x63: {  	_ =	shalt  }
0x64: {  	_ =	shalt  }
0x65: {  	_ =	shalt  }
0x66: {  	_ =	shalt  }
0x67: {  	_ =	shalt  }
0x68: {  	_ =	shalt  }
0x69: {  	_ =	shalt  }
0x6a: {  	_ =	shalt  }
0x6b: {  	_ =	shalt  }
0x6c: {  	_ =	shalt  }
0x6d: {  	_ =	shalt  }
0x6e: {  	_ =	shalt  }
0x6f: {  	_ =	shalt  }
0x70: {  	_ =	shalt  }
0x71: {  	_ =	shalt  }
0x72: {  	_ =	shalt  }
0x73: {  	_ =	shalt  }
0x74: {  	_ =	shalt  }
0x75: {  	_ =	shalt  }
0x76: {  	_ =	shalt  }
0x77: {  	_ =	shalt  }
0x78: {  	_ =	shalt  }
0x79: {  	_ =	shalt  }
0x7a: {  	_ =	shalt  }
0x7b: {  	_ =	shalt  }
0x7c: {  	_ =	shalt  }
0x7d: {  	_ =	shalt  }
0x7e: {  	_ =	shalt  }
0x7f: {  	_ =	shalt  }
0x80: {  	_ =	shalt  }
0x81: {  	_ =	shalt  }
0x82: {  	_ =	shalt  }
0x83: {  	_ =	shalt  }
0x84: {  	_ =	shalt  }
0x85: {  	_ =	shalt  }
0x86: {  	_ =	shalt  }
0x87: {  	_ =	shalt  }
.Lfunc_end0:
.L_simem_size_0:
called_computation_lowered:
.L_overlay_start_0:
0x88: {  	s2 =	sld [smem:$0x3FD9]  }
0x89: {  	s3 =	sld [smem:$0x3FFE];
	_ =	sdelay $0x1  }
0x8a: {  	s1 =	srdreg.scid  }
0x8b: {  	s0 =	sand.u32 $0x1, s1  }
0x8c: {  	s17 =	sshll.u32 s0, $0xA;
	s2 =	sadd.s32 s3, s2  }
0x8d: {  	s2 =	sadd.s32 s2, s17  }
0x8e: {  	[smem:$0x3FC2] =	sst s2  }
0x8f: {  	_ = 	snop  }
0x90: {  	s2 =	sld [smem:$0x3FD0];
	(tm) =	ssettm $0x1  }
0x91: {  	s18 =	sld [smem:$0x3FFB];
	_ =	sdelay $0x3  }
0x92: {  	_ =	strace s18  }
0x93: {  	s3 =	sld [smem:$0x3FFC];
	_ =	sdelay $0x3  }
0x94: {  	_ =	strace s3  }
0x95: {  	s3 =	sld [smem:$0x3FFD];
	_ =	sdelay $0x3  }
0x96: {  	_ =	strace s3  }
0x97: {  	_ =	strace $0x8FFFFFFF  }
0x98: {  	s19 =	sld [smem:$0x3FDB];
	_ =	sdelay $0x1  }
0x99: {  	s4 =	simm.s32 $_scs_section_size  }
0x9a: {  	s5 =	simm.s32 $_size__tile_overlayer_lowered;
	s6 =	simm.s32 $_tile_overlayer_lowered  }
0x9b: {  	s22 =	simm.s32 $0x1BFF;
	s21 =	sshll.u32 s6, $0x1;
	s3 =	sadd.s32 s4, s19  }
0x9c: {  	s7 =	simm.s32 $0x0;
	s20 =	sshll.u32 s5, $0x1;
	s5 =	sadd.s32 s21, s3  }
0x9d: {  	[timem:s7], [sflag:s22] =	dma.local [hbm:s5], s20  }
0x9e: {  	_ =	swait.ge [sflag:s22], s20  }
0x9f: {  	s4 =	ssub.s32 $0x0, s20;
	[sflag:s22] =	ssyncset.done $0x0  }
0xa0: {  	[sflag:s22] =	ssyncadd.s32 s4;
	_ =	sdelay $0x1  }
0xa1: {  	s23 =	simm.s32 $0x1B8B  }
0xa2: {  	_ =	swait.ge [sflag:s23], $0x1  }
0xa3: {  	[sflag:s23] =	ssyncset.done $0x0  }
0xa4: {  	s25 =	simm.s32 $0x1B8E;
	s24 =	sld [smem:$0x3FFE];
	[sflag:s23] =	ssyncadd.s32 $0xFFFFFFFF  }
0xa5: {  	s26 =	simm.s32 $execute0_lowered;
	[smem:$0x3FD2] =	sst s25  }
0xa6: {  	s5 =	sshll.u32 s26, $0x1;
	_ =	strace $0x80000046;
	[dreg:$0x1] =	wrdreg $0xFFFFFFFF  }
0xa7: {  	s28 =	simm.s32 $_size_execute0_lowered;
	s3 =	sadd.s32 s3, s5;
	[dreg:$0x0] =	wrdreg $0x0  }
0xa8: {  	s5 =	sshll.u32 s28, $0x1;
	[dreg:$0x2] =	wrdreg s3  }
0xa9: {  	[dreg:$0x3] =	wrdreg s5  }
0xaa: {  	[dreg:$0x4] =	wrdreg $0xC0  }
0xab: {  	_ =	task [dreg:s7], $0x5FFFF  }
0xac: {  	[dreg:$0x1] =	wrdreg $0xFFFFFFFF  }
0xad: {  	[dreg:$0x0] =	wrdreg $0x60  }
0xae: {  	[dreg:$0x2] =	wrdreg s2  }
0xaf: {  	[dreg:$0x3] =	wrdreg s24  }
0xb0: {  	[dreg:$0x4] =	wrdreg $0x0  }
0xb1: {  	[dreg:$0x5] =	wrdreg $0x9  }
0xb2: {  	_ =	task.clear_ibuf [dreg:s7], $0x6FFFF;
	_ =	strace $0x90000046  }
0xb3: {  	s29 =	simm.s32 $0x9;
	_ =	strace $0x80000048  }
0xb4: {  	_ =	swait.ge [sflag:s29], $0x1  }
0xb5: {  	[sflag:s29] =	ssyncadd.s32 $0xFFFFFFFF  }
0xb6: {  	_ =	strace $0x90000048  }
0xb7: {  	_ =	sfence  }
0xb8: {  	s30 =	sld [smem:$0x0];
	_ =	sdelay $0x2  }
0xb9: {  	s31 =	sshll.u32 s1, $0xD;
	s1 =	sshrl.u32 s1, $0x2  }
0xba: {  	s3 =	sand.u32 $0x4000, s31;
	s1 =	sadd.s32 s1, s30  }
0xbb: {  	s0 =	sor.u32 s3, s0;
	s1 =	sshll.u32 s1, $0x11  }
0xbc: {  	s0 =	sor.u32 s1, s0  }
0xbd: {  	s0 =	sadd.s32 $0x8F2B, s0  }
0xbe: {  	[sflag:s0] =	ssyncadd.remote.s32 $0x1  }
0xbf: {  	_ =	sfence.sel $0xFFFF  }
0xc0: {  	[dreg:$0x0] =	wrdreg $0xFFFFFFFF;
	(pc) =	sbr.abs _section_cstart, $3  }
0xc1: {  	[dreg:$0x1] =	wrdreg $0xFFFFFFFF  }
0xc2: {  	_ =	task.clear_ibuf [dreg:s7], $0x2FFFF;
	_ =	strace $0x9FFFFFFF  }
0xc3: {  	(tm) =	ssettm $0x7FFFFFFF  }
tec
execute0_lowered:
.L_overlay_start_1:
0x0: {  	(tag) =	ssettag $0x1  }
0x1: {  	s2 =	rddreg [dreg:$0x0]  }
0x2: {  	s1 =	rddreg [dreg:$0x1]  }
0x3: {  	s3 =	rddreg [dreg:$0x2]  }
0x4: {  	s15 =	stileid.u32;
	s6 =	srdreg.scid  }
0x5: {  	s4 =	simm.s32 $0x0;
	s28 =	simm.s32 $0x19800;
	s29 =	simm.s32 $0x1E980  }
0x6: {  	s30 =	simm.s32 $0x1E900;
	s31 =	simm.s32 $0x1C000;
	s24 =	smul.u32 $0x5, s15  }
0x7: {  	s0 =	sshrl.u32 s15, $0x3;
	s23 =	sshll.u32 s15, $0x7;
	s9 =	smul.u32 $0x2800, s15  }
0x8: {  	[smem:$0x7FF] =	sst s4;
	s10 =	sadd.s32 $0xE00, s1;
	s12 =	smul.u32 $0x280, s15  }
0x9: {  	s13 =	ssub.s32 $0x8C, s15;
	s5 =	smul.u32 $0x13C00, s0;
	s0 =	sand.u32 $0x1, s6  }
0xa: {  	s7 =	sand.u32 $0x380, s23;
	_ =	strace $0x80000047;
	s6 =	smul.u32 $0x27100, s0  }
0xb: {  	s25 =	ssub.s32 $0x2, s0;
	s9 =	sor.u32 s12, s9;
	s14 =	sadd.s32 $0x1, s24  }
0xc: {  	s18 =	sadd.s32 $0x2, s24;
	s22 =	sadd.s32 $0x3, s24;
	v0 =	vmov s0;
	s0 =	simm.s32 $0x1EA00  }
0xd: {  	s5 =	sor.u32 s7, s5;
	s11 =	sshrl.u32 s25, $0x1;
	s16 =	sand.u32 $0x3C380, s9  }
0xe: {  	s17 =	sshll.u32 s14, $0x4;
	s20 =	sshll.u32 s18, $0x4;
	s21 =	sshll.u32 s18, $0x8  }
0xf: {  	s23 =	sshll.u32 s22, $0x4;
	s7 =	sadd.s32 $0x4, s24;
	s24 =	smul.u32 $0x500, s15  }
0x10: {  	s18 =	simm.s32 $0x4;
	s5 =	sshrl.u32 s5, $0x3;
	s26 =	ssub.s32 s25, s11  }
0x11: {  	s11 =	sshll.u32 s14, $0x8;
	s9 =	sand.u32 $0x70, s17;
	s12 =	sand.u32 $0x70, s23  }
0x12: {  	s14 =	smul.u32 $0xA000, s15;
	s15 =	simm.s32 $0x17000;
	s17 =	simm.s32 $0x400  }
0x13: {  	s23 =	simm.s32 $0x1;
	s8 =	sadd.s32 s5, s1;
	s1 =	sadd.s32 s6, s1  }
0x14: {  	s5 =	sshrl.u32 s13, $0x4;
	s11 =	sand.u32 $0xF800, s11;
	s9 =	sadd.s32 s10, s9  }
0x15: {  	s12 =	sadd.s32 s10, s12;
	s13 =	sshll.u32 s7, $0x4;
	s7 =	sshll.u32 s7, $0x8  }
0x16: {  	s6 =	smax.u32 s26, $0x1;
	s8 =	sadd.s32 $0x5E00, s8;
	s19 =	sadd.s32 s11, s9  }
0x17: {  	s9 =	sand.u32 $0xF800, s21;
	s11 =	sshll.u32 s22, $0x8;
	s13 =	sand.u32 $0x70, s13  }
0x18: {  	s7 =	sand.u32 $0xF800, s7;
	[dreg:$0xa] =	wrdreg s6;
	s26 =	sshrl.u32 s14, $0x2  }
0x19: {  	s1 =	sadd.s32 s24, s1;
	s21 =	simm.s32 $0x2;
	s24 =	simm.s32 $0x50  }
0x1a: {  	s6 =	simm.s32 $0x1EA80;
	[dreg:$0x4] =	wrdreg s8;
	s8 =	sshrl.u32 s16, $0x3  }
0x1b: {  	[dreg:$0x6] =	wrdreg s19;
	s11 =	sand.u32 $0xF800, s11;
	s14 =	sadd.s32 $0xAE00, s1  }
0x1c: {  	s16 =	simm.s32 $0x80;
	s1 =	simm.s32 $0x3;
	s8 =	sadd.s32 s10, s8  }
0x1d: {  	s25 =	sadd.s32 s11, s12;
	[dreg:$0x5] =	wrdreg s8;
	s8 =	sand.u32 $0x70, s20  }
0x1e: {  	[dreg:$0x8] =	wrdreg s25;
	s25 =	simm.s32 $0x1E800;
	s8 =	sadd.s32 s10, s8  }
0x1f: {  	s10 =	sadd.s32 s10, s13;
	s13 =	sadd.s32 s26, s3;
	s8 =	sadd.s32 s9, s8  }
0x20: {  	v0 =	vshll.u32 v0, $0x10;
	s26 =	simm.s32 $0x1E880;
	s7 =	sadd.s32 s7, s10;
	[dreg:$0x7] =	wrdreg s8  }
0x21: {  	v1 =	vimm.f32 $0.0e+00;
	v0 =	vbroadcast v0, $0x0;
	[dreg:$0x9] =	wrdreg s7;
	s7 =	simm.s32 $0x5;
	s8 =	simm.s32 $0x6  }
.LBB2_1:
0x22: {  	s9 =	simm.s32 $0x0;
	s10 =	simm.s32 $0x200  }
.LBB2_2:
0x23: {  	p0 =	sne.s32 s10, $0x9E00;
	[tilespmem:s9+$0x17070] =	vst v1  }
0x24: {  	[tilespmem:s9+$0x17000] =	vst v1  }
0x25: {  	[tilespmem:s9+$0x17010] =	vst v1  }
.Ltmp0:
0x26: {  	[tilespmem:s9+$0x17020] =	vst v1;
	(pc) =	sbr.rel @p0 .LBB2_2-.Ltmp0, $4  }
0x27: {  	[tilespmem:s9+$0x17030] =	vst v1  }
0x28: {  	[tilespmem:s9+$0x17040] =	vst v1  }
0x29: {  	[tilespmem:s9+$0x17050] =	vst v1  }
0x2a: {  	[tilespmem:s9+$0x17060] =	vst v1;
	s9 =	sshra.s32 s10, $0x2;
	s10 =	sadd.s32 $0x200, s10  }
0x2b: {  	[tilespmem:s9+$0x17070] =	vst v1  }
0x2c: {  	[tilespmem:s9+$0x17000] =	vst v1  }
0x2d: {  	[tilespmem:s9+$0x17010] =	vst v1  }
0x2e: {  	[tilespmem:s9+$0x17020] =	vst v1;
	p0 =	sne.s32 s5, $0x1  }
.Ltmp1:
0x2f: {  	[tilespmem:s9+$0x17030] =	vst v1;
	(pc) =	sbr.rel @!p0 .LBB2_5-.Ltmp1, $4  }
0x30: {  	[tilespmem:s9+$0x17040] =	vst v1  }
0x31: {  	[tilespmem:s9+$0x17050] =	vst v1  }
0x32: {  	[tilespmem:s9+$0x17060] =	vst v1;
	s9 =	sadd.s32 $0xFFFFFFFF, s5;
	s10 =	smov.u32 s13  }
0x33: {  	[spmem:s13] =	stream.linear.scatter [tilespmem:s15], [sflag:$0x1], $0x2800, $0x38;
	[tilespmem:$0x1EB00] =	vst v63  }
.LBB2_4:
0x34: {  	p1 =	sne.s32 s9, $0x1  }
.Ltmp2:
0x35: {  	_ = 	snop;
	(pc) =	sbr.rel @p1 .LBB2_4-.Ltmp2, $3  }
0x36: {  	_ = 	snop  }
0x37: {  	s9 =	sadd.s32 $0xFFFFFFFF, s9;
	s10 =	sadd.s32 $0x28000, s10;
	_ =	sdelay $0x1  }
0x38: {  	[spmem:s10] =	stream.linear.scatter [tilespmem:s15], [sflag:$0x1], $0x2800, $0x38;
	[tilespmem:$0x1EB00] =	vst v63  }
.LBB2_5:
0x39: {  	s9 =	rddreg [dreg:$0x4];
	s10 =	simm.s32 $0x13880;
	s11 =	simm.s32 $0x7  }
0x3a: {  	[tilespmem:s10], [sflag:$0x7] =	stream.strided.gather [hbm4b:s9+s16], $0x2780, s17, s16, $0x38;
	[tilespmem:$0x1EB00] =	vst v63  }
0x3b: {  	_ =	swait.ge [sflag:s11], $0x2780  }
0x3c: {  	[sflag:s11] =	ssyncset.done $0x0  }
0x3d: {  	s19 =	simm.s32 $0x16000;
	s12 =	rddreg [dreg:$0x5];
	[sflag:s11] =	ssyncadd.s32 $0xFFFFD880  }
0x3e: {  	[tilespmem:s19], [sflag:$0x2] =	stream.strided.gather [hbm4b:s12+s16], $0x800, s17, s16, $0x38;
	[tilespmem:$0x1EB00] =	vst v63  }
0x3f: {  	_ =	swait.ge [sflag:s21], $0x800  }
0x40: {  	s22 =	simm.s32 $0x16800;
	[sflag:s21] =	ssyncset.done $0x0  }
0x41: {  	s9 =	simm.s32 $0x0;
	s20 =	rddreg [dreg:$0x6];
	[sflag:s21] =	ssyncadd.s32 $0xFFFFF800  }
0x42: {  	[tilespmem:s22], [sflag:$0x2] =	stream.strided.gather [hbm4b:s20+s16], $0x800, s17, s16, $0x38;
	[tilespmem:$0x1EB00] =	vst v63  }
0x43: {  	v5 =	vld [tilespmem:s9+$0x16000]  }
0x44: {  	v4 =	vld [tilespmem:s9+$0x16010]  }
0x45: {  	v3 =	vld [tilespmem:s9+$0x16020]  }
0x46: {  	v2 =	vld [tilespmem:s9+$0x16030]  }
0x47: {  	v9 =	vld [tilespmem:s9+$0x13880]  }
0x48: {  	v8 =	vld [tilespmem:s9+$0x13890]  }
0x49: {  	v7 =	vld [tilespmem:s9+$0x138A0]  }
0x4a: {  	s10 =	simm.s32 $0x140;
	v6 =	vld [tilespmem:s9+$0x138B0]  }
.LBB2_6:
0x4b: {  	p1 =	sne.s32 s10, $0x1E00;
	v10 =	vld [tilespmem:s9+$0x138C0]  }
0x4c: {  	s11 =	sshra.s32 s10, $0x2;
	v9 =	vshll.u32 v9, $0x11;
	v11 =	vld [tilespmem:s9+$0x16040]  }
0x4d: {  	v9 =	vor.u32 v9, v5;
	v5 =	vld [tilespmem:s11+$0x16000];
	v8 =	vshll.u32 v8, $0x11  }
0x4e: {  	v9 =	vor.u32 v0, v9;
	v8 =	vor.u32 v8, v4;
	v4 =	vld [tilespmem:s11+$0x16010];
	v7 =	vshll.u32 v7, $0x11  }
0x4f: {  	[tilespmem:s9+$0x13880] =	vst v9;
	v8 =	vor.u32 v0, v8;
	v7 =	vor.u32 v7, v3;
	v3 =	vld [tilespmem:s11+$0x16020];
	v6 =	vshll.u32 v6, $0x11  }
.Ltmp3:
0x50: {  	[tilespmem:s9+$0x13890] =	vst v8;
	v7 =	vor.u32 v0, v7;
	v6 =	vor.u32 v6, v2;
	v2 =	vld [tilespmem:s11+$0x16030];
	v8 =	vshll.u32 v10, $0x11;
	(pc) =	sbr.rel @p1 .LBB2_6-.Ltmp3, $4  }
0x51: {  	v9 =	vld [tilespmem:s11+$0x13880];
	[tilespmem:s9+$0x138A0] =	vst v7;
	v6 =	vor.u32 v0, v6;
	v7 =	vor.u32 v8, v11  }
0x52: {  	v8 =	vld [tilespmem:s11+$0x13890];
	[tilespmem:s9+$0x138B0] =	vst v6;
	v6 =	vor.u32 v0, v7  }
0x53: {  	v7 =	vld [tilespmem:s11+$0x138A0];
	[tilespmem:s9+$0x138C0] =	vst v6;
	s9 =	smov.u32 s11  }
0x54: {  	s10 =	sadd.s32 $0x140, s10;
	v6 =	vld [tilespmem:s9+$0x138B0]  }
0x55: {  	v10 =	vld [tilespmem:s9+$0x138C0]  }
0x56: {  	v11 =	vld [tilespmem:s9+$0x16040];
	v9 =	vshll.u32 v9, $0x11  }
0x57: {  	v5 =	vor.u32 v9, v5;
	v8 =	vshll.u32 v8, $0x11  }
0x58: {  	v5 =	vor.u32 v0, v5;
	v4 =	vor.u32 v8, v4;
	v7 =	vshll.u32 v7, $0x11  }
0x59: {  	[tilespmem:s9+$0x13880] =	vst v5;
	v4 =	vor.u32 v0, v4;
	v3 =	vor.u32 v7, v3;
	v62 =	vshll.u32 v6, $0x11  }
0x5a: {  	[tilespmem:s9+$0x13890] =	vst v4;
	v3 =	vor.u32 v0, v3;
	v2 =	vor.u32 v62, v2;
	v63 =	vshll.u32 v10, $0x11  }
0x5b: {  	[tilespmem:s9+$0x138A0] =	vst v3;
	v2 =	vor.u32 v0, v2;
	v3 =	vor.u32 v63, v11  }
0x5c: {  	[tilespmem:s9+$0x138B0] =	vst v2;
	v2 =	vor.u32 v0, v3  }
0x5d: {  	[tilespmem:s9+$0x138C0] =	vst v2  }
0x5e: {  	_ =	swait.ge [sflag:s21], $0x800  }
0x5f: {  	s10 =	simm.s32 $0x16000;
	[sflag:s21] =	ssyncset.done $0x0  }
0x60: {  	s22 =	simm.s32 $0x14090;
	s19 =	rddreg [dreg:$0x7];
	[sflag:s21] =	ssyncadd.s32 $0xFFFFF800  }
0x61: {  	[tilespmem:s10], [sflag:$0x2] =	stream.strided.gather [hbm4b:s19+s16], $0x800, s17, s16, $0x38;
	[tilespmem:$0x1EB00] =	vst v63  }
0x62: {  	s9 =	simm.s32 $0x16820;
	v2 =	vld [tilespmem:s22+$0xFFFFFFC0]  }
0x63: {  	v3 =	vld [tilespmem:s9+$0xFFFFFFE0];
	_ =	sdelay $0x3  }
0x64: {  	v2 =	vshll.u32 v2, $0x11  }
0x65: {  	v2 =	vor.u32 v2, v3  }
0x66: {  	v2 =	vor.u32 v0, v2  }
0x67: {  	[tilespmem:s22+$0xFFFFFFC0] =	vst v2;
	v2 =	vld [tilespmem:s22+$0xFFFFFFD0]  }
0x68: {  	v3 =	vld [tilespmem:s9+$0xFFFFFFF0];
	_ =	sdelay $0x3  }
0x69: {  	v2 =	vshll.u32 v2, $0x11  }
0x6a: {  	v2 =	vor.u32 v2, v3  }
0x6b: {  	v2 =	vor.u32 v0, v2  }
0x6c: {  	[tilespmem:s22+$0xFFFFFFD0] =	vst v2;
	v2 =	vld [tilespmem:s22+$0xFFFFFFE0]  }
0x6d: {  	v3 =	vld [tilespmem:s9+$0x0];
	_ =	sdelay $0x3  }
0x6e: {  	v2 =	vshll.u32 v2, $0x11  }
0x6f: {  	v2 =	vor.u32 v2, v3  }
0x70: {  	s20 =	simm.s32 $0x0;
	v2 =	vor.u32 v0, v2  }
0x71: {  	s10 =	sand.u32 $0xFF0, s20;
	[tilespmem:s22+$0xFFFFFFE0] =	vst v2  }
0x72: {  	v2 =	vld [tilespmem:s10+$0x14080]  }
0x73: {  	v3 =	vld [tilespmem:s9+$0x10];
	_ =	sdelay $0x3  }
0x74: {  	v2 =	vshll.u32 v2, $0x11  }
0x75: {  	v2 =	vor.u32 v2, v3  }
0x76: {  	v2 =	vor.u32 v0, v2  }
0x77: {  	[tilespmem:s10+$0x14080] =	vst v2  }
0x78: {  	v2 =	vld [tilespmem:s22+$0x0]  }
0x79: {  	v3 =	vld [tilespmem:s9+$0x20];
	_ =	sdelay $0x3  }
0x7a: {  	v2 =	vshll.u32 v2, $0x11  }
0x7b: {  	v2 =	vor.u32 v2, v3  }
0x7c: {  	s11 =	simm.s32 $0x50;
	s12 =	simm.s32 $0xA0;
	s10 =	simm.s32 $0x140E0;
	v2 =	vor.u32 v0, v2  }
.LBB2_8:
0x7d: {  	p1 =	sne.s32 s12, $0x780;
	s9 =	sadd.s32 $0x50, s9  }
0x7e: {  	v3 =	vld [tilespmem:s10+$0xFFFFFFC0];
	[tilespmem:s22+$0x0] =	vst v2;
	s19 =	smov.u32 s12;
	s12 =	sadd.s32 $0x50, s12;
	s22 =	smov.u32 s10  }
0x7f: {  	v2 =	vld [tilespmem:s9+$0xFFFFFFE0];
	_ =	sdelay $0x3  }
0x80: {  	v3 =	vshll.u32 v3, $0x11  }
0x81: {  	v2 =	vor.u32 v3, v2  }
0x82: {  	v2 =	vor.u32 v0, v2  }
0x83: {  	[tilespmem:s10+$0xFFFFFFC0] =	vst v2;
	v2 =	vld [tilespmem:s10+$0xFFFFFFD0]  }
0x84: {  	v3 =	vld [tilespmem:s9+$0xFFFFFFF0];
	_ =	sdelay $0x3  }
0x85: {  	v2 =	vshll.u32 v2, $0x11  }
0x86: {  	v2 =	vor.u32 v2, v3  }
0x87: {  	v2 =	vor.u32 v0, v2  }
0x88: {  	[tilespmem:s10+$0xFFFFFFD0] =	vst v2;
	v2 =	vld [tilespmem:s10+$0xFFFFFFE0]  }
0x89: {  	v3 =	vld [tilespmem:s9+$0x0];
	_ =	sdelay $0x3  }
0x8a: {  	v2 =	vshll.u32 v2, $0x11  }
0x8b: {  	v2 =	vor.u32 v2, v3  }
0x8c: {  	v2 =	vor.u32 v0, v2  }
0x8d: {  	s20 =	sand.u32 $0xFF0, s11;
	s11 =	smov.u32 s19;
	[tilespmem:s10+$0xFFFFFFE0] =	vst v2  }
0x8e: {  	v2 =	vld [tilespmem:s20+$0x14080]  }
0x8f: {  	v3 =	vld [tilespmem:s9+$0x10];
	_ =	sdelay $0x3  }
0x90: {  	v2 =	vshll.u32 v2, $0x11  }
0x91: {  	v2 =	vor.u32 v2, v3  }
0x92: {  	v2 =	vor.u32 v0, v2  }
0x93: {  	[tilespmem:s20+$0x14080] =	vst v2  }
0x94: {  	v2 =	vld [tilespmem:s10+$0x0]  }
0x95: {  	v3 =	vld [tilespmem:s9+$0x20];
	_ =	sdelay $0x1  }
.Ltmp4:
0x96: {  	(pc) =	sbr.rel @p1 .LBB2_8-.Ltmp4, $4  }
0x97: {  	_ = 	snop  }
0x98: {  	v2 =	vshll.u32 v2, $0x11  }
0x99: {  	v2 =	vor.u32 v2, v3  }
0x9a: {  	s10 =	sadd.s32 $0x50, s10;
	v2 =	vor.u32 v0, v2  }
0x9b: {  	v3 =	vld [tilespmem:s10+$0xFFFFFFC0];
	[tilespmem:s22+$0x0] =	vst v2;
	s9 =	sadd.s32 $0x50, s9  }
0x9c: {  	v2 =	vld [tilespmem:s9+$0xFFFFFFE0];
	_ =	sdelay $0x3  }
0x9d: {  	v3 =	vshll.u32 v3, $0x11  }
0x9e: {  	v2 =	vor.u32 v3, v2  }
0x9f: {  	v2 =	vor.u32 v0, v2  }
0xa0: {  	[tilespmem:s10+$0xFFFFFFC0] =	vst v2;
	v2 =	vld [tilespmem:s10+$0xFFFFFFD0]  }
0xa1: {  	v3 =	vld [tilespmem:s9+$0xFFFFFFF0];
	_ =	sdelay $0x3  }
0xa2: {  	v2 =	vshll.u32 v2, $0x11  }
0xa3: {  	v2 =	vor.u32 v2, v3  }
0xa4: {  	v2 =	vor.u32 v0, v2  }
0xa5: {  	[tilespmem:s10+$0xFFFFFFD0] =	vst v2;
	v2 =	vld [tilespmem:s10+$0xFFFFFFE0]  }
0xa6: {  	v3 =	vld [tilespmem:s9+$0x0];
	_ =	sdelay $0x3  }
0xa7: {  	v2 =	vshll.u32 v2, $0x11  }
0xa8: {  	v2 =	vor.u32 v2, v3  }
0xa9: {  	v2 =	vor.u32 v0, v2  }
0xaa: {  	s11 =	sand.u32 $0xFF0, s11;
	[tilespmem:s10+$0xFFFFFFE0] =	vst v2  }
0xab: {  	v2 =	vld [tilespmem:s11+$0x14080]  }
0xac: {  	v3 =	vld [tilespmem:s9+$0x10];
	_ =	sdelay $0x3  }
0xad: {  	v2 =	vshll.u32 v2, $0x11  }
0xae: {  	v2 =	vor.u32 v2, v3  }
0xaf: {  	v2 =	vor.u32 v0, v2  }
0xb0: {  	[tilespmem:s11+$0x14080] =	vst v2  }
0xb1: {  	v2 =	vld [tilespmem:s10+$0x0]  }
0xb2: {  	v3 =	vld [tilespmem:s9+$0x20];
	_ =	sdelay $0x3  }
0xb3: {  	v2 =	vshll.u32 v2, $0x11  }
0xb4: {  	v2 =	vor.u32 v2, v3  }
0xb5: {  	v2 =	vor.u32 v0, v2  }
0xb6: {  	[tilespmem:s10+$0x0] =	vst v2  }
0xb7: {  	_ =	swait.ge [sflag:s21], $0x800  }
0xb8: {  	s22 =	simm.s32 $0x16800;
	[sflag:s21] =	ssyncset.done $0x0  }
0xb9: {  	s9 =	simm.s32 $0x0;
	s20 =	rddreg [dreg:$0x8];
	[sflag:s21] =	ssyncadd.s32 $0xFFFFF800  }
0xba: {  	[tilespmem:s22], [sflag:$0x2] =	stream.strided.gather [hbm4b:s20+s16], $0x800, s17, s16, $0x38;
	[tilespmem:$0x1EB00] =	vst v63  }
0xbb: {  	v5 =	vld [tilespmem:s9+$0x16000]  }
0xbc: {  	v4 =	vld [tilespmem:s9+$0x16010]  }
0xbd: {  	v3 =	vld [tilespmem:s9+$0x16020]  }
0xbe: {  	v2 =	vld [tilespmem:s9+$0x16030]  }
0xbf: {  	v9 =	vld [tilespmem:s9+$0x14820]  }
0xc0: {  	v8 =	vld [tilespmem:s9+$0x14830]  }
0xc1: {  	v7 =	vld [tilespmem:s9+$0x14840]  }
0xc2: {  	s10 =	simm.s32 $0x140;
	v6 =	vld [tilespmem:s9+$0x14850]  }
.LBB2_10:
0xc3: {  	p1 =	sne.s32 s10, $0x1E00;
	v10 =	vld [tilespmem:s9+$0x14860]  }
0xc4: {  	s11 =	sshra.s32 s10, $0x2;
	v9 =	vshll.u32 v9, $0x11;
	v11 =	vld [tilespmem:s9+$0x16040]  }
0xc5: {  	v9 =	vor.u32 v9, v5;
	v5 =	vld [tilespmem:s11+$0x16000];
	v8 =	vshll.u32 v8, $0x11  }
0xc6: {  	v9 =	vor.u32 v0, v9;
	v8 =	vor.u32 v8, v4;
	v4 =	vld [tilespmem:s11+$0x16010];
	v7 =	vshll.u32 v7, $0x11  }
0xc7: {  	[tilespmem:s9+$0x14820] =	vst v9;
	v8 =	vor.u32 v0, v8;
	v7 =	vor.u32 v7, v3;
	v3 =	vld [tilespmem:s11+$0x16020];
	v6 =	vshll.u32 v6, $0x11  }
.Ltmp5:
0xc8: {  	[tilespmem:s9+$0x14830] =	vst v8;
	v7 =	vor.u32 v0, v7;
	v6 =	vor.u32 v6, v2;
	v2 =	vld [tilespmem:s11+$0x16030];
	v8 =	vshll.u32 v10, $0x11;
	(pc) =	sbr.rel @p1 .LBB2_10-.Ltmp5, $4  }
0xc9: {  	v9 =	vld [tilespmem:s11+$0x14820];
	[tilespmem:s9+$0x14840] =	vst v7;
	v6 =	vor.u32 v0, v6;
	v7 =	vor.u32 v8, v11  }
0xca: {  	v8 =	vld [tilespmem:s11+$0x14830];
	[tilespmem:s9+$0x14850] =	vst v6;
	v6 =	vor.u32 v0, v7  }
0xcb: {  	v7 =	vld [tilespmem:s11+$0x14840];
	[tilespmem:s9+$0x14860] =	vst v6;
	s9 =	smov.u32 s11  }
0xcc: {  	s10 =	sadd.s32 $0x140, s10;
	v6 =	vld [tilespmem:s9+$0x14850]  }
0xcd: {  	v10 =	vld [tilespmem:s9+$0x14860]  }
0xce: {  	v11 =	vld [tilespmem:s9+$0x16040];
	v9 =	vshll.u32 v9, $0x11  }
0xcf: {  	v5 =	vor.u32 v9, v5;
	v8 =	vshll.u32 v8, $0x11  }
0xd0: {  	v5 =	vor.u32 v0, v5;
	v4 =	vor.u32 v8, v4;
	v7 =	vshll.u32 v7, $0x11  }
0xd1: {  	[tilespmem:s9+$0x14820] =	vst v5;
	v4 =	vor.u32 v0, v4;
	v3 =	vor.u32 v7, v3;
	v62 =	vshll.u32 v6, $0x11  }
0xd2: {  	[tilespmem:s9+$0x14830] =	vst v4;
	v3 =	vor.u32 v0, v3;
	v2 =	vor.u32 v62, v2;
	v63 =	vshll.u32 v10, $0x11  }
0xd3: {  	[tilespmem:s9+$0x14840] =	vst v3;
	v2 =	vor.u32 v0, v2;
	v3 =	vor.u32 v63, v11  }
0xd4: {  	[tilespmem:s9+$0x14850] =	vst v2;
	v2 =	vor.u32 v0, v3  }
0xd5: {  	[tilespmem:s9+$0x14860] =	vst v2  }
0xd6: {  	_ =	swait.ge [sflag:s21], $0x800  }
0xd7: {  	s10 =	simm.s32 $0x16000;
	[sflag:s21] =	ssyncset.done $0x0  }
0xd8: {  	s22 =	simm.s32 $0x15030;
	s19 =	rddreg [dreg:$0x9];
	[sflag:s21] =	ssyncadd.s32 $0xFFFFF800  }
0xd9: {  	[tilespmem:s10], [sflag:$0x2] =	stream.strided.gather [hbm4b:s19+s16], $0x800, s17, s16, $0x38;
	[tilespmem:$0x1EB00] =	vst v63  }
0xda: {  	s9 =	simm.s32 $0x16820;
	v2 =	vld [tilespmem:s22+$0xFFFFFFC0]  }
0xdb: {  	v3 =	vld [tilespmem:s9+$0xFFFFFFE0];
	_ =	sdelay $0x3  }
0xdc: {  	v2 =	vshll.u32 v2, $0x11  }
0xdd: {  	v2 =	vor.u32 v2, v3  }
0xde: {  	s20 =	simm.s32 $0x0;
	v2 =	vor.u32 v0, v2  }
0xdf: {  	s10 =	sand.u32 $0xFF0, s20;
	[tilespmem:s22+$0xFFFFFFC0] =	vst v2  }
0xe0: {  	v2 =	vld [tilespmem:s10+$0x15000]  }
0xe1: {  	v3 =	vld [tilespmem:s9+$0xFFFFFFF0];
	_ =	sdelay $0x3  }
0xe2: {  	v2 =	vshll.u32 v2, $0x11  }
0xe3: {  	v2 =	vor.u32 v2, v3  }
0xe4: {  	v2 =	vor.u32 v0, v2  }
0xe5: {  	[tilespmem:s10+$0x15000] =	vst v2  }
0xe6: {  	v2 =	vld [tilespmem:s22+$0xFFFFFFE0]  }
0xe7: {  	v3 =	vld [tilespmem:s9+$0x0];
	_ =	sdelay $0x3  }
0xe8: {  	v2 =	vshll.u32 v2, $0x11  }
0xe9: {  	v2 =	vor.u32 v2, v3  }
0xea: {  	v2 =	vor.u32 v0, v2  }
0xeb: {  	v3 =	vld [tilespmem:s22+$0xFFFFFFF0];
	[tilespmem:s22+$0xFFFFFFE0] =	vst v2  }
0xec: {  	v2 =	vld [tilespmem:s9+$0x10];
	_ =	sdelay $0x3  }
0xed: {  	v3 =	vshll.u32 v3, $0x11  }
0xee: {  	v2 =	vor.u32 v3, v2  }
0xef: {  	v2 =	vor.u32 v0, v2  }
0xf0: {  	[tilespmem:s22+$0xFFFFFFF0] =	vst v2;
	v2 =	vld [tilespmem:s22+$0x0]  }
0xf1: {  	v3 =	vld [tilespmem:s9+$0x20];
	_ =	sdelay $0x3  }
0xf2: {  	v2 =	vshll.u32 v2, $0x11  }
0xf3: {  	v2 =	vor.u32 v2, v3  }
0xf4: {  	s11 =	simm.s32 $0x50;
	s12 =	simm.s32 $0xA0;
	s10 =	simm.s32 $0x15080;
	v2 =	vor.u32 v0, v2  }
.LBB2_12:
0xf5: {  	p1 =	sne.s32 s12, $0x780;
	s9 =	sadd.s32 $0x50, s9  }
0xf6: {  	v3 =	vld [tilespmem:s10+$0xFFFFFFC0];
	[tilespmem:s22+$0x0] =	vst v2;
	s19 =	smov.u32 s12;
	s12 =	sadd.s32 $0x50, s12;
	s22 =	smov.u32 s10  }
0xf7: {  	v2 =	vld [tilespmem:s9+$0xFFFFFFE0];
	_ =	sdelay $0x3  }
0xf8: {  	v3 =	vshll.u32 v3, $0x11  }
0xf9: {  	v2 =	vor.u32 v3, v2  }
0xfa: {  	v2 =	vor.u32 v0, v2  }
0xfb: {  	s20 =	sand.u32 $0xFF0, s11;
	s11 =	smov.u32 s19;
	[tilespmem:s10+$0xFFFFFFC0] =	vst v2  }
0xfc: {  	v2 =	vld [tilespmem:s20+$0x15000]  }
0xfd: {  	v3 =	vld [tilespmem:s9+$0xFFFFFFF0];
	_ =	sdelay $0x3  }
0xfe: {  	v2 =	vshll.u32 v2, $0x11  }
0xff: {  	v2 =	vor.u32 v2, v3  }
0x100: {  	v2 =	vor.u32 v0, v2  }
0x101: {  	[tilespmem:s20+$0x15000] =	vst v2  }
0x102: {  	v2 =	vld [tilespmem:s10+$0xFFFFFFE0]  }
0x103: {  	v3 =	vld [tilespmem:s9+$0x0]  }
0x104: {  	v4 =	vld [tilespmem:s10+$0xFFFFFFF0];
	_ =	sdelay $0x2  }
0x105: {  	v2 =	vshll.u32 v2, $0x11  }
0x106: {  	v2 =	vor.u32 v2, v3  }
0x107: {  	v2 =	vor.u32 v0, v2  }
0x108: {  	[tilespmem:s10+$0xFFFFFFE0] =	vst v2  }
0x109: {  	v2 =	vld [tilespmem:s9+$0x10];
	_ =	sdelay $0x3  }
0x10a: {  	v3 =	vshll.u32 v4, $0x11  }
0x10b: {  	v2 =	vor.u32 v3, v2  }
0x10c: {  	v2 =	vor.u32 v0, v2  }
0x10d: {  	[tilespmem:s10+$0xFFFFFFF0] =	vst v2;
	v2 =	vld [tilespmem:s10+$0x0]  }
0x10e: {  	v3 =	vld [tilespmem:s9+$0x20];
	_ =	sdelay $0x1  }
.Ltmp6:
0x10f: {  	(pc) =	sbr.rel @p1 .LBB2_12-.Ltmp6, $4  }
0x110: {  	_ = 	snop  }
0x111: {  	v2 =	vshll.u32 v2, $0x11  }
0x112: {  	v2 =	vor.u32 v2, v3  }
0x113: {  	s10 =	sadd.s32 $0x50, s10;
	v2 =	vor.u32 v0, v2  }
0x114: {  	v3 =	vld [tilespmem:s10+$0xFFFFFFC0];
	[tilespmem:s22+$0x0] =	vst v2;
	s9 =	sadd.s32 $0x50, s9  }
0x115: {  	v2 =	vld [tilespmem:s9+$0xFFFFFFE0];
	_ =	sdelay $0x3  }
0x116: {  	v3 =	vshll.u32 v3, $0x11  }
0x117: {  	v2 =	vor.u32 v3, v2  }
0x118: {  	v2 =	vor.u32 v0, v2  }
0x119: {  	s11 =	sand.u32 $0xFF0, s11;
	[tilespmem:s10+$0xFFFFFFC0] =	vst v2  }
0x11a: {  	v2 =	vld [tilespmem:s11+$0x15000]  }
0x11b: {  	v3 =	vld [tilespmem:s9+$0xFFFFFFF0];
	_ =	sdelay $0x3  }
0x11c: {  	v2 =	vshll.u32 v2, $0x11  }
0x11d: {  	v2 =	vor.u32 v2, v3  }
0x11e: {  	v2 =	vor.u32 v0, v2  }
0x11f: {  	[tilespmem:s11+$0x15000] =	vst v2  }
0x120: {  	v2 =	vld [tilespmem:s10+$0xFFFFFFE0]  }
0x121: {  	v3 =	vld [tilespmem:s9+$0x0];
	_ =	sdelay $0x3  }
0x122: {  	v2 =	vshll.u32 v2, $0x11  }
0x123: {  	v2 =	vor.u32 v2, v3  }
0x124: {  	v2 =	vor.u32 v0, v2  }
0x125: {  	v3 =	vld [tilespmem:s10+$0xFFFFFFF0];
	[tilespmem:s10+$0xFFFFFFE0] =	vst v2  }
0x126: {  	v2 =	vld [tilespmem:s9+$0x10];
	_ =	sdelay $0x3  }
0x127: {  	v3 =	vshll.u32 v3, $0x11  }
0x128: {  	v2 =	vor.u32 v3, v2  }
0x129: {  	v2 =	vor.u32 v0, v2  }
0x12a: {  	[tilespmem:s10+$0xFFFFFFF0] =	vst v2;
	v2 =	vld [tilespmem:s10+$0x0]  }
0x12b: {  	v3 =	vld [tilespmem:s9+$0x20];
	_ =	sdelay $0x3  }
0x12c: {  	v2 =	vshll.u32 v2, $0x11  }
0x12d: {  	v2 =	vor.u32 v2, v3  }
0x12e: {  	v2 =	vor.u32 v0, v2  }
0x12f: {  	[tilespmem:s10+$0x0] =	vst v2  }
0x130: {  	_ =	swait.ge [sflag:s21], $0x800  }
0x131: {  	[sflag:s21] =	ssyncset.done $0x0  }
0x132: {  	s9 =	simm.s32 $0x157F0;
	[sflag:s21] =	ssyncadd.s32 $0xFFFFF800  }
0x133: {  	s10 =	simm.s32 $0x16020;
	v2 =	vld [tilespmem:s9+$0xFFFFFFD0]  }
0x134: {  	v3 =	vld [tilespmem:s10+$0xFFFFFFE0];
	_ =	sdelay $0x3  }
0x135: {  	v2 =	vshll.u32 v2, $0x11  }
0x136: {  	v2 =	vor.u32 v2, v3  }
0x137: {  	v2 =	vor.u32 v0, v2  }
0x138: {  	[tilespmem:s9+$0xFFFFFFD0] =	vst v2;
	v2 =	vld [tilespmem:s9+$0xFFFFFFE0]  }
0x139: {  	v3 =	vld [tilespmem:s10+$0xFFFFFFF0];
	_ =	sdelay $0x3  }
0x13a: {  	v2 =	vshll.u32 v2, $0x11  }
0x13b: {  	v2 =	vor.u32 v2, v3  }
0x13c: {  	v2 =	vor.u32 v0, v2  }
0x13d: {  	[tilespmem:s9+$0xFFFFFFE0] =	vst v2;
	v2 =	vld [tilespmem:s9+$0xFFFFFFF0]  }
0x13e: {  	v3 =	vld [tilespmem:s10+$0x0];
	_ =	sdelay $0x3  }
0x13f: {  	v2 =	vshll.u32 v2, $0x11  }
0x140: {  	v2 =	vor.u32 v2, v3  }
0x141: {  	v2 =	vor.u32 v0, v2  }
0x142: {  	[tilespmem:s9+$0xFFFFFFF0] =	vst v2;
	v2 =	vld [tilespmem:s9+$0x0]  }
0x143: {  	v3 =	vld [tilespmem:s10+$0x10];
	_ =	sdelay $0x3  }
0x144: {  	v2 =	vshll.u32 v2, $0x11  }
0x145: {  	v2 =	vor.u32 v2, v3  }
0x146: {  	s22 =	simm.s32 $0x0;
	v2 =	vor.u32 v0, v2  }
0x147: {  	s12 =	sand.u32 $0xFF0, s22;
	[tilespmem:s9+$0x0] =	vst v2  }
0x148: {  	v2 =	vld [tilespmem:s12+$0x15800]  }
0x149: {  	v3 =	vld [tilespmem:s10+$0x20];
	_ =	sdelay $0x3  }
0x14a: {  	v2 =	vshll.u32 v2, $0x11  }
0x14b: {  	v2 =	vor.u32 v2, v3  }
0x14c: {  	s11 =	simm.s32 $0x50;
	v2 =	vor.u32 v0, v2  }
.LBB2_14:
0x14d: {  	p1 =	sne.s32 s11, $0x780;
	[tilespmem:s12+$0x15800] =	vst v2;
	s10 =	sadd.s32 $0x50, s10;
	s9 =	sadd.s32 $0x50, s9  }
0x14e: {  	s12 =	smov.u32 s11;
	s11 =	sadd.s32 $0x50, s11;
	v2 =	vld [tilespmem:s9+$0xFFFFFFD0]  }
0x14f: {  	v3 =	vld [tilespmem:s10+$0xFFFFFFE0];
	_ =	sdelay $0x3  }
0x150: {  	v2 =	vshll.u32 v2, $0x11  }
0x151: {  	v2 =	vor.u32 v2, v3  }
0x152: {  	v2 =	vor.u32 v0, v2  }
0x153: {  	[tilespmem:s9+$0xFFFFFFD0] =	vst v2;
	v2 =	vld [tilespmem:s9+$0xFFFFFFE0]  }
0x154: {  	v3 =	vld [tilespmem:s10+$0xFFFFFFF0];
	_ =	sdelay $0x3  }
0x155: {  	v2 =	vshll.u32 v2, $0x11  }
0x156: {  	v2 =	vor.u32 v2, v3  }
0x157: {  	v2 =	vor.u32 v0, v2  }
0x158: {  	[tilespmem:s9+$0xFFFFFFE0] =	vst v2;
	v2 =	vld [tilespmem:s9+$0xFFFFFFF0]  }
0x159: {  	v3 =	vld [tilespmem:s10+$0x0];
	_ =	sdelay $0x3  }
0x15a: {  	v2 =	vshll.u32 v2, $0x11  }
0x15b: {  	v2 =	vor.u32 v2, v3  }
0x15c: {  	v2 =	vor.u32 v0, v2  }
0x15d: {  	[tilespmem:s9+$0xFFFFFFF0] =	vst v2;
	v2 =	vld [tilespmem:s9+$0x0]  }
0x15e: {  	v3 =	vld [tilespmem:s10+$0x10];
	_ =	sdelay $0x3  }
0x15f: {  	v2 =	vshll.u32 v2, $0x11  }
0x160: {  	v2 =	vor.u32 v2, v3  }
0x161: {  	v2 =	vor.u32 v0, v2  }
0x162: {  	s12 =	sand.u32 $0xFF0, s12;
	[tilespmem:s9+$0x0] =	vst v2  }
0x163: {  	v2 =	vld [tilespmem:s12+$0x15800]  }
0x164: {  	v3 =	vld [tilespmem:s10+$0x20];
	_ =	sdelay $0x1  }
.Ltmp7:
0x165: {  	(pc) =	sbr.rel @p1 .LBB2_14-.Ltmp7, $4  }
0x166: {  	_ = 	snop  }
0x167: {  	v2 =	vshll.u32 v2, $0x11  }
0x168: {  	v2 =	vor.u32 v2, v3  }
0x169: {  	v2 =	vor.u32 v0, v2  }
.Ltmp8:
0x16a: {  	(pc) =	sbr.rel @!p0 .LBB2_17-.Ltmp8, $4  }
0x16b: {  	_ = 	snop  }
0x16c: {  	[tilespmem:s12+$0x15800] =	vst v2  }
0x16d: {  	_ =	swait.ge [sflag:s23], $0x2800  }
0x16e: {  	s9 =	sadd.s32 $0xFFFFFFFF, s5;
	[sflag:s23] =	ssyncset.done $0x0  }
.LBB2_16:
0x16f: {  	p1 =	sne.s32 s9, $0x1;
	s9 =	sadd.s32 $0xFFFFFFFF, s9;
	[sflag:s23] =	ssyncadd.s32 $0xFFFFD800  }
.Ltmp9:
0x170: {  	(pc) =	sbr.rel @p1 .LBB2_16-.Ltmp9, $3  }
0x171: {  	_ =	sdelay $0x1  }
0x172: {  	_ =	swait.ge [sflag:s23], $0x2800  }
0x173: {  	[sflag:s23] =	ssyncset.done $0x0  }
.LBB2_17:
0x174: {  	[sflag:s23] =	ssyncadd.s32 $0xFFFFD800  }
0x175: {  	[bflag:$0x0] =	sbarrier.arrive $0xFFFF  }
0x176: {  	v2 =	vld [tilespmem:$0x13880];
	_ =	sdelay $0x1  }
0x177: {  	v3 =	vld [tilespmem:$0x13890];
	_ =	sdelay $0x1  }
0x178: {  	v4 =	vld [tilespmem:$0x138A0]  }
0x179: {  	v5 =	vshra.s32 v2, $0x10  }
0x17a: {  	v60 =	vld [tilespmem:$0x138B0];
	v2 =	vand.u32 $0xFFFF, v2;
	[tilespmem:$0x1E800] =	vst v5  }
0x17b: {  	[tilespmem:$0x1E980] =	vst v2;
	v2 =	vshra.s32 v3, $0x10  }
0x17c: {  	[tilespmem:$0x1E810] =	vst v2;
	v2 =	vand.u32 $0xFFFF, v3;
	v3 =	vld [tilespmem:$0x138C0]  }
0x17d: {  	[tilespmem:$0x1E990] =	vst v2;
	v2 =	vshra.s32 v4, $0x10  }
0x17e: {  	[tilespmem:$0x1E820] =	vst v2;
	v2 =	vand.u32 $0xFFFF, v4  }
0x17f: {  	[tilespmem:$0x1E9A0] =	vst v2;
	v2 =	vshra.s32 v60, $0x10  }
0x180: {  	[tilespmem:$0x1E830] =	vst v2;
	v2 =	vand.u32 $0xFFFF, v60  }
0x181: {  	[tilespmem:$0x1E9B0] =	vst v2;
	v2 =	vshra.s32 v3, $0x10  }
0x182: {  	[tilespmem:$0x1E840] =	vst v2;
	v2 =	vand.u32 $0xFFFF, v3  }
0x183: {  	[tilespmem:$0x1E9C0] =	vst v2  }
0x184: {  	[tilespmem:s15], [sflag:$0x1] =	stream.indirect.gather [hbm4b:s2+s24], $0x80, s25, s24, $0xb8;
	[tilespmem:$0x1EB00] =	vst v63  }
0x185: {  	v2 =	vld [tilespmem:$0x138D0];
	_ =	sdelay $0x1  }
0x186: {  	v3 =	vld [tilespmem:$0x138E0];
	_ =	sdelay $0x1  }
0x187: {  	v61 =	vld [tilespmem:$0x138F0]  }
0x188: {  	v62 =	vshra.s32 v2, $0x10  }
0x189: {  	v63 =	vld [tilespmem:$0x13900];
	v2 =	vand.u32 $0xFFFF, v2;
	[tilespmem:$0x1E880] =	vst v62  }
0x18a: {  	[tilespmem:$0x1EA00] =	vst v2;
	v2 =	vshra.s32 v3, $0x10  }
0x18b: {  	[tilespmem:$0x1E890] =	vst v2;
	v2 =	vand.u32 $0xFFFF, v3;
	v3 =	vld [tilespmem:$0x13910]  }
0x18c: {  	[tilespmem:$0x1EA10] =	vst v2;
	v2 =	vshra.s32 v61, $0x10  }
0x18d: {  	[tilespmem:$0x1E8A0] =	vst v2;
	v2 =	vand.u32 $0xFFFF, v61  }
0x18e: {  	[tilespmem:$0x1EA20] =	vst v2;
	v2 =	vshra.s32 v63, $0x10  }
0x18f: {  	[tilespmem:$0x1E8B0] =	vst v2;
	v2 =	vand.u32 $0xFFFF, v63  }
0x190: {  	[tilespmem:$0x1EA30] =	vst v2;
	v2 =	vshra.s32 v3, $0x10  }
0x191: {  	[tilespmem:$0x1E8C0] =	vst v2;
	v2 =	vand.u32 $0xFFFF, v3  }
0x192: {  	[tilespmem:$0x1EA40] =	vst v2  }
0x193: {  	[tilespmem:s28], [sflag:$0x2] =	stream.indirect.gather [hbm4b:s2+s24], $0x80, s26, s24, $0xb8;
	[tilespmem:$0x1EB00] =	vst v63  }
0x194: {  	_ =	swait.ge [sflag:s23], $0x2800  }
0x195: {  	p1 =	por $0x1, $0x1;
	[sflag:s23] =	ssyncset.done $0x0  }
0x196: {  	s9 =	simm.s32 @!p1 $0x6;
	[sflag:s23] =	ssyncadd.s32 $0xFFFFD800  }
0x197: {  	[spmem:s3] =	stream.indirect.scatter.add.f32 [tilespmem:s15], [sflag:$0x4], $0x80, s29, s24, $0xb8;
	[tilespmem:$0x1EB00] =	vst v63  }
0x198: {  	_ =	swait.ge @!p1 [sflag:s9], $0x2800  }
0x199: {  	[sflag:s9] =	ssyncset.done @!p1 $0x0  }
0x19a: {  	s22 =	simm.s32 $0x0;
	[sflag:s9] =	ssyncadd.s32 @!p1 $0xFFFFD800  }
0x19b: {  	v2 =	vld [tilespmem:s22+$0x13920];
	_ =	sdelay $0x4  }
0x19c: {  	v3 =	vand.u32 $0xFFFF, v2  }
0x19d: {  	v2 =	vshra.s32 v2, $0x10;
	[tilespmem:$0x1EA80] =	vst v3  }
0x19e: {  	[tilespmem:$0x1E900] =	vst v2  }
0x19f: {  	v2 =	vld [tilespmem:s22+$0x13930];
	_ =	sdelay $0x4  }
0x1a0: {  	v3 =	vshra.s32 v2, $0x10  }
0x1a1: {  	v2 =	vand.u32 $0xFFFF, v2;
	[tilespmem:$0x1E910] =	vst v3  }
0x1a2: {  	[tilespmem:$0x1EA90] =	vst v2  }
0x1a3: {  	v2 =	vld [tilespmem:s22+$0x13940];
	_ =	sdelay $0x4  }
0x1a4: {  	v3 =	vshra.s32 v2, $0x10  }
0x1a5: {  	v2 =	vand.u32 $0xFFFF, v2;
	[tilespmem:$0x1E920] =	vst v3  }
0x1a6: {  	[tilespmem:$0x1EAA0] =	vst v2  }
0x1a7: {  	v2 =	vld [tilespmem:s22+$0x13950];
	_ =	sdelay $0x4  }
0x1a8: {  	v3 =	vshra.s32 v2, $0x10  }
0x1a9: {  	v2 =	vand.u32 $0xFFFF, v2;
	[tilespmem:$0x1E930] =	vst v3  }
0x1aa: {  	[tilespmem:$0x1EAB0] =	vst v2  }
0x1ab: {  	v2 =	vld [tilespmem:s22+$0x13960];
	_ =	sdelay $0x4  }
0x1ac: {  	v3 =	vshra.s32 v2, $0x10  }
0x1ad: {  	v2 =	vand.u32 $0xFFFF, v2;
	[tilespmem:$0x1E940] =	vst v3  }
0x1ae: {  	[tilespmem:$0x1EAC0] =	vst v2  }
0x1af: {  	[tilespmem:s31], [sflag:$0x3] =	stream.indirect.gather [hbm4b:s2+s24], $0x80, s30, s24, $0xb8;
	[tilespmem:$0x1EB00] =	vst v63  }
0x1b0: {  	_ =	swait.ge [sflag:s21], $0x2800  }
0x1b1: {  	[sflag:s21] =	ssyncset.done $0x0  }
0x1b2: {  	[sflag:s21] =	ssyncadd.s32 $0xFFFFD800  }
0x1b3: {  	[spmem:s3] =	stream.indirect.scatter.add.f32 [tilespmem:s28], [sflag:$0x5], $0x80, s0, s24, $0xb8;
	[tilespmem:$0x1EB00] =	vst v63  }
0x1b4: {  	_ =	swait.ge [sflag:s18], $0x2800  }
0x1b5: {  	[sflag:s18] =	ssyncset.done $0x0  }
0x1b6: {  	[sflag:s18] =	ssyncadd.s32 $0xFFFFD800  }
0x1b7: {  	v2 =	vld [tilespmem:s22+$0x13970];
	_ =	sdelay $0x4  }
0x1b8: {  	v3 =	vshra.s32 v2, $0x10  }
0x1b9: {  	v2 =	vand.u32 $0xFFFF, v2;
	[tilespmem:$0x1E800] =	vst v3  }
0x1ba: {  	[tilespmem:$0x1E980] =	vst v2  }
0x1bb: {  	v2 =	vld [tilespmem:s22+$0x13980];
	_ =	sdelay $0x4  }
0x1bc: {  	v3 =	vshra.s32 v2, $0x10  }
0x1bd: {  	v2 =	vand.u32 $0xFFFF, v2;
	[tilespmem:$0x1E810] =	vst v3  }
0x1be: {  	[tilespmem:$0x1E990] =	vst v2  }
0x1bf: {  	v2 =	vld [tilespmem:s22+$0x13990];
	_ =	sdelay $0x4  }
0x1c0: {  	v3 =	vshra.s32 v2, $0x10  }
0x1c1: {  	v2 =	vand.u32 $0xFFFF, v2;
	[tilespmem:$0x1E820] =	vst v3  }
0x1c2: {  	[tilespmem:$0x1E9A0] =	vst v2  }
0x1c3: {  	v2 =	vld [tilespmem:s22+$0x139A0];
	_ =	sdelay $0x4  }
0x1c4: {  	v3 =	vshra.s32 v2, $0x10  }
0x1c5: {  	v2 =	vand.u32 $0xFFFF, v2;
	[tilespmem:$0x1E830] =	vst v3  }
0x1c6: {  	[tilespmem:$0x1E9B0] =	vst v2  }
0x1c7: {  	v2 =	vld [tilespmem:s22+$0x139B0];
	_ =	sdelay $0x4  }
0x1c8: {  	v3 =	vshra.s32 v2, $0x10  }
0x1c9: {  	v2 =	vand.u32 $0xFFFF, v2;
	[tilespmem:$0x1E840] =	vst v3  }
0x1ca: {  	[tilespmem:$0x1E9C0] =	vst v2  }
0x1cb: {  	[tilespmem:s15], [sflag:$0x1] =	stream.indirect.gather [hbm4b:s2+s24], $0x80, s25, s24, $0xb8;
	[tilespmem:$0x1EB00] =	vst v63  }
0x1cc: {  	_ =	swait.ge [sflag:s1], $0x2800  }
0x1cd: {  	[sflag:s1] =	ssyncset.done $0x0  }
0x1ce: {  	[sflag:s1] =	ssyncadd.s32 $0xFFFFD800  }
0x1cf: {  	[spmem:s3] =	stream.indirect.scatter.add.f32 [tilespmem:s31], [sflag:$0x6], $0x80, s6, s24, $0xb8;
	[tilespmem:$0x1EB00] =	vst v63  }
0x1d0: {  	_ =	swait.ge [sflag:s7], $0x2800  }
0x1d1: {  	[sflag:s7] =	ssyncset.done $0x0  }
0x1d2: {  	[sflag:s7] =	ssyncadd.s32 $0xFFFFD800  }
0x1d3: {  	v2 =	vld [tilespmem:s22+$0x139C0];
	_ =	sdelay $0x4  }
0x1d4: {  	v3 =	vshra.s32 v2, $0x10  }
0x1d5: {  	v2 =	vand.u32 $0xFFFF, v2;
	[tilespmem:$0x1E880] =	vst v3  }
0x1d6: {  	[tilespmem:$0x1EA00] =	vst v2  }
0x1d7: {  	v2 =	vld [tilespmem:s22+$0x139D0];
	_ =	sdelay $0x4  }
0x1d8: {  	v3 =	vshra.s32 v2, $0x10  }
0x1d9: {  	v2 =	vand.u32 $0xFFFF, v2;
	[tilespmem:$0x1E890] =	vst v3  }
0x1da: {  	[tilespmem:$0x1EA10] =	vst v2  }
0x1db: {  	v2 =	vld [tilespmem:s22+$0x139E0];
	_ =	sdelay $0x4  }
0x1dc: {  	v3 =	vshra.s32 v2, $0x10  }
0x1dd: {  	s9 =	simm.s32 $0x3C0;
	v2 =	vand.u32 $0xFFFF, v2;
	[tilespmem:$0x1E8A0] =	vst v3  }
.LBB2_18:
0x1de: {  	[tilespmem:$0x1EA20] =	vst v2;
	s10 =	smov.u32 s9;
	s9 =	sadd.s32 $0x3C0, s9  }
0x1df: {  	p1 =	sne.s32 s9, $0x99C0;
	v2 =	vld [tilespmem:s22+$0x139F0];
	_ =	sdelay $0x4  }
0x1e0: {  	v3 =	vshra.s32 v2, $0x10;
	v2 =	vand.u32 $0xFFFF, v2  }
0x1e1: {  	[tilespmem:$0x1E8B0] =	vst v3  }
0x1e2: {  	[tilespmem:$0x1EA30] =	vst v2  }
0x1e3: {  	v2 =	vld [tilespmem:s22+$0x13A00];
	_ =	sdelay $0x4  }
0x1e4: {  	v3 =	vshra.s32 v2, $0x10;
	v2 =	vand.u32 $0xFFFF, v2  }
0x1e5: {  	[tilespmem:$0x1E8C0] =	vst v3  }
0x1e6: {  	[tilespmem:$0x1EA40] =	vst v2  }
0x1e7: {  	[tilespmem:s28], [sflag:$0x2] =	stream.indirect.gather [hbm4b:s2+s24], $0x80, s26, s24, $0xb8;
	[tilespmem:$0x1EB00] =	vst v63  }
0x1e8: {  	p2 =	seq.s32 s10, $0x0;
	_ =	swait.ge [sflag:s23], $0x2800  }
0x1e9: {  	[sflag:s23] =	ssyncset.done $0x0  }
0x1ea: {  	s11 =	simm.s32 @!p2 $0x6;
	[sflag:s23] =	ssyncadd.s32 $0xFFFFD800  }
0x1eb: {  	[spmem:s3] =	stream.indirect.scatter.add.f32 [tilespmem:s15], [sflag:$0x4], $0x80, s29, s24, $0xb8;
	[tilespmem:$0x1EB00] =	vst v63  }
0x1ec: {  	_ =	swait.ge @!p2 [sflag:s11], $0x2800  }
0x1ed: {  	[sflag:s11] =	ssyncset.done @!p2 $0x0  }
0x1ee: {  	s22 =	sshra.s32 s10, $0x2;
	[sflag:s11] =	ssyncadd.s32 @!p2 $0xFFFFD800  }
0x1ef: {  	v2 =	vld [tilespmem:s22+$0x13920];
	_ =	sdelay $0x4  }
0x1f0: {  	v3 =	vshra.s32 v2, $0x10;
	v2 =	vand.u32 $0xFFFF, v2  }
0x1f1: {  	[tilespmem:$0x1EA80] =	vst v2  }
0x1f2: {  	[tilespmem:$0x1E900] =	vst v3  }
0x1f3: {  	v2 =	vld [tilespmem:s22+$0x13930];
	_ =	sdelay $0x4  }
0x1f4: {  	v3 =	vshra.s32 v2, $0x10;
	v2 =	vand.u32 $0xFFFF, v2  }
0x1f5: {  	[tilespmem:$0x1E910] =	vst v3  }
0x1f6: {  	[tilespmem:$0x1EA90] =	vst v2  }
0x1f7: {  	v2 =	vld [tilespmem:s22+$0x13940];
	_ =	sdelay $0x4  }
0x1f8: {  	v3 =	vshra.s32 v2, $0x10;
	v2 =	vand.u32 $0xFFFF, v2  }
0x1f9: {  	[tilespmem:$0x1E920] =	vst v3  }
0x1fa: {  	[tilespmem:$0x1EAA0] =	vst v2  }
0x1fb: {  	v2 =	vld [tilespmem:s22+$0x13950];
	_ =	sdelay $0x4  }
0x1fc: {  	v3 =	vshra.s32 v2, $0x10;
	v2 =	vand.u32 $0xFFFF, v2  }
0x1fd: {  	[tilespmem:$0x1E930] =	vst v3  }
0x1fe: {  	[tilespmem:$0x1EAB0] =	vst v2  }
0x1ff: {  	v2 =	vld [tilespmem:s22+$0x13960];
	_ =	sdelay $0x4  }
0x200: {  	v3 =	vshra.s32 v2, $0x10;
	v2 =	vand.u32 $0xFFFF, v2  }
0x201: {  	[tilespmem:$0x1E940] =	vst v3  }
0x202: {  	[tilespmem:$0x1EAC0] =	vst v2  }
0x203: {  	[tilespmem:s31], [sflag:$0x3] =	stream.indirect.gather [hbm4b:s2+s24], $0x80, s30, s24, $0xb8;
	[tilespmem:$0x1EB00] =	vst v63  }
0x204: {  	_ =	swait.ge [sflag:s21], $0x2800  }
0x205: {  	[sflag:s21] =	ssyncset.done $0x0  }
0x206: {  	[sflag:s21] =	ssyncadd.s32 $0xFFFFD800  }
0x207: {  	[spmem:s3] =	stream.indirect.scatter.add.f32 [tilespmem:s28], [sflag:$0x5], $0x80, s0, s24, $0xb8;
	[tilespmem:$0x1EB00] =	vst v63  }
0x208: {  	_ =	swait.ge [sflag:s18], $0x2800  }
0x209: {  	[sflag:s18] =	ssyncset.done $0x0  }
0x20a: {  	[sflag:s18] =	ssyncadd.s32 $0xFFFFD800  }
0x20b: {  	v2 =	vld [tilespmem:s22+$0x13970];
	_ =	sdelay $0x4  }
0x20c: {  	v3 =	vshra.s32 v2, $0x10;
	v2 =	vand.u32 $0xFFFF, v2  }
0x20d: {  	[tilespmem:$0x1E800] =	vst v3  }
0x20e: {  	[tilespmem:$0x1E980] =	vst v2  }
0x20f: {  	v2 =	vld [tilespmem:s22+$0x13980];
	_ =	sdelay $0x4  }
0x210: {  	v3 =	vshra.s32 v2, $0x10;
	v2 =	vand.u32 $0xFFFF, v2  }
0x211: {  	[tilespmem:$0x1E810] =	vst v3  }
0x212: {  	[tilespmem:$0x1E990] =	vst v2  }
0x213: {  	v2 =	vld [tilespmem:s22+$0x13990];
	_ =	sdelay $0x4  }
0x214: {  	v3 =	vshra.s32 v2, $0x10;
	v2 =	vand.u32 $0xFFFF, v2  }
0x215: {  	[tilespmem:$0x1E820] =	vst v3  }
0x216: {  	[tilespmem:$0x1E9A0] =	vst v2  }
0x217: {  	v2 =	vld [tilespmem:s22+$0x139A0];
	_ =	sdelay $0x4  }
0x218: {  	v3 =	vshra.s32 v2, $0x10;
	v2 =	vand.u32 $0xFFFF, v2  }
0x219: {  	[tilespmem:$0x1E830] =	vst v3  }
0x21a: {  	[tilespmem:$0x1E9B0] =	vst v2  }
0x21b: {  	v2 =	vld [tilespmem:s22+$0x139B0];
	_ =	sdelay $0x4  }
0x21c: {  	v3 =	vshra.s32 v2, $0x10;
	v2 =	vand.u32 $0xFFFF, v2  }
0x21d: {  	[tilespmem:$0x1E840] =	vst v3  }
0x21e: {  	[tilespmem:$0x1E9C0] =	vst v2  }
0x21f: {  	[tilespmem:s15], [sflag:$0x1] =	stream.indirect.gather [hbm4b:s2+s24], $0x80, s25, s24, $0xb8;
	[tilespmem:$0x1EB00] =	vst v63  }
0x220: {  	_ =	swait.ge [sflag:s1], $0x2800  }
0x221: {  	[sflag:s1] =	ssyncset.done $0x0  }
0x222: {  	[sflag:s1] =	ssyncadd.s32 $0xFFFFD800  }
0x223: {  	[spmem:s3] =	stream.indirect.scatter.add.f32 [tilespmem:s31], [sflag:$0x6], $0x80, s6, s24, $0xb8;
	[tilespmem:$0x1EB00] =	vst v63  }
0x224: {  	_ =	swait.ge [sflag:s7], $0x2800  }
0x225: {  	[sflag:s7] =	ssyncset.done $0x0  }
0x226: {  	[sflag:s7] =	ssyncadd.s32 $0xFFFFD800  }
0x227: {  	v2 =	vld [tilespmem:s22+$0x139C0];
	_ =	sdelay $0x4  }
0x228: {  	v3 =	vshra.s32 v2, $0x10;
	v2 =	vand.u32 $0xFFFF, v2  }
0x229: {  	[tilespmem:$0x1E880] =	vst v3  }
0x22a: {  	[tilespmem:$0x1EA00] =	vst v2  }
0x22b: {  	v2 =	vld [tilespmem:s22+$0x139D0];
	_ =	sdelay $0x4  }
0x22c: {  	v3 =	vshra.s32 v2, $0x10;
	v2 =	vand.u32 $0xFFFF, v2  }
0x22d: {  	[tilespmem:$0x1E890] =	vst v3  }
0x22e: {  	[tilespmem:$0x1EA10] =	vst v2  }
0x22f: {  	v2 =	vld [tilespmem:s22+$0x139E0];
	_ =	sdelay $0x1  }
.Ltmp10:
0x230: {  	(pc) =	sbr.rel @p1 .LBB2_18-.Ltmp10, $3  }
0x231: {  	_ =	sdelay $0x1  }
0x232: {  	v3 =	vshra.s32 v2, $0x10;
	v2 =	vand.u32 $0xFFFF, v2  }
0x233: {  	[tilespmem:$0x1E8A0] =	vst v3  }
0x234: {  	[tilespmem:$0x1EA20] =	vst v2  }
0x235: {  	v2 =	vld [tilespmem:s22+$0x139F0];
	_ =	sdelay $0x4  }
0x236: {  	v3 =	vshra.s32 v2, $0x10  }
0x237: {  	v2 =	vand.u32 $0xFFFF, v2;
	[tilespmem:$0x1E8B0] =	vst v3  }
0x238: {  	[tilespmem:$0x1EA30] =	vst v2  }
0x239: {  	v2 =	vld [tilespmem:s22+$0x13A00];
	_ =	sdelay $0x4  }
0x23a: {  	v3 =	vshra.s32 v2, $0x10  }
0x23b: {  	v2 =	vand.u32 $0xFFFF, v2;
	[tilespmem:$0x1E8C0] =	vst v3  }
0x23c: {  	[tilespmem:$0x1EA40] =	vst v2  }
0x23d: {  	[tilespmem:s28], [sflag:$0x2] =	stream.indirect.gather [hbm4b:s2+s24], $0x80, s26, s24, $0xb8;
	[tilespmem:$0x1EB00] =	vst v63  }
0x23e: {  	_ =	swait.ge [sflag:s23], $0x2800  }
0x23f: {  	[sflag:s23] =	ssyncset.done $0x0  }
0x240: {  	[sflag:s23] =	ssyncadd.s32 $0xFFFFD800  }
0x241: {  	[spmem:s3] =	stream.indirect.scatter.add.f32 [tilespmem:s15], [sflag:$0x4], $0x80, s29, s24, $0xb8;
	[tilespmem:$0x1EB00] =	vst v63  }
0x242: {  	_ =	swait.ge [sflag:s8], $0x2800  }
0x243: {  	[sflag:s8] =	ssyncset.done $0x0  }
0x244: {  	[sflag:s8] =	ssyncadd.s32 $0xFFFFD800  }
0x245: {  	_ =	swait.ge [sflag:s21], $0x2800  }
0x246: {  	[sflag:s21] =	ssyncset.done $0x0  }
0x247: {  	[sflag:s21] =	ssyncadd.s32 $0xFFFFD800  }
0x248: {  	[spmem:s3] =	stream.indirect.scatter.add.f32 [tilespmem:s28], [sflag:$0x5], $0x80, s0, s24, $0xb8;
	[tilespmem:$0x1EB00] =	vst v63  }
0x249: {  	_ =	swait.ge [sflag:s18], $0x2800  }
0x24a: {  	[sflag:s18] =	ssyncset.done $0x0  }
0x24b: {  	[sflag:s18] =	ssyncadd.s32 $0xFFFFD800  }
0x24c: {  	_ =	swait.ge [sflag:s7], $0x2800  }
.Ltmp11:
0x24d: {  	s9 =	stileid.u32;
	[sflag:s7] =	ssyncset.done $0x0;
	(pc) =	sbr.rel @!p0 .LBB2_21-.Ltmp11, $4  }
0x24e: {  	s9 =	sshll.u32 s9, $0x6;
	[sflag:s7] =	ssyncadd.s32 $0xFFFFD800  }
0x24f: {  	s10 =	sshrl.u32 s13, $0x3;
	s9 =	sor.u32 $0x1C01, s9;
	[bflag:$0x0] =	sbarrier.arrive $0xFFFF  }
0x250: {  	[hbm:s14], [sflag:s9] =	dma.local [spmem:s10], $0x500  }
0x251: {  	s11 =	sadd.s32 $0x28000, s13;
	s12 =	smov.u32 s14;
	s10 =	sadd.s32 $0xFFFFFFFF, s5  }
.LBB2_20:
0x252: {  	p1 =	sne.s32 s10, $0x1;
	s10 =	sadd.s32 $0xFFFFFFFF, s10  }
.Ltmp12:
0x253: {  	s19 =	sshrl.u32 s11, $0x3;
	s12 =	sadd.s32 $0x5000, s12;
	(pc) =	sbr.rel @p1 .LBB2_20-.Ltmp12, $3  }
0x254: {  	[hbm:s12], [sflag:s9] =	dma.local [spmem:s19], $0x500  }
0x255: {  	_ =	sdelay $0x1  }
0x256: {  	s11 =	sadd.s32 $0x28000, s11  }
.LBB2_21:
.Ltmp13:
0x257: {  	(pc) =	sbr.rel @!p0 .LBB2_23-.Ltmp13, $3  }
0x258: {  	_ =	sdelay $0x1  }
0x259: {  	_ =	swait.ge [sflag:s23], $0x500  }
0x25a: {  	s9 =	sadd.s32 $0xFFFFFFFF, s5;
	[sflag:s23] =	ssyncset.done $0x0  }
.LBB2_22:
0x25b: {  	p0 =	sne.s32 s9, $0x1;
	s9 =	sadd.s32 $0xFFFFFFFF, s9;
	[sflag:s23] =	ssyncadd.s32 $0xFFFFFB00  }
.Ltmp14:
0x25c: {  	(pc) =	sbr.rel @p0 .LBB2_22-.Ltmp14, $3  }
0x25d: {  	_ =	sdelay $0x1  }
0x25e: {  	_ =	swait.ge [sflag:s23], $0x500  }
0x25f: {  	[sflag:s23] =	ssyncset.done $0x0  }
.LBB2_23:
0x260: {  	s4 =	sadd.s32 $0x1, s4;
	s9 =	rddreg [dreg:$0xa]  }
0x261: {  	p0 =	sne.s32 s4, s9  }
.Ltmp15:
0x262: {  	_ = 	snop;
	(pc) =	sbr.rel @p0 .LBB2_1-.Ltmp15, $2  }
0x263: {  	_ =	sdelay $0x2  }
0x264: {  	[sflag:s23] =	ssyncadd.s32 $0xFFFFFB00  }
0x265: {  	_ =	sfence.sel $0x180000  }
0x266: {  	[bflag:$0x0] =	sbarrier.arrive $0xFFFF  }
0x267: {  	_ =	strace $0x90000047  }
0x268: {  	s0 =	stileid.u32;
	[bflag:$0x2] =	sbarrier.arrive $0xFFFF  }
0x269: {  	p0 =	sne.s32 s0, $0x0;
	s0 =	rddreg [dreg:$0x3]  }
0x26a: {  	s0 =	sadd.s32 @!p0 $0x100000, s0  }
0x26b: {  	[sflag:s0] =	ssyncadd.tile.s32 @!p0 $0x1;
	_ =	shalt  }
.Lfunc_end2:
_tile_overlayer_lowered:
.L_overlay_start_2:
0x26c: {  	(tag) =	ssettag $0x2  }
0x26d: {  	s0 =	rddreg [dreg:$0x0];
	s2 =	stileid.u32  }
0x26e: {  	s1 =	rddreg [dreg:$0x1];
	p0 =	sne.s32 s2, $0x0  }
0x26f: {  	s3 =	rddreg [dreg:$0x2];
	[bflag:$0x3] =	sbarrier.arrive $0xFFFF;
	s2 =	simm.s32 @!p0 $0x1C07  }
0x270: {  	[timem:s3], [sflag:s2] =	dma.local @!p0 [hbm:s0], s1  }
0x271: {  	s0 =	simm.s32 @!p0 $0x7  }
0x272: {  	_ =	swait.ge @!p0 [sflag:s0], s1  }
0x273: {  	s1 =	ssub.s32 @!p0 $0x0, s1;
	[sflag:s0] =	ssyncset.done @!p0 $0x0  }
0x274: {  	[sflag:s0] =	ssyncadd.s32 @!p0 s1  }
0x275: {  	[bflag:$0x3] =	sbarrier.arrive $0xFFFF  }
0x276: {  	_ =	shalt  }

</sc_bundles>
